<compile_context>
chip_gen: v7x
topology: tpu7x:2x2x1
jax: 0.10.2.dev20260603
libtpu: 0.0.44.dev20260713+nightly
codegen_flags: <defaults>
</compile_context>

<pallas_src>
import functools

import jax
import jax.numpy as jnp
from jax import lax
from jax.experimental import pallas as pl
from jax.experimental.pallas import tpu as pltpu
from jax.experimental.pallas import tpu_sc as plsc



def _fps_body(x_ref, y_ref, z_ref, o_ref, *, m, n):
    x = x_ref[0]
    y = y_ref[0]
    z = z_ref[0]
    iota = jax.lax.broadcasted_iota(jnp.int32, (1, n), 1)
    miota = jax.lax.broadcasted_iota(jnp.int32, (1, m), 1)

    def step(i, carry):
        dist, far, idxs = carry
        idxs = jnp.where(miota == i, far, idxs)
        oh = iota == far
        cx = jnp.sum(jnp.where(oh, x, 0.0))
        cy = jnp.sum(jnp.where(oh, y, 0.0))
        cz = jnp.sum(jnp.where(oh, z, 0.0))
        d = (x - cx) ** 2 + (y - cy) ** 2 + (z - cz) ** 2
        dist = jnp.minimum(dist, d)
        mx = jnp.max(dist)
        far = jnp.min(jnp.where(dist == mx, iota, n))
        return dist, far, idxs

    dist0 = jnp.full((1, n), 1e10, jnp.float32)
    idxs0 = jnp.zeros((1, m), jnp.int32)
    _, _, idxs = jax.lax.fori_loop(
        0, m, step, (dist0, jnp.array(0, jnp.int32), idxs0))
    o_ref[0] = idxs


def _fps(xyz, m):
    bn, _, n = xyz.shape
    xs = xyz[:, 0:1, :]
    ys = xyz[:, 1:2, :]
    zs = xyz[:, 2:3, :]
    out = pl.pallas_call(
        functools.partial(_fps_body, m=m, n=n),
        grid=(bn,),
        in_specs=[pl.BlockSpec((1, 1, n), lambda b: (b, 0, 0))] * 3,
        out_specs=pl.BlockSpec((1, 1, m), lambda b: (b, 0, 0)),
        out_shape=jax.ShapeDtypeStruct((bn, 1, m), jnp.int32),
        compiler_params=pltpu.CompilerParams(
            dimension_semantics=("parallel",)),
    )(xs, ys, zs)
    return out[:, 0, :]



def _mlp_body(*refs, nl, pool):
    x_ref = refs[0]
    o_ref = refs[1 + 3 * nl]
    x = x_ref[0]
    for li in range(nl):
        wt = refs[1 + 3 * li][...]
        s = refs[2 + 3 * li][...]
        b = refs[3 + 3 * li][...]
        x = jnp.dot(x, wt, preferred_element_type=jnp.float32)
        x = jnp.maximum(x * s + b, 0.0)
    if pool is None:
        o_ref[0] = x
    elif pool == "all":
        o_ref[0] = jnp.max(x, axis=0, keepdims=True)
    else:
        k, m = pool
        acc = x[0:m]
        for j in range(1, k):
            acc = jnp.maximum(acc, x[j * m:(j + 1) * m])
        o_ref[0] = acc


def _run_mlp(x, layers, pool=None):
    bn, p, _ = x.shape
    cout = layers[-1][0].shape[1]
    if pool is None:
        rows = p
    elif pool == "all":
        rows = 1
    else:
        rows = pool[1]
    args = [x]
    specs = [pl.BlockSpec((1, p, x.shape[2]), lambda b: (b, 0, 0))]
    for (wt, s, bb) in layers:
        for a in (wt, s, bb):
            args.append(a)
            specs.append(pl.BlockSpec(a.shape, lambda b: (0, 0)))
    out = pl.pallas_call(
        functools.partial(_mlp_body, nl=len(layers), pool=pool),
        grid=(bn,),
        in_specs=specs,
        out_specs=pl.BlockSpec((1, rows, cout), lambda b: (b, 0, 0)),
        out_shape=jax.ShapeDtypeStruct((bn, rows, cout), jnp.float32),
        compiler_params=pltpu.CompilerParams(
            dimension_semantics=("parallel",)),
    )(*args)
    return out


def _prep(layers):
    out = []
    for (w, g, b) in layers:
        s = (g / jnp.sqrt(1.0 + 1e-5)).reshape(1, -1)
        out.append((w.T, s, b.reshape(1, -1)))
    return out



def _bq_sc_body(x_hbm, y_hbm, z_hbm, cx_hbm, cy_hbm, cz_hbm, out_hbm,
                xv, yv, zv, cxv, cyv, czv, buf, *, n, mloc, k, r2):
    wid = lax.axis_index("s") * 2 + lax.axis_index("c")
    b = wid // 2
    h = wid % 2
    pltpu.sync_copy(x_hbm.at[b], xv)
    pltpu.sync_copy(y_hbm.at[b], yv)
    pltpu.sync_copy(z_hbm.at[b], zv)
    pltpu.sync_copy(cx_hbm.at[b, pl.ds(h * mloc, mloc)], cxv)
    pltpu.sync_copy(cy_hbm.at[b, pl.ds(h * mloc, mloc)], cyv)
    pltpu.sync_copy(cz_hbm.at[b, pl.ds(h * mloc, mloc)], czv)
    lane = lax.iota(jnp.int32, 16)
    nchunk = n // 16

    def per_chunk(t, carry):
        cvx = cxv[pl.ds(t * 16, 16)]
        cvy = cyv[pl.ds(t * 16, 16)]
        cvz = czv[pl.ds(t * 16, 16)]
        for ci in range(16):
            c = t * 16 + ci
            ccx = cvx[ci]
            ccy = cvy[ci]
            ccz = cvz[ci]
            row = jnp.full((16,), c, jnp.int32)

            def cond(st):
                j, cnt = st
                return (j < nchunk) & (cnt < k)

            def body(st):
                j, cnt = st
                sl = pl.ds(j * 16, 16)
                dx = xv[sl] - ccx
                dy = yv[sl] - ccy
                dz = zv[sl] - ccz
                d2 = dx * dx + dy * dy + dz * dz
                msk = d2 < r2
                pc = plsc.cumsum(msk.astype(jnp.int32))
                pos = cnt + pc - 1
                ok = msk & (pos < k)
                plsc.store_scatter(buf, [row, pos], lane + j * 16, mask=ok)
                return j + 1, cnt + jnp.max(pc)

            _, cnt = lax.while_loop(
                cond, body, (jnp.int32(0), jnp.int32(0)))
            first = jnp.where(cnt > 0, buf[c, pl.ds(0, 16)][0], 0)
            for t2 in range(k // 16):
                sl = pl.ds(t2 * 16, 16)
                v = buf[c, sl]
                gi = lane + t2 * 16
                buf[c, sl] = jnp.where(gi < cnt, v, first)
        return carry

    lax.fori_loop(0, mloc // 16, per_chunk, 0)
    pltpu.sync_copy(buf, out_hbm.at[b, pl.ds(h * mloc, mloc)])


def _bq_sc(xyz, new_xyz, radius, k):
    bn, _, n = xyz.shape
    mtot = new_xyz.shape[2]
    mloc = mtot // 2
    import functools as _ft
    mesh = plsc.VectorSubcoreMesh(core_axis_name="c", subcore_axis_name="s")
    kfn = _ft.partial(
        pl.kernel,
        mesh=mesh,
        out_type=jax.ShapeDtypeStruct((bn, mtot, k), jnp.int32),
        scratch_types=[
            pltpu.VMEM((n,), jnp.float32),
            pltpu.VMEM((n,), jnp.float32),
            pltpu.VMEM((n,), jnp.float32),
            pltpu.VMEM((mloc,), jnp.float32),
            pltpu.VMEM((mloc,), jnp.float32),
            pltpu.VMEM((mloc,), jnp.float32),
            pltpu.VMEM((mloc, k), jnp.int32),
        ],
    )(_ft.partial(_bq_sc_body, n=n, mloc=mloc, k=k,
                  r2=float(radius * radius)))
    return kfn(xyz[:, 0, :], xyz[:, 1, :], xyz[:, 2, :],
               new_xyz[:, 0, :], new_xyz[:, 1, :], new_xyz[:, 2, :])



def _interp_body(st_ref, dt_ref, sf_ref, o_ref, *, ns, nd):
    st = st_ref[0]
    dt = dt_ref[0]
    sf = sf_ref[0]
    d2 = jnp.zeros((ns, nd), jnp.float32)
    for a in range(3):
        diff = dt[a:a + 1, :] - st[a:a + 1, :].T
        d2 = d2 + diff * diff
    riota = jax.lax.broadcasted_iota(jnp.int32, (ns, nd), 0)
    wmat = jnp.zeros((ns, nd), jnp.float32)
    invs = []
    sel = []
    for _ in range(3):
        m1 = jnp.min(d2, axis=0, keepdims=True)
        i1 = jnp.min(jnp.where(d2 == m1, riota, ns), axis=0,
                     keepdims=True)
        oh = riota == i1
        invs.append(1.0 / jnp.maximum(m1, 1e-10))
        sel.append(oh)
        d2 = jnp.where(oh, jnp.inf, d2)
    tot = invs[0] + invs[1] + invs[2]
    for oh, inv in zip(sel, invs):
        wmat = wmat + jnp.where(oh, inv / tot, 0.0)
    o_ref[0] = jnp.dot(sf, wmat, preferred_element_type=jnp.float32)


def _interp_tc(dense_xyz, sparse_xyz, sparse_feature):
    bn, _, nd = dense_xyz.shape
    ns = sparse_xyz.shape[2]
    c = sparse_feature.shape[1]
    return pl.pallas_call(
        functools.partial(_interp_body, ns=ns, nd=nd),
        grid=(bn,),
        in_specs=[
            pl.BlockSpec((1, 3, ns), lambda b: (b, 0, 0)),
            pl.BlockSpec((1, 3, nd), lambda b: (b, 0, 0)),
            pl.BlockSpec((1, c, ns), lambda b: (b, 0, 0)),
        ],
        out_specs=pl.BlockSpec((1, c, nd), lambda b: (b, 0, 0)),
        out_shape=jax.ShapeDtypeStruct((bn, c, nd), jnp.float32),
        compiler_params=pltpu.CompilerParams(
            dimension_semantics=("arbitrary",)),
    )(sparse_xyz, dense_xyz, sparse_feature)



def _g(feat, idx):
    bn, c = feat.shape[0], feat.shape[1]
    flat = idx.reshape(bn, 1, -1)
    g = jnp.take_along_axis(
        feat, jnp.broadcast_to(flat, (bn, c, flat.shape[2])), axis=2)
    return g.reshape((bn, c) + idx.shape[1:])


def _bq(xyz_t, new_xyz_t, radius, k):
    bn, n, _ = xyz_t.shape
    d2 = jnp.sum((new_xyz_t[:, :, None, :] - xyz_t[:, None, :, :]) ** 2,
                 axis=-1)
    mask = d2 < radius * radius
    ar = jnp.arange(n, dtype=jnp.int32)
    cand = jnp.where(mask, ar[None, None, :], n)
    neg, _ = jax.lax.top_k(-cand, k)
    cand = -neg
    first = cand[:, :, :1]
    first = jnp.where(first >= n, 0, first)
    return jnp.where(cand >= n, first, cand)


def _interp(dense_xyz, sparse_xyz, sparse_feature, k):
    dt = dense_xyz.transpose(0, 2, 1)
    st = sparse_xyz.transpose(0, 2, 1)
    d2 = jnp.sum((dt[:, :, None, :] - st[:, None, :, :]) ** 2, axis=-1)
    negv, idx = jax.lax.top_k(-d2, k)
    dist = jnp.maximum(-negv, 1e-10)
    inv = 1.0 / dist
    w = inv / jnp.sum(inv, axis=-1, keepdims=True)
    g = _g(sparse_feature, idx.astype(jnp.int32))
    return jnp.sum(g * w[:, None, :, :], axis=-1)


def _group_flat(g):
    return g.transpose(0, 3, 2, 1).reshape(g.shape[0], -1, g.shape[1])



def kernel(points, params):
    sa = [_prep(l) for l in params["sa"]]
    fp = [_prep(l) for l in params["fp"]]
    seg = _prep(params["seg"])

    xyz0 = points[:, 0:3, :]
    feat0 = points[:, 3:, :]
    bn = points.shape[0]

    cid1 = _fps(xyz0, 128)
    xyz1 = _g(xyz0, cid1)
    idx1 = _bq(xyz0.transpose(0, 2, 1), xyz1.transpose(0, 2, 1), 0.2, 64)
    g1 = jnp.concatenate(
        [_g(xyz0, idx1) - xyz1[:, :, :, None], _g(feat0, idx1)], axis=1)
    f1 = _run_mlp(_group_flat(g1), sa[0], pool=(64, 128))
    feat1 = f1.transpose(0, 2, 1)

    cid2 = _fps(xyz1, 32)
    xyz2 = _g(xyz1, cid2)
    idx2 = _bq(xyz1.transpose(0, 2, 1), xyz2.transpose(0, 2, 1), 0.4, 64)
    g2 = jnp.concatenate(
        [_g(xyz1, idx2) - xyz2[:, :, :, None], _g(feat1, idx2)], axis=1)
    f2 = _run_mlp(_group_flat(g2), sa[1], pool=(64, 32))
    feat2 = f2.transpose(0, 2, 1)

    g3 = jnp.concatenate([xyz2[:, :, None, :], feat2[:, :, None, :]], axis=1)
    x3 = g3[:, :, 0, :].transpose(0, 2, 1)
    f3 = _run_mlp(x3, sa[2], pool="all")
    feat3 = f3.transpose(0, 2, 1)

    exp = jnp.broadcast_to(feat3, (bn, 256, 32))
    nf = jnp.concatenate([exp, feat2], axis=1)
    o1 = _run_mlp(nf.transpose(0, 2, 1), fp[0])
    sfeat = o1.transpose(0, 2, 1)

    it = _interp_tc(xyz1, xyz2, sfeat)
    nf = jnp.concatenate([it, feat1], axis=1)
    o2 = _run_mlp(nf.transpose(0, 2, 1), fp[1])
    sfeat = o2.transpose(0, 2, 1)

    it = _interp_tc(xyz0, xyz1, sfeat)
    nf = jnp.concatenate([it, points], axis=1)
    o3 = _run_mlp(nf.transpose(0, 2, 1), fp[2] + seg)
    return o3.transpose(0, 2, 1)

# --- scband reference (transcript-rebuilt; emitter-appended) ---
"""Pipeline reference for scband-point-net2-ssg-53102975648399 (READ-ONLY COPY).

The authoritative reference and input builder live on the scoring server;
editing this copy changes nothing except your own understanding.
"""

import jax, jax.numpy as jnp
import numpy as np

B, C_IN, N_PTS = 16, 6, 8192
SA_CFG = [(128, 0.2, 64), (32, 0.4, 64), (0, -1.0, -1)]
FP_NN = [0, 3, 3]
SA_IN = [6, 35, 67]
SA_CHS = [[16, 16, 32], [32, 32, 64], [128, 128, 256]]
FP_IN = [320, 96, 38]
FP_CHS = [[64, 64], [64, 32], [32, 32, 32]]


def _make_mlp(key, cin, chs):
    layers = []
    for cout in chs:
        key, k1 = jax.random.split(key)
        a = float(np.sqrt(6.0 / (cin + cout)))
        W = jax.random.uniform(k1, (cout, cin), minval=-a, maxval=a, dtype=jnp.float32)
        layers.append((W, jnp.ones((cout,), jnp.float32), jnp.zeros((cout,), jnp.float32)))
        cin = cout
    return key, layers


def setup_inputs(seed: int = 0):
    key = jax.random.key(seed)
    key, kp = jax.random.split(key)
    points = jax.random.uniform(kp, (B, C_IN, N_PTS), dtype=jnp.float32)
    sa = []
    for ci, chs in zip(SA_IN, SA_CHS):
        key, l = _make_mlp(key, ci, chs)
        sa.append(l)
    fp = []
    for ci, chs in zip(FP_IN, FP_CHS):
        key, l = _make_mlp(key, ci, chs)
        fp.append(l)
    key, seg = _make_mlp(key, 32, [32])
    return {"points": points, "params": {"sa": sa, "fp": fp, "seg": seg}}


def _apply_mlp(layers, x):
    # Conv(1x1, no bias) + BN(eval mode: running_mean=0, running_var=1) + ReLU per layer.
    for (W, g, b) in layers:
        x = jnp.einsum('oi,bi...->bo...', W, x)
        sh = (1, -1) + (1,) * (x.ndim - 2)
        scale = (g / jnp.sqrt(1.0 + 1e-5)).reshape(sh)
        x = x * scale + b.reshape(sh)
        x = jax.nn.relu(x)
    return x


def _fps(xyz_t, m):
    # farthest point sampling; xyz_t: [B, N, 3]; starts from index 0 (CUDA convention)
    Bn, N, _ = xyz_t.shape
    dist = jnp.full((Bn, N), 1e10, dtype=xyz_t.dtype)
    farthest = jnp.zeros((Bn,), dtype=jnp.int32)
    idx_list = []
    for _ in range(m):
        idx_list.append(farthest)
        centroid = jnp.take_along_axis(xyz_t, farthest[:, None, None], axis=1)
        d = jnp.sum((xyz_t - centroid) ** 2, axis=-1)
        dist = jnp.minimum(dist, d)
        farthest = jnp.argmax(dist, axis=-1).astype(jnp.int32)
    return jnp.stack(idx_list, axis=1)


def _gather(feat, idx):
    # feat [B, C, N], idx [B, ...] int -> [B, C, *idx.shape[1:]]
    Bn, C = feat.shape[0], feat.shape[1]
    flat = idx.reshape(Bn, 1, -1)
    g = jnp.take_along_axis(feat, jnp.broadcast_to(flat, (Bn, C, flat.shape[2])), axis=2)
    return g.reshape((Bn, C) + idx.shape[1:])


def _ball_query(xyz_t, new_xyz_t, radius, k):
    # CUDA-style: first k indices within radius, padded with first valid (0 if none)
    Bn, N, _ = xyz_t.shape
    d2 = jnp.sum((new_xyz_t[:, :, None, :] - xyz_t[:, None, :, :]) ** 2, axis=-1)
    mask = d2 < radius * radius
    ar = jnp.arange(N, dtype=jnp.int32)
    cand = jnp.where(mask, ar[None, None, :], N)
    cand = jnp.sort(cand, axis=-1)[:, :, :k]
    first = cand[:, :, :1]
    first = jnp.where(first >= N, 0, first)
    return jnp.where(cand >= N, first, cand)


def _three_nn_interp(dense_xyz, sparse_xyz, sparse_feature, k):
    dt = dense_xyz.transpose(0, 2, 1)
    st = sparse_xyz.transpose(0, 2, 1)
    d2 = jnp.sum((dt[:, :, None, :] - st[:, None, :, :]) ** 2, axis=-1)
    negv, idx = jax.lax.top_k(-d2, k)
    dist = jnp.maximum(-negv, 1e-10)
    inv = 1.0 / dist
    w = inv / jnp.sum(inv, axis=-1, keepdims=True)
    g = _gather(sparse_feature, idx.astype(jnp.int32))
    return jnp.sum(g * w[:, None, :, :], axis=-1)


def _forward(points, params):
    xyz = points[:, 0:3, :]
    feature = points[:, 3:, :]
    inter_xyz = [xyz]
    inter_feature = [points]  # use_xyz=True
    for i, (m, radius, k) in enumerate(SA_CFG):
        layers = params["sa"][i]
        if m == 0:
            new_xyz = jnp.zeros((xyz.shape[0], 3, 1), dtype=xyz.dtype)
            gf = feature[:, :, None, :]
            gf = jnp.concatenate([xyz[:, :, None, :], gf], axis=1)
        else:
            xyz_t = xyz.transpose(0, 2, 1)
            cid = _fps(xyz_t, m)
            new_xyz = _gather(xyz, cid)
            idx = _ball_query(xyz_t, new_xyz.transpose(0, 2, 1), radius, k)
            gxyz = _gather(xyz, idx) - new_xyz[:, :, :, None]
            gf = _gather(feature, idx)
            gf = jnp.concatenate([gxyz, gf], axis=1)
        nf = _apply_mlp(layers, gf)
        nf = jnp.max(nf, axis=3)
        xyz, feature = new_xyz, nf
        inter_xyz.append(xyz)
        inter_feature.append(feature)
    sparse_xyz, sparse_feature = xyz, feature
    for fi in range(3):
        dense_xyz = inter_xyz[-2 - fi]
        dense_feature = inter_feature[-2 - fi]
        nn = FP_NN[fi]
        if nn == 0:
            exp = jnp.broadcast_to(sparse_feature, sparse_feature.shape[:2] + (dense_xyz.shape[2],))
            new_feature = jnp.concatenate([exp, dense_feature], axis=1)
        else:
            interp = _three_nn_interp(dense_xyz, sparse_xyz, sparse_feature, nn)
            new_feature = jnp.concatenate([interp, dense_feature], axis=1)
        new_feature = _apply_mlp(params["fp"][fi], new_feature)
        sparse_xyz, sparse_feature = dense_xyz, new_feature
    # mlp_seg (dropout is identity in eval mode); torch returns {'feature': x}
    return _apply_mlp(params["seg"], sparse_feature)


def reference(points, params):
    return _forward(points, params)

if __name__ == "__main__":
    import jax
    _d = setup_inputs()
    print(jax.jit(kernel)(*tuple(_d.values())))

</pallas_src>

<mosaic_0001>
module attributes {stable_mosaic.version = 14 : i64} {
  func.func @_mlp_body(%arg0: i32, %arg1: memref<1x8192x6xf32, #tpu.memory_space<vmem>>, %arg2: memref<6x16xf32, #tpu.memory_space<vmem>>, %arg3: memref<1x16xf32, #tpu.memory_space<vmem>>, %arg4: memref<1x16xf32, #tpu.memory_space<vmem>>, %arg5: memref<16x16xf32, #tpu.memory_space<vmem>>, %arg6: memref<1x16xf32, #tpu.memory_space<vmem>>, %arg7: memref<1x16xf32, #tpu.memory_space<vmem>>, %arg8: memref<16x32xf32, #tpu.memory_space<vmem>>, %arg9: memref<1x32xf32, #tpu.memory_space<vmem>>, %arg10: memref<1x32xf32, #tpu.memory_space<vmem>>, %arg11: memref<1x128x32xf32, #tpu.memory_space<vmem>>) attributes {dimension_semantics = [#tpu.dimension_semantics<parallel>], iteration_bounds = array<i64: 16>, scalar_prefetch = 0 : i64, scratch_operands = 0 : i64, tpu.core_type = #tpu.core_type<tc>, window_params = [{transform_indices = @transform_0, window_bounds = array<i64: 1, 8192, 6>}, {pipeline_mode = #tpu.pipeline_mode<synchronous>, transform_indices = @transform_1, window_bounds = array<i64: 6, 16>}, {pipeline_mode = #tpu.pipeline_mode<synchronous>, transform_indices = @transform_2, window_bounds = array<i64: 1, 16>}, {pipeline_mode = #tpu.pipeline_mode<synchronous>, transform_indices = @transform_3, window_bounds = array<i64: 1, 16>}, {pipeline_mode = #tpu.pipeline_mode<synchronous>, transform_indices = @transform_4, window_bounds = array<i64: 16, 16>}, {pipeline_mode = #tpu.pipeline_mode<synchronous>, transform_indices = @transform_5, window_bounds = array<i64: 1, 16>}, {pipeline_mode = #tpu.pipeline_mode<synchronous>, transform_indices = @transform_6, window_bounds = array<i64: 1, 16>}, {pipeline_mode = #tpu.pipeline_mode<synchronous>, transform_indices = @transform_7, window_bounds = array<i64: 16, 32>}, {pipeline_mode = #tpu.pipeline_mode<synchronous>, transform_indices = @transform_8, window_bounds = array<i64: 1, 32>}, {pipeline_mode = #tpu.pipeline_mode<synchronous>, transform_indices = @transform_9, window_bounds = array<i64: 1, 32>}, {transform_indices = @transform_10, window_bounds = array<i64: 1, 128, 32>}]} {
    %get3A = arith.constant 0 : index
    %get3A_0 = arith.constant 0 : index
    %get3A_1 = arith.constant 0 : index
    %get3A_2 = vector.load %arg1[%get3A, %get3A_0, %get3A_1] : memref<1x8192x6xf32, #tpu.memory_space<vmem>>, vector<1x8192x6xf32>
    %get3A_3 = vector.shape_cast %get3A_2 : vector<1x8192x6xf32> to vector<8192x6xf32>
    %get3A_4 = arith.constant 0 : index
    %get3A_5 = arith.constant 0 : index
    %get3A_6 = vector.load %arg2[%get3A_4, %get3A_5] : memref<6x16xf32, #tpu.memory_space<vmem>>, vector<6x16xf32>
    %get3A_7 = arith.constant 0 : index
    %get3A_8 = arith.constant 0 : index
    %get3A_9 = vector.load %arg3[%get3A_7, %get3A_8] : memref<1x16xf32, #tpu.memory_space<vmem>>, vector<1x16xf32>
    %get3A_10 = arith.constant 0 : index
    %get3A_11 = arith.constant 0 : index
    %get3A_12 = vector.load %arg4[%get3A_10, %get3A_11] : memref<1x16xf32, #tpu.memory_space<vmem>>, vector<1x16xf32>
    %dot_general3A = arith.constant dense<0.000000e+00> : vector<8192x16xf32>
    %dot_general3A_13 = tpu.matmul %get3A_3, %get3A_6, %dot_general3A {dimension_numbers = #tpu.dot_dimension_numbers<[1], [0], [0], [1], [0, 0, 1, 1], [], []>, transpose_lhs_hint = false} : vector<8192x6xf32>, vector<6x16xf32>, vector<8192x16xf32> -> vector<8192x16xf32>
    %mul3A = vector.broadcast %get3A_9 : vector<1x16xf32> to vector<8192x16xf32>
    %mul3A_14 = arith.mulf %dot_general3A_13, %mul3A : vector<8192x16xf32>
    %add3A = vector.broadcast %get3A_12 : vector<1x16xf32> to vector<8192x16xf32>
    %add3A_15 = arith.addf %mul3A_14, %add3A : vector<8192x16xf32>
    %max3A = arith.constant 0.000000e+00 : f32
    %max3A_16 = vector.broadcast %max3A : f32 to vector<8192x16xf32>
    %max3A_17 = arith.maximumf %add3A_15, %max3A_16 : vector<8192x16xf32>
    %get3A_18 = arith.constant 0 : index
    %get3A_19 = arith.constant 0 : index
    %get3A_20 = vector.load %arg5[%get3A_18, %get3A_19] : memref<16x16xf32, #tpu.memory_space<vmem>>, vector<16x16xf32>
    %get3A_21 = arith.constant 0 : index
    %get3A_22 = arith.constant 0 : index
    %get3A_23 = vector.load %arg6[%get3A_21, %get3A_22] : memref<1x16xf32, #tpu.memory_space<vmem>>, vector<1x16xf32>
    %get3A_24 = arith.constant 0 : index
    %get3A_25 = arith.constant 0 : index
    %get3A_26 = vector.load %arg7[%get3A_24, %get3A_25] : memref<1x16xf32, #tpu.memory_space<vmem>>, vector<1x16xf32>
    %dot_general3A_27 = arith.constant dense<0.000000e+00> : vector<8192x16xf32>
    %dot_general3A_28 = tpu.matmul %max3A_17, %get3A_20, %dot_general3A_27 {dimension_numbers = #tpu.dot_dimension_numbers<[1], [0], [0], [1], [0, 0, 1, 1], [], []>, transpose_lhs_hint = false} : vector<8192x16xf32>, vector<16x16xf32>, vector<8192x16xf32> -> vector<8192x16xf32>
    %mul3A_29 = vector.broadcast %get3A_23 : vector<1x16xf32> to vector<8192x16xf32>
    %mul3A_30 = arith.mulf %dot_general3A_28, %mul3A_29 : vector<8192x16xf32>
    %add3A_31 = vector.broadcast %get3A_26 : vector<1x16xf32> to vector<8192x16xf32>
    %add3A_32 = arith.addf %mul3A_30, %add3A_31 : vector<8192x16xf32>
    %max3A_33 = arith.constant 0.000000e+00 : f32
    %max3A_34 = vector.broadcast %max3A_33 : f32 to vector<8192x16xf32>
    %max3A_35 = arith.maximumf %add3A_32, %max3A_34 : vector<8192x16xf32>
    %get3A_36 = arith.constant 0 : index
    %get3A_37 = arith.constant 0 : index
    %get3A_38 = vector.load %arg8[%get3A_36, %get3A_37] : memref<16x32xf32, #tpu.memory_space<vmem>>, vector<16x32xf32>
    %get3A_39 = arith.constant 0 : index
    %get3A_40 = arith.constant 0 : index
    %get3A_41 = vector.load %arg9[%get3A_39, %get3A_40] : memref<1x32xf32, #tpu.memory_space<vmem>>, vector<1x32xf32>
    %get3A_42 = arith.constant 0 : index
    %get3A_43 = arith.constant 0 : index
    %get3A_44 = vector.load %arg10[%get3A_42, %get3A_43] : memref<1x32xf32, #tpu.memory_space<vmem>>, vector<1x32xf32>
    %dot_general3A_45 = arith.constant dense<0.000000e+00> : vector<8192x32xf32>
    %dot_general3A_46 = tpu.matmul %max3A_35, %get3A_38, %dot_general3A_45 {dimension_numbers = #tpu.dot_dimension_numbers<[1], [0], [0], [1], [0, 0, 1, 1], [], []>, transpose_lhs_hint = false} : vector<8192x16xf32>, vector<16x32xf32>, vector<8192x32xf32> -> vector<8192x32xf32>
    %mul3A_47 = vector.broadcast %get3A_41 : vector<1x32xf32> to vector<8192x32xf32>
    %mul3A_48 = arith.mulf %dot_general3A_46, %mul3A_47 : vector<8192x32xf32>
    %add3A_49 = vector.broadcast %get3A_44 : vector<1x32xf32> to vector<8192x32xf32>
    %add3A_50 = arith.addf %mul3A_48, %add3A_49 : vector<8192x32xf32>
    %max3A_51 = arith.constant 0.000000e+00 : f32
    %max3A_52 = vector.broadcast %max3A_51 : f32 to vector<8192x32xf32>
    %max3A_53 = arith.maximumf %add3A_50, %max3A_52 : vector<8192x32xf32>
    %slice3A = vector.extract_strided_slice %max3A_53 {offsets = [0, 0], sizes = [128, 32], strides = [1, 1]} : vector<8192x32xf32> to vector<128x32xf32>
    %slice3A_54 = vector.extract_strided_slice %max3A_53 {offsets = [128, 0], sizes = [128, 32], strides = [1, 1]} : vector<8192x32xf32> to vector<128x32xf32>
    %max3A_55 = arith.maximumf %slice3A, %slice3A_54 : vector<128x32xf32>
    %slice3A_56 = vector.extract_strided_slice %max3A_53 {offsets = [256, 0], sizes = [128, 32], strides = [1, 1]} : vector<8192x32xf32> to vector<128x32xf32>
    %max3A_57 = arith.maximumf %max3A_55, %slice3A_56 : vector<128x32xf32>
    %slice3A_58 = vector.extract_strided_slice %max3A_53 {offsets = [384, 0], sizes = [128, 32], strides = [1, 1]} : vector<8192x32xf32> to vector<128x32xf32>
    %max3A_59 = arith.maximumf %max3A_57, %slice3A_58 : vector<128x32xf32>
    %slice3A_60 = vector.extract_strided_slice %max3A_53 {offsets = [512, 0], sizes = [128, 32], strides = [1, 1]} : vector<8192x32xf32> to vector<128x32xf32>
    %max3A_61 = arith.maximumf %max3A_59, %slice3A_60 : vector<128x32xf32>
    %slice3A_62 = vector.extract_strided_slice %max3A_53 {offsets = [640, 0], sizes = [128, 32], strides = [1, 1]} : vector<8192x32xf32> to vector<128x32xf32>
    %max3A_63 = arith.maximumf %max3A_61, %slice3A_62 : vector<128x32xf32>
    %slice3A_64 = vector.extract_strided_slice %max3A_53 {offsets = [768, 0], sizes = [128, 32], strides = [1, 1]} : vector<8192x32xf32> to vector<128x32xf32>
    %max3A_65 = arith.maximumf %max3A_63, %slice3A_64 : vector<128x32xf32>
    %slice3A_66 = vector.extract_strided_slice %max3A_53 {offsets = [896, 0], sizes = [128, 32], strides = [1, 1]} : vector<8192x32xf32> to vector<128x32xf32>
    %max3A_67 = arith.maximumf %max3A_65, %slice3A_66 : vector<128x32xf32>
    %slice3A_68 = vector.extract_strided_slice %max3A_53 {offsets = [1024, 0], sizes = [128, 32], strides = [1, 1]} : vector<8192x32xf32> to vector<128x32xf32>
    %max3A_69 = arith.maximumf %max3A_67, %slice3A_68 : vector<128x32xf32>
    %slice3A_70 = vector.extract_strided_slice %max3A_53 {offsets = [1152, 0], sizes = [128, 32], strides = [1, 1]} : vector<8192x32xf32> to vector<128x32xf32>
    %max3A_71 = arith.maximumf %max3A_69, %slice3A_70 : vector<128x32xf32>
    %slice3A_72 = vector.extract_strided_slice %max3A_53 {offsets = [1280, 0], sizes = [128, 32], strides = [1, 1]} : vector<8192x32xf32> to vector<128x32xf32>
    %max3A_73 = arith.maximumf %max3A_71, %slice3A_72 : vector<128x32xf32>
    %slice3A_74 = vector.extract_strided_slice %max3A_53 {offsets = [1408, 0], sizes = [128, 32], strides = [1, 1]} : vector<8192x32xf32> to vector<128x32xf32>
    %max3A_75 = arith.maximumf %max3A_73, %slice3A_74 : vector<128x32xf32>
    %slice3A_76 = vector.extract_strided_slice %max3A_53 {offsets = [1536, 0], sizes = [128, 32], strides = [1, 1]} : vector<8192x32xf32> to vector<128x32xf32>
    %max3A_77 = arith.maximumf %max3A_75, %slice3A_76 : vector<128x32xf32>
    %slice3A_78 = vector.extract_strided_slice %max3A_53 {offsets = [1664, 0], sizes = [128, 32], strides = [1, 1]} : vector<8192x32xf32> to vector<128x32xf32>
    %max3A_79 = arith.maximumf %max3A_77, %slice3A_78 : vector<128x32xf32>
    %slice3A_80 = vector.extract_strided_slice %max3A_53 {offsets = [1792, 0], sizes = [128, 32], strides = [1, 1]} : vector<8192x32xf32> to vector<128x32xf32>
    %max3A_81 = arith.maximumf %max3A_79, %slice3A_80 : vector<128x32xf32>
    %slice3A_82 = vector.extract_strided_slice %max3A_53 {offsets = [1920, 0], sizes = [128, 32], strides = [1, 1]} : vector<8192x32xf32> to vector<128x32xf32>
    %max3A_83 = arith.maximumf %max3A_81, %slice3A_82 : vector<128x32xf32>
    %slice3A_84 = vector.extract_strided_slice %max3A_53 {offsets = [2048, 0], sizes = [128, 32], strides = [1, 1]} : vector<8192x32xf32> to vector<128x32xf32>
    %max3A_85 = arith.maximumf %max3A_83, %slice3A_84 : vector<128x32xf32>
    %slice3A_86 = vector.extract_strided_slice %max3A_53 {offsets = [2176, 0], sizes = [128, 32], strides = [1, 1]} : vector<8192x32xf32> to vector<128x32xf32>
    %max3A_87 = arith.maximumf %max3A_85, %slice3A_86 : vector<128x32xf32>
    %slice3A_88 = vector.extract_strided_slice %max3A_53 {offsets = [2304, 0], sizes = [128, 32], strides = [1, 1]} : vector<8192x32xf32> to vector<128x32xf32>
    %max3A_89 = arith.maximumf %max3A_87, %slice3A_88 : vector<128x32xf32>
    %slice3A_90 = vector.extract_strided_slice %max3A_53 {offsets = [2432, 0], sizes = [128, 32], strides = [1, 1]} : vector<8192x32xf32> to vector<128x32xf32>
    %max3A_91 = arith.maximumf %max3A_89, %slice3A_90 : vector<128x32xf32>
    %slice3A_92 = vector.extract_strided_slice %max3A_53 {offsets = [2560, 0], sizes = [128, 32], strides = [1, 1]} : vector<8192x32xf32> to vector<128x32xf32>
    %max3A_93 = arith.maximumf %max3A_91, %slice3A_92 : vector<128x32xf32>
    %slice3A_94 = vector.extract_strided_slice %max3A_53 {offsets = [2688, 0], sizes = [128, 32], strides = [1, 1]} : vector<8192x32xf32> to vector<128x32xf32>
    %max3A_95 = arith.maximumf %max3A_93, %slice3A_94 : vector<128x32xf32>
    %slice3A_96 = vector.extract_strided_slice %max3A_53 {offsets = [2816, 0], sizes = [128, 32], strides = [1, 1]} : vector<8192x32xf32> to vector<128x32xf32>
    %max3A_97 = arith.maximumf %max3A_95, %slice3A_96 : vector<128x32xf32>
    %slice3A_98 = vector.extract_strided_slice %max3A_53 {offsets = [2944, 0], sizes = [128, 32], strides = [1, 1]} : vector<8192x32xf32> to vector<128x32xf32>
    %max3A_99 = arith.maximumf %max3A_97, %slice3A_98 : vector<128x32xf32>
    %slice3A_100 = vector.extract_strided_slice %max3A_53 {offsets = [3072, 0], sizes = [128, 32], strides = [1, 1]} : vector<8192x32xf32> to vector<128x32xf32>
    %max3A_101 = arith.maximumf %max3A_99, %slice3A_100 : vector<128x32xf32>
    %slice3A_102 = vector.extract_strided_slice %max3A_53 {offsets = [3200, 0], sizes = [128, 32], strides = [1, 1]} : vector<8192x32xf32> to vector<128x32xf32>
    %max3A_103 = arith.maximumf %max3A_101, %slice3A_102 : vector<128x32xf32>
    %slice3A_104 = vector.extract_strided_slice %max3A_53 {offsets = [3328, 0], sizes = [128, 32], strides = [1, 1]} : vector<8192x32xf32> to vector<128x32xf32>
    %max3A_105 = arith.maximumf %max3A_103, %slice3A_104 : vector<128x32xf32>
    %slice3A_106 = vector.extract_strided_slice %max3A_53 {offsets = [3456, 0], sizes = [128, 32], strides = [1, 1]} : vector<8192x32xf32> to vector<128x32xf32>
    %max3A_107 = arith.maximumf %max3A_105, %slice3A_106 : vector<128x32xf32>
    %slice3A_108 = vector.extract_strided_slice %max3A_53 {offsets = [3584, 0], sizes = [128, 32], strides = [1, 1]} : vector<8192x32xf32> to vector<128x32xf32>
    %max3A_109 = arith.maximumf %max3A_107, %slice3A_108 : vector<128x32xf32>
    %slice3A_110 = vector.extract_strided_slice %max3A_53 {offsets = [3712, 0], sizes = [128, 32], strides = [1, 1]} : vector<8192x32xf32> to vector<128x32xf32>
    %max3A_111 = arith.maximumf %max3A_109, %slice3A_110 : vector<128x32xf32>
    %slice3A_112 = vector.extract_strided_slice %max3A_53 {offsets = [3840, 0], sizes = [128, 32], strides = [1, 1]} : vector<8192x32xf32> to vector<128x32xf32>
    %max3A_113 = arith.maximumf %max3A_111, %slice3A_112 : vector<128x32xf32>
    %slice3A_114 = vector.extract_strided_slice %max3A_53 {offsets = [3968, 0], sizes = [128, 32], strides = [1, 1]} : vector<8192x32xf32> to vector<128x32xf32>
    %max3A_115 = arith.maximumf %max3A_113, %slice3A_114 : vector<128x32xf32>
    %slice3A_116 = vector.extract_strided_slice %max3A_53 {offsets = [4096, 0], sizes = [128, 32], strides = [1, 1]} : vector<8192x32xf32> to vector<128x32xf32>
    %max3A_117 = arith.maximumf %max3A_115, %slice3A_116 : vector<128x32xf32>
    %slice3A_118 = vector.extract_strided_slice %max3A_53 {offsets = [4224, 0], sizes = [128, 32], strides = [1, 1]} : vector<8192x32xf32> to vector<128x32xf32>
    %max3A_119 = arith.maximumf %max3A_117, %slice3A_118 : vector<128x32xf32>
    %slice3A_120 = vector.extract_strided_slice %max3A_53 {offsets = [4352, 0], sizes = [128, 32], strides = [1, 1]} : vector<8192x32xf32> to vector<128x32xf32>
    %max3A_121 = arith.maximumf %max3A_119, %slice3A_120 : vector<128x32xf32>
    %slice3A_122 = vector.extract_strided_slice %max3A_53 {offsets = [4480, 0], sizes = [128, 32], strides = [1, 1]} : vector<8192x32xf32> to vector<128x32xf32>
    %max3A_123 = arith.maximumf %max3A_121, %slice3A_122 : vector<128x32xf32>
    %slice3A_124 = vector.extract_strided_slice %max3A_53 {offsets = [4608, 0], sizes = [128, 32], strides = [1, 1]} : vector<8192x32xf32> to vector<128x32xf32>
    %max3A_125 = arith.maximumf %max3A_123, %slice3A_124 : vector<128x32xf32>
    %slice3A_126 = vector.extract_strided_slice %max3A_53 {offsets = [4736, 0], sizes = [128, 32], strides = [1, 1]} : vector<8192x32xf32> to vector<128x32xf32>
    %max3A_127 = arith.maximumf %max3A_125, %slice3A_126 : vector<128x32xf32>
    %slice3A_128 = vector.extract_strided_slice %max3A_53 {offsets = [4864, 0], sizes = [128, 32], strides = [1, 1]} : vector<8192x32xf32> to vector<128x32xf32>
    %max3A_129 = arith.maximumf %max3A_127, %slice3A_128 : vector<128x32xf32>
    %slice3A_130 = vector.extract_strided_slice %max3A_53 {offsets = [4992, 0], sizes = [128, 32], strides = [1, 1]} : vector<8192x32xf32> to vector<128x32xf32>
    %max3A_131 = arith.maximumf %max3A_129, %slice3A_130 : vector<128x32xf32>
    %slice3A_132 = vector.extract_strided_slice %max3A_53 {offsets = [5120, 0], sizes = [128, 32], strides = [1, 1]} : vector<8192x32xf32> to vector<128x32xf32>
    %max3A_133 = arith.maximumf %max3A_131, %slice3A_132 : vector<128x32xf32>
    %slice3A_134 = vector.extract_strided_slice %max3A_53 {offsets = [5248, 0], sizes = [128, 32], strides = [1, 1]} : vector<8192x32xf32> to vector<128x32xf32>
    %max3A_135 = arith.maximumf %max3A_133, %slice3A_134 : vector<128x32xf32>
    %slice3A_136 = vector.extract_strided_slice %max3A_53 {offsets = [5376, 0], sizes = [128, 32], strides = [1, 1]} : vector<8192x32xf32> to vector<128x32xf32>
    %max3A_137 = arith.maximumf %max3A_135, %slice3A_136 : vector<128x32xf32>
    %slice3A_138 = vector.extract_strided_slice %max3A_53 {offsets = [5504, 0], sizes = [128, 32], strides = [1, 1]} : vector<8192x32xf32> to vector<128x32xf32>
    %max3A_139 = arith.maximumf %max3A_137, %slice3A_138 : vector<128x32xf32>
    %slice3A_140 = vector.extract_strided_slice %max3A_53 {offsets = [5632, 0], sizes = [128, 32], strides = [1, 1]} : vector<8192x32xf32> to vector<128x32xf32>
    %max3A_141 = arith.maximumf %max3A_139, %slice3A_140 : vector<128x32xf32>
    %slice3A_142 = vector.extract_strided_slice %max3A_53 {offsets = [5760, 0], sizes = [128, 32], strides = [1, 1]} : vector<8192x32xf32> to vector<128x32xf32>
    %max3A_143 = arith.maximumf %max3A_141, %slice3A_142 : vector<128x32xf32>
    %slice3A_144 = vector.extract_strided_slice %max3A_53 {offsets = [5888, 0], sizes = [128, 32], strides = [1, 1]} : vector<8192x32xf32> to vector<128x32xf32>
    %max3A_145 = arith.maximumf %max3A_143, %slice3A_144 : vector<128x32xf32>
    %slice3A_146 = vector.extract_strided_slice %max3A_53 {offsets = [6016, 0], sizes = [128, 32], strides = [1, 1]} : vector<8192x32xf32> to vector<128x32xf32>
    %max3A_147 = arith.maximumf %max3A_145, %slice3A_146 : vector<128x32xf32>
    %slice3A_148 = vector.extract_strided_slice %max3A_53 {offsets = [6144, 0], sizes = [128, 32], strides = [1, 1]} : vector<8192x32xf32> to vector<128x32xf32>
    %max3A_149 = arith.maximumf %max3A_147, %slice3A_148 : vector<128x32xf32>
    %slice3A_150 = vector.extract_strided_slice %max3A_53 {offsets = [6272, 0], sizes = [128, 32], strides = [1, 1]} : vector<8192x32xf32> to vector<128x32xf32>
    %max3A_151 = arith.maximumf %max3A_149, %slice3A_150 : vector<128x32xf32>
    %slice3A_152 = vector.extract_strided_slice %max3A_53 {offsets = [6400, 0], sizes = [128, 32], strides = [1, 1]} : vector<8192x32xf32> to vector<128x32xf32>
    %max3A_153 = arith.maximumf %max3A_151, %slice3A_152 : vector<128x32xf32>
    %slice3A_154 = vector.extract_strided_slice %max3A_53 {offsets = [6528, 0], sizes = [128, 32], strides = [1, 1]} : vector<8192x32xf32> to vector<128x32xf32>
    %max3A_155 = arith.maximumf %max3A_153, %slice3A_154 : vector<128x32xf32>
    %slice3A_156 = vector.extract_strided_slice %max3A_53 {offsets = [6656, 0], sizes = [128, 32], strides = [1, 1]} : vector<8192x32xf32> to vector<128x32xf32>
    %max3A_157 = arith.maximumf %max3A_155, %slice3A_156 : vector<128x32xf32>
    %slice3A_158 = vector.extract_strided_slice %max3A_53 {offsets = [6784, 0], sizes = [128, 32], strides = [1, 1]} : vector<8192x32xf32> to vector<128x32xf32>
    %max3A_159 = arith.maximumf %max3A_157, %slice3A_158 : vector<128x32xf32>
    %slice3A_160 = vector.extract_strided_slice %max3A_53 {offsets = [6912, 0], sizes = [128, 32], strides = [1, 1]} : vector<8192x32xf32> to vector<128x32xf32>
    %max3A_161 = arith.maximumf %max3A_159, %slice3A_160 : vector<128x32xf32>
    %slice3A_162 = vector.extract_strided_slice %max3A_53 {offsets = [7040, 0], sizes = [128, 32], strides = [1, 1]} : vector<8192x32xf32> to vector<128x32xf32>
    %max3A_163 = arith.maximumf %max3A_161, %slice3A_162 : vector<128x32xf32>
    %slice3A_164 = vector.extract_strided_slice %max3A_53 {offsets = [7168, 0], sizes = [128, 32], strides = [1, 1]} : vector<8192x32xf32> to vector<128x32xf32>
    %max3A_165 = arith.maximumf %max3A_163, %slice3A_164 : vector<128x32xf32>
    %slice3A_166 = vector.extract_strided_slice %max3A_53 {offsets = [7296, 0], sizes = [128, 32], strides = [1, 1]} : vector<8192x32xf32> to vector<128x32xf32>
    %max3A_167 = arith.maximumf %max3A_165, %slice3A_166 : vector<128x32xf32>
    %slice3A_168 = vector.extract_strided_slice %max3A_53 {offsets = [7424, 0], sizes = [128, 32], strides = [1, 1]} : vector<8192x32xf32> to vector<128x32xf32>
    %max3A_169 = arith.maximumf %max3A_167, %slice3A_168 : vector<128x32xf32>
    %slice3A_170 = vector.extract_strided_slice %max3A_53 {offsets = [7552, 0], sizes = [128, 32], strides = [1, 1]} : vector<8192x32xf32> to vector<128x32xf32>
    %max3A_171 = arith.maximumf %max3A_169, %slice3A_170 : vector<128x32xf32>
    %slice3A_172 = vector.extract_strided_slice %max3A_53 {offsets = [7680, 0], sizes = [128, 32], strides = [1, 1]} : vector<8192x32xf32> to vector<128x32xf32>
    %max3A_173 = arith.maximumf %max3A_171, %slice3A_172 : vector<128x32xf32>
    %slice3A_174 = vector.extract_strided_slice %max3A_53 {offsets = [7808, 0], sizes = [128, 32], strides = [1, 1]} : vector<8192x32xf32> to vector<128x32xf32>
    %max3A_175 = arith.maximumf %max3A_173, %slice3A_174 : vector<128x32xf32>
    %slice3A_176 = vector.extract_strided_slice %max3A_53 {offsets = [7936, 0], sizes = [128, 32], strides = [1, 1]} : vector<8192x32xf32> to vector<128x32xf32>
    %max3A_177 = arith.maximumf %max3A_175, %slice3A_176 : vector<128x32xf32>
    %slice3A_178 = vector.extract_strided_slice %max3A_53 {offsets = [8064, 0], sizes = [128, 32], strides = [1, 1]} : vector<8192x32xf32> to vector<128x32xf32>
    %max3A_179 = arith.maximumf %max3A_177, %slice3A_178 : vector<128x32xf32>
    %swap3A = arith.constant 0 : index
    %swap3A_180 = arith.constant 0 : index
    %swap3A_181 = arith.constant 0 : index
    %swap3A_182 = vector.load %arg11[%swap3A, %swap3A_180, %swap3A_181] : memref<1x128x32xf32, #tpu.memory_space<vmem>>, vector<1x128x32xf32>
    %swap3A_183 = vector.shape_cast %swap3A_182 : vector<1x128x32xf32> to vector<128x32xf32>
    %swap3A_184 = vector.shape_cast %max3A_179 : vector<128x32xf32> to vector<1x128x32xf32>
    tpu.vector_store %arg11[%swap3A, %swap3A_180, %swap3A_181], %swap3A_184 {strides = array<i32>} : memref<1x128x32xf32, #tpu.memory_space<vmem>>, vector<1x128x32xf32>,
    return
  }
  func.func @transform_0(%arg0: i32) -> (i32, i32, i32) {
    %c0_i32 = arith.constant 0 : i32
    %c0_i32_0 = arith.constant 0 : i32
    %c0_i32_1 = arith.constant 0 : i32
    return %arg0, %c0_i32, %c0_i32_0 : i32, i32, i32
  }
  func.func @transform_1(%arg0: i32) -> (i32, i32) {
    %c0_i32 = arith.constant 0 : i32
    %c0_i32_0 = arith.constant 0 : i32
    %c0_i32_1 = arith.constant 0 : i32
    return %c0_i32, %c0_i32_0 : i32, i32
  }
  func.func @transform_2(%arg0: i32) -> (i32, i32) {
    %c0_i32 = arith.constant 0 : i32
    %c0_i32_0 = arith.constant 0 : i32
    %c0_i32_1 = arith.constant 0 : i32
    return %c0_i32, %c0_i32_0 : i32, i32
  }
  func.func @transform_3(%arg0: i32) -> (i32, i32) {
    %c0_i32 = arith.constant 0 : i32
    %c0_i32_0 = arith.constant 0 : i32
    %c0_i32_1 = arith.constant 0 : i32
    return %c0_i32, %c0_i32_0 : i32, i32
  }
  func.func @transform_4(%arg0: i32) -> (i32, i32) {
    %c0_i32 = arith.constant 0 : i32
    %c0_i32_0 = arith.constant 0 : i32
    %c0_i32_1 = arith.constant 0 : i32
    return %c0_i32, %c0_i32_0 : i32, i32
  }
  func.func @transform_5(%arg0: i32) -> (i32, i32) {
    %c0_i32 = arith.constant 0 : i32
    %c0_i32_0 = arith.constant 0 : i32
    %c0_i32_1 = arith.constant 0 : i32
    return %c0_i32, %c0_i32_0 : i32, i32
  }
  func.func @transform_6(%arg0: i32) -> (i32, i32) {
    %c0_i32 = arith.constant 0 : i32
    %c0_i32_0 = arith.constant 0 : i32
    %c0_i32_1 = arith.constant 0 : i32
    return %c0_i32, %c0_i32_0 : i32, i32
  }
  func.func @transform_7(%arg0: i32) -> (i32, i32) {
    %c0_i32 = arith.constant 0 : i32
    %c0_i32_0 = arith.constant 0 : i32
    %c0_i32_1 = arith.constant 0 : i32
    return %c0_i32, %c0_i32_0 : i32, i32
  }
  func.func @transform_8(%arg0: i32) -> (i32, i32) {
    %c0_i32 = arith.constant 0 : i32
    %c0_i32_0 = arith.constant 0 : i32
    %c0_i32_1 = arith.constant 0 : i32
    return %c0_i32, %c0_i32_0 : i32, i32
  }
  func.func @transform_9(%arg0: i32) -> (i32, i32) {
    %c0_i32 = arith.constant 0 : i32
    %c0_i32_0 = arith.constant 0 : i32
    %c0_i32_1 = arith.constant 0 : i32
    return %c0_i32, %c0_i32_0 : i32, i32
  }
  func.func @transform_10(%arg0: i32) -> (i32, i32, i32) {
    %c0_i32 = arith.constant 0 : i32
    %c0_i32_0 = arith.constant 0 : i32
    %c0_i32_1 = arith.constant 0 : i32
    return %arg0, %c0_i32, %c0_i32_0 : i32, i32, i32
  }
}

module attributes {stable_mosaic.version = 14 : i64} {
  func.func @_mlp_body(%arg0: i32, %arg1: memref<1x2048x35xf32, #tpu.memory_space<vmem>>, %arg2: memref<35x32xf32, #tpu.memory_space<vmem>>, %arg3: memref<1x32xf32, #tpu.memory_space<vmem>>, %arg4: memref<1x32xf32, #tpu.memory_space<vmem>>, %arg5: memref<32x32xf32, #tpu.memory_space<vmem>>, %arg6: memref<1x32xf32, #tpu.memory_space<vmem>>, %arg7: memref<1x32xf32, #tpu.memory_space<vmem>>, %arg8: memref<32x64xf32, #tpu.memory_space<vmem>>, %arg9: memref<1x64xf32, #tpu.memory_space<vmem>>, %arg10: memref<1x64xf32, #tpu.memory_space<vmem>>, %arg11: memref<1x32x64xf32, #tpu.memory_space<vmem>>) attributes {dimension_semantics = [#tpu.dimension_semantics<parallel>], iteration_bounds = array<i64: 16>, scalar_prefetch = 0 : i64, scratch_operands = 0 : i64, tpu.core_type = #tpu.core_type<tc>, window_params = [{transform_indices = @transform_0, window_bounds = array<i64: 1, 2048, 35>}, {pipeline_mode = #tpu.pipeline_mode<synchronous>, transform_indices = @transform_1, window_bounds = array<i64: 35, 32>}, {pipeline_mode = #tpu.pipeline_mode<synchronous>, transform_indices = @transform_2, window_bounds = array<i64: 1, 32>}, {pipeline_mode = #tpu.pipeline_mode<synchronous>, transform_indices = @transform_3, window_bounds = array<i64: 1, 32>}, {pipeline_mode = #tpu.pipeline_mode<synchronous>, transform_indices = @transform_4, window_bounds = array<i64: 32, 32>}, {pipeline_mode = #tpu.pipeline_mode<synchronous>, transform_indices = @transform_5, window_bounds = array<i64: 1, 32>}, {pipeline_mode = #tpu.pipeline_mode<synchronous>, transform_indices = @transform_6, window_bounds = array<i64: 1, 32>}, {pipeline_mode = #tpu.pipeline_mode<synchronous>, transform_indices = @transform_7, window_bounds = array<i64: 32, 64>}, {pipeline_mode = #tpu.pipeline_mode<synchronous>, transform_indices = @transform_8, window_bounds = array<i64: 1, 64>}, {pipeline_mode = #tpu.pipeline_mode<synchronous>, transform_indices = @transform_9, window_bounds = array<i64: 1, 64>}, {transform_indices = @transform_10, window_bounds = array<i64: 1, 32, 64>}]} {
    %get3A = arith.constant 0 : index
    %get3A_0 = arith.constant 0 : index
    %get3A_1 = arith.constant 0 : index
    %get3A_2 = vector.load %arg1[%get3A, %get3A_0, %get3A_1] : memref<1x2048x35xf32, #tpu.memory_space<vmem>>, vector<1x2048x35xf32>
    %get3A_3 = vector.shape_cast %get3A_2 : vector<1x2048x35xf32> to vector<2048x35xf32>
    %get3A_4 = arith.constant 0 : index
    %get3A_5 = arith.constant 0 : index
    %get3A_6 = vector.load %arg2[%get3A_4, %get3A_5] : memref<35x32xf32, #tpu.memory_space<vmem>>, vector<35x32xf32>
    %get3A_7 = arith.constant 0 : index
    %get3A_8 = arith.constant 0 : index
    %get3A_9 = vector.load %arg3[%get3A_7, %get3A_8] : memref<1x32xf32, #tpu.memory_space<vmem>>, vector<1x32xf32>
    %get3A_10 = arith.constant 0 : index
    %get3A_11 = arith.constant 0 : index
    %get3A_12 = vector.load %arg4[%get3A_10, %get3A_11] : memref<1x32xf32, #tpu.memory_space<vmem>>, vector<1x32xf32>
    %dot_general3A = arith.constant dense<0.000000e+00> : vector<2048x32xf32>
    %dot_general3A_13 = tpu.matmul %get3A_3, %get3A_6, %dot_general3A {dimension_numbers = #tpu.dot_dimension_numbers<[1], [0], [0], [1], [0, 0, 1, 1], [], []>, transpose_lhs_hint = false} : vector<2048x35xf32>, vector<35x32xf32>, vector<2048x32xf32> -> vector<2048x32xf32>
    %mul3A = vector.broadcast %get3A_9 : vector<1x32xf32> to vector<2048x32xf32>
    %mul3A_14 = arith.mulf %dot_general3A_13, %mul3A : vector<2048x32xf32>
    %add3A = vector.broadcast %get3A_12 : vector<1x32xf32> to vector<2048x32xf32>
    %add3A_15 = arith.addf %mul3A_14, %add3A : vector<2048x32xf32>
    %max3A = arith.constant 0.000000e+00 : f32
    %max3A_16 = vector.broadcast %max3A : f32 to vector<2048x32xf32>
    %max3A_17 = arith.maximumf %add3A_15, %max3A_16 : vector<2048x32xf32>
    %get3A_18 = arith.constant 0 : index
    %get3A_19 = arith.constant 0 : index
    %get3A_20 = vector.load %arg5[%get3A_18, %get3A_19] : memref<32x32xf32, #tpu.memory_space<vmem>>, vector<32x32xf32>
    %get3A_21 = arith.constant 0 : index
    %get3A_22 = arith.constant 0 : index
    %get3A_23 = vector.load %arg6[%get3A_21, %get3A_22] : memref<1x32xf32, #tpu.memory_space<vmem>>, vector<1x32xf32>
    %get3A_24 = arith.constant 0 : index
    %get3A_25 = arith.constant 0 : index
    %get3A_26 = vector.load %arg7[%get3A_24, %get3A_25] : memref<1x32xf32, #tpu.memory_space<vmem>>, vector<1x32xf32>
    %dot_general3A_27 = arith.constant dense<0.000000e+00> : vector<2048x32xf32>
    %dot_general3A_28 = tpu.matmul %max3A_17, %get3A_20, %dot_general3A_27 {dimension_numbers = #tpu.dot_dimension_numbers<[1], [0], [0], [1], [0, 0, 1, 1], [], []>, transpose_lhs_hint = false} : vector<2048x32xf32>, vector<32x32xf32>, vector<2048x32xf32> -> vector<2048x32xf32>
    %mul3A_29 = vector.broadcast %get3A_23 : vector<1x32xf32> to vector<2048x32xf32>
    %mul3A_30 = arith.mulf %dot_general3A_28, %mul3A_29 : vector<2048x32xf32>
    %add3A_31 = vector.broadcast %get3A_26 : vector<1x32xf32> to vector<2048x32xf32>
    %add3A_32 = arith.addf %mul3A_30, %add3A_31 : vector<2048x32xf32>
    %max3A_33 = arith.constant 0.000000e+00 : f32
    %max3A_34 = vector.broadcast %max3A_33 : f32 to vector<2048x32xf32>
    %max3A_35 = arith.maximumf %add3A_32, %max3A_34 : vector<2048x32xf32>
    %get3A_36 = arith.constant 0 : index
    %get3A_37 = arith.constant 0 : index
    %get3A_38 = vector.load %arg8[%get3A_36, %get3A_37] : memref<32x64xf32, #tpu.memory_space<vmem>>, vector<32x64xf32>
    %get3A_39 = arith.constant 0 : index
    %get3A_40 = arith.constant 0 : index
    %get3A_41 = vector.load %arg9[%get3A_39, %get3A_40] : memref<1x64xf32, #tpu.memory_space<vmem>>, vector<1x64xf32>
    %get3A_42 = arith.constant 0 : index
    %get3A_43 = arith.constant 0 : index
    %get3A_44 = vector.load %arg10[%get3A_42, %get3A_43] : memref<1x64xf32, #tpu.memory_space<vmem>>, vector<1x64xf32>
    %dot_general3A_45 = arith.constant dense<0.000000e+00> : vector<2048x64xf32>
    %dot_general3A_46 = tpu.matmul %max3A_35, %get3A_38, %dot_general3A_45 {dimension_numbers = #tpu.dot_dimension_numbers<[1], [0], [0], [1], [0, 0, 1, 1], [], []>, transpose_lhs_hint = false} : vector<2048x32xf32>, vector<32x64xf32>, vector<2048x64xf32> -> vector<2048x64xf32>
    %mul3A_47 = vector.broadcast %get3A_41 : vector<1x64xf32> to vector<2048x64xf32>
    %mul3A_48 = arith.mulf %dot_general3A_46, %mul3A_47 : vector<2048x64xf32>
    %add3A_49 = vector.broadcast %get3A_44 : vector<1x64xf32> to vector<2048x64xf32>
    %add3A_50 = arith.addf %mul3A_48, %add3A_49 : vector<2048x64xf32>
    %max3A_51 = arith.constant 0.000000e+00 : f32
    %max3A_52 = vector.broadcast %max3A_51 : f32 to vector<2048x64xf32>
    %max3A_53 = arith.maximumf %add3A_50, %max3A_52 : vector<2048x64xf32>
    %slice3A = vector.extract_strided_slice %max3A_53 {offsets = [0, 0], sizes = [32, 64], strides = [1, 1]} : vector<2048x64xf32> to vector<32x64xf32>
    %slice3A_54 = vector.extract_strided_slice %max3A_53 {offsets = [32, 0], sizes = [32, 64], strides = [1, 1]} : vector<2048x64xf32> to vector<32x64xf32>
    %max3A_55 = arith.maximumf %slice3A, %slice3A_54 : vector<32x64xf32>
    %slice3A_56 = vector.extract_strided_slice %max3A_53 {offsets = [64, 0], sizes = [32, 64], strides = [1, 1]} : vector<2048x64xf32> to vector<32x64xf32>
    %max3A_57 = arith.maximumf %max3A_55, %slice3A_56 : vector<32x64xf32>
    %slice3A_58 = vector.extract_strided_slice %max3A_53 {offsets = [96, 0], sizes = [32, 64], strides = [1, 1]} : vector<2048x64xf32> to vector<32x64xf32>
    %max3A_59 = arith.maximumf %max3A_57, %slice3A_58 : vector<32x64xf32>
    %slice3A_60 = vector.extract_strided_slice %max3A_53 {offsets = [128, 0], sizes = [32, 64], strides = [1, 1]} : vector<2048x64xf32> to vector<32x64xf32>
    %max3A_61 = arith.maximumf %max3A_59, %slice3A_60 : vector<32x64xf32>
    %slice3A_62 = vector.extract_strided_slice %max3A_53 {offsets = [160, 0], sizes = [32, 64], strides = [1, 1]} : vector<2048x64xf32> to vector<32x64xf32>
    %max3A_63 = arith.maximumf %max3A_61, %slice3A_62 : vector<32x64xf32>
    %slice3A_64 = vector.extract_strided_slice %max3A_53 {offsets = [192, 0], sizes = [32, 64], strides = [1, 1]} : vector<2048x64xf32> to vector<32x64xf32>
    %max3A_65 = arith.maximumf %max3A_63, %slice3A_64 : vector<32x64xf32>
    %slice3A_66 = vector.extract_strided_slice %max3A_53 {offsets = [224, 0], sizes = [32, 64], strides = [1, 1]} : vector<2048x64xf32> to vector<32x64xf32>
    %max3A_67 = arith.maximumf %max3A_65, %slice3A_66 : vector<32x64xf32>
    %slice3A_68 = vector.extract_strided_slice %max3A_53 {offsets = [256, 0], sizes = [32, 64], strides = [1, 1]} : vector<2048x64xf32> to vector<32x64xf32>
    %max3A_69 = arith.maximumf %max3A_67, %slice3A_68 : vector<32x64xf32>
    %slice3A_70 = vector.extract_strided_slice %max3A_53 {offsets = [288, 0], sizes = [32, 64], strides = [1, 1]} : vector<2048x64xf32> to vector<32x64xf32>
    %max3A_71 = arith.maximumf %max3A_69, %slice3A_70 : vector<32x64xf32>
    %slice3A_72 = vector.extract_strided_slice %max3A_53 {offsets = [320, 0], sizes = [32, 64], strides = [1, 1]} : vector<2048x64xf32> to vector<32x64xf32>
    %max3A_73 = arith.maximumf %max3A_71, %slice3A_72 : vector<32x64xf32>
    %slice3A_74 = vector.extract_strided_slice %max3A_53 {offsets = [352, 0], sizes = [32, 64], strides = [1, 1]} : vector<2048x64xf32> to vector<32x64xf32>
    %max3A_75 = arith.maximumf %max3A_73, %slice3A_74 : vector<32x64xf32>
    %slice3A_76 = vector.extract_strided_slice %max3A_53 {offsets = [384, 0], sizes = [32, 64], strides = [1, 1]} : vector<2048x64xf32> to vector<32x64xf32>
    %max3A_77 = arith.maximumf %max3A_75, %slice3A_76 : vector<32x64xf32>
    %slice3A_78 = vector.extract_strided_slice %max3A_53 {offsets = [416, 0], sizes = [32, 64], strides = [1, 1]} : vector<2048x64xf32> to vector<32x64xf32>
    %max3A_79 = arith.maximumf %max3A_77, %slice3A_78 : vector<32x64xf32>
    %slice3A_80 = vector.extract_strided_slice %max3A_53 {offsets = [448, 0], sizes = [32, 64], strides = [1, 1]} : vector<2048x64xf32> to vector<32x64xf32>
    %max3A_81 = arith.maximumf %max3A_79, %slice3A_80 : vector<32x64xf32>
    %slice3A_82 = vector.extract_strided_slice %max3A_53 {offsets = [480, 0], sizes = [32, 64], strides = [1, 1]} : vector<2048x64xf32> to vector<32x64xf32>
    %max3A_83 = arith.maximumf %max3A_81, %slice3A_82 : vector<32x64xf32>
    %slice3A_84 = vector.extract_strided_slice %max3A_53 {offsets = [512, 0], sizes = [32, 64], strides = [1, 1]} : vector<2048x64xf32> to vector<32x64xf32>
    %max3A_85 = arith.maximumf %max3A_83, %slice3A_84 : vector<32x64xf32>
    %slice3A_86 = vector.extract_strided_slice %max3A_53 {offsets = [544, 0], sizes = [32, 64], strides = [1, 1]} : vector<2048x64xf32> to vector<32x64xf32>
    %max3A_87 = arith.maximumf %max3A_85, %slice3A_86 : vector<32x64xf32>
    %slice3A_88 = vector.extract_strided_slice %max3A_53 {offsets = [576, 0], sizes = [32, 64], strides = [1, 1]} : vector<2048x64xf32> to vector<32x64xf32>
    %max3A_89 = arith.maximumf %max3A_87, %slice3A_88 : vector<32x64xf32>
    %slice3A_90 = vector.extract_strided_slice %max3A_53 {offsets = [608, 0], sizes = [32, 64], strides = [1, 1]} : vector<2048x64xf32> to vector<32x64xf32>
    %max3A_91 = arith.maximumf %max3A_89, %slice3A_90 : vector<32x64xf32>
    %slice3A_92 = vector.extract_strided_slice %max3A_53 {offsets = [640, 0], sizes = [32, 64], strides = [1, 1]} : vector<2048x64xf32> to vector<32x64xf32>
    %max3A_93 = arith.maximumf %max3A_91, %slice3A_92 : vector<32x64xf32>
    %slice3A_94 = vector.extract_strided_slice %max3A_53 {offsets = [672, 0], sizes = [32, 64], strides = [1, 1]} : vector<2048x64xf32> to vector<32x64xf32>
    %max3A_95 = arith.maximumf %max3A_93, %slice3A_94 : vector<32x64xf32>
    %slice3A_96 = vector.extract_strided_slice %max3A_53 {offsets = [704, 0], sizes = [32, 64], strides = [1, 1]} : vector<2048x64xf32> to vector<32x64xf32>
    %max3A_97 = arith.maximumf %max3A_95, %slice3A_96 : vector<32x64xf32>
    %slice3A_98 = vector.extract_strided_slice %max3A_53 {offsets = [736, 0], sizes = [32, 64], strides = [1, 1]} : vector<2048x64xf32> to vector<32x64xf32>
    %max3A_99 = arith.maximumf %max3A_97, %slice3A_98 : vector<32x64xf32>
    %slice3A_100 = vector.extract_strided_slice %max3A_53 {offsets = [768, 0], sizes = [32, 64], strides = [1, 1]} : vector<2048x64xf32> to vector<32x64xf32>
    %max3A_101 = arith.maximumf %max3A_99, %slice3A_100 : vector<32x64xf32>
    %slice3A_102 = vector.extract_strided_slice %max3A_53 {offsets = [800, 0], sizes = [32, 64], strides = [1, 1]} : vector<2048x64xf32> to vector<32x64xf32>
    %max3A_103 = arith.maximumf %max3A_101, %slice3A_102 : vector<32x64xf32>
    %slice3A_104 = vector.extract_strided_slice %max3A_53 {offsets = [832, 0], sizes = [32, 64], strides = [1, 1]} : vector<2048x64xf32> to vector<32x64xf32>
    %max3A_105 = arith.maximumf %max3A_103, %slice3A_104 : vector<32x64xf32>
    %slice3A_106 = vector.extract_strided_slice %max3A_53 {offsets = [864, 0], sizes = [32, 64], strides = [1, 1]} : vector<2048x64xf32> to vector<32x64xf32>
    %max3A_107 = arith.maximumf %max3A_105, %slice3A_106 : vector<32x64xf32>
    %slice3A_108 = vector.extract_strided_slice %max3A_53 {offsets = [896, 0], sizes = [32, 64], strides = [1, 1]} : vector<2048x64xf32> to vector<32x64xf32>
    %max3A_109 = arith.maximumf %max3A_107, %slice3A_108 : vector<32x64xf32>
    %slice3A_110 = vector.extract_strided_slice %max3A_53 {offsets = [928, 0], sizes = [32, 64], strides = [1, 1]} : vector<2048x64xf32> to vector<32x64xf32>
    %max3A_111 = arith.maximumf %max3A_109, %slice3A_110 : vector<32x64xf32>
    %slice3A_112 = vector.extract_strided_slice %max3A_53 {offsets = [960, 0], sizes = [32, 64], strides = [1, 1]} : vector<2048x64xf32> to vector<32x64xf32>
    %max3A_113 = arith.maximumf %max3A_111, %slice3A_112 : vector<32x64xf32>
    %slice3A_114 = vector.extract_strided_slice %max3A_53 {offsets = [992, 0], sizes = [32, 64], strides = [1, 1]} : vector<2048x64xf32> to vector<32x64xf32>
    %max3A_115 = arith.maximumf %max3A_113, %slice3A_114 : vector<32x64xf32>
    %slice3A_116 = vector.extract_strided_slice %max3A_53 {offsets = [1024, 0], sizes = [32, 64], strides = [1, 1]} : vector<2048x64xf32> to vector<32x64xf32>
    %max3A_117 = arith.maximumf %max3A_115, %slice3A_116 : vector<32x64xf32>
    %slice3A_118 = vector.extract_strided_slice %max3A_53 {offsets = [1056, 0], sizes = [32, 64], strides = [1, 1]} : vector<2048x64xf32> to vector<32x64xf32>
    %max3A_119 = arith.maximumf %max3A_117, %slice3A_118 : vector<32x64xf32>
    %slice3A_120 = vector.extract_strided_slice %max3A_53 {offsets = [1088, 0], sizes = [32, 64], strides = [1, 1]} : vector<2048x64xf32> to vector<32x64xf32>
    %max3A_121 = arith.maximumf %max3A_119, %slice3A_120 : vector<32x64xf32>
    %slice3A_122 = vector.extract_strided_slice %max3A_53 {offsets = [1120, 0], sizes = [32, 64], strides = [1, 1]} : vector<2048x64xf32> to vector<32x64xf32>
    %max3A_123 = arith.maximumf %max3A_121, %slice3A_122 : vector<32x64xf32>
    %slice3A_124 = vector.extract_strided_slice %max3A_53 {offsets = [1152, 0], sizes = [32, 64], strides = [1, 1]} : vector<2048x64xf32> to vector<32x64xf32>
    %max3A_125 = arith.maximumf %max3A_123, %slice3A_124 : vector<32x64xf32>
    %slice3A_126 = vector.extract_strided_slice %max3A_53 {offsets = [1184, 0], sizes = [32, 64], strides = [1, 1]} : vector<2048x64xf32> to vector<32x64xf32>
    %max3A_127 = arith.maximumf %max3A_125, %slice3A_126 : vector<32x64xf32>
    %slice3A_128 = vector.extract_strided_slice %max3A_53 {offsets = [1216, 0], sizes = [32, 64], strides = [1, 1]} : vector<2048x64xf32> to vector<32x64xf32>
    %max3A_129 = arith.maximumf %max3A_127, %slice3A_128 : vector<32x64xf32>
    %slice3A_130 = vector.extract_strided_slice %max3A_53 {offsets = [1248, 0], sizes = [32, 64], strides = [1, 1]} : vector<2048x64xf32> to vector<32x64xf32>
    %max3A_131 = arith.maximumf %max3A_129, %slice3A_130 : vector<32x64xf32>
    %slice3A_132 = vector.extract_strided_slice %max3A_53 {offsets = [1280, 0], sizes = [32, 64], strides = [1, 1]} : vector<2048x64xf32> to vector<32x64xf32>
    %max3A_133 = arith.maximumf %max3A_131, %slice3A_132 : vector<32x64xf32>
    %slice3A_134 = vector.extract_strided_slice %max3A_53 {offsets = [1312, 0], sizes = [32, 64], strides = [1, 1]} : vector<2048x64xf32> to vector<32x64xf32>
    %max3A_135 = arith.maximumf %max3A_133, %slice3A_134 : vector<32x64xf32>
    %slice3A_136 = vector.extract_strided_slice %max3A_53 {offsets = [1344, 0], sizes = [32, 64], strides = [1, 1]} : vector<2048x64xf32> to vector<32x64xf32>
    %max3A_137 = arith.maximumf %max3A_135, %slice3A_136 : vector<32x64xf32>
    %slice3A_138 = vector.extract_strided_slice %max3A_53 {offsets = [1376, 0], sizes = [32, 64], strides = [1, 1]} : vector<2048x64xf32> to vector<32x64xf32>
    %max3A_139 = arith.maximumf %max3A_137, %slice3A_138 : vector<32x64xf32>
    %slice3A_140 = vector.extract_strided_slice %max3A_53 {offsets = [1408, 0], sizes = [32, 64], strides = [1, 1]} : vector<2048x64xf32> to vector<32x64xf32>
    %max3A_141 = arith.maximumf %max3A_139, %slice3A_140 : vector<32x64xf32>
    %slice3A_142 = vector.extract_strided_slice %max3A_53 {offsets = [1440, 0], sizes = [32, 64], strides = [1, 1]} : vector<2048x64xf32> to vector<32x64xf32>
    %max3A_143 = arith.maximumf %max3A_141, %slice3A_142 : vector<32x64xf32>
    %slice3A_144 = vector.extract_strided_slice %max3A_53 {offsets = [1472, 0], sizes = [32, 64], strides = [1, 1]} : vector<2048x64xf32> to vector<32x64xf32>
    %max3A_145 = arith.maximumf %max3A_143, %slice3A_144 : vector<32x64xf32>
    %slice3A_146 = vector.extract_strided_slice %max3A_53 {offsets = [1504, 0], sizes = [32, 64], strides = [1, 1]} : vector<2048x64xf32> to vector<32x64xf32>
    %max3A_147 = arith.maximumf %max3A_145, %slice3A_146 : vector<32x64xf32>
    %slice3A_148 = vector.extract_strided_slice %max3A_53 {offsets = [1536, 0], sizes = [32, 64], strides = [1, 1]} : vector<2048x64xf32> to vector<32x64xf32>
    %max3A_149 = arith.maximumf %max3A_147, %slice3A_148 : vector<32x64xf32>
    %slice3A_150 = vector.extract_strided_slice %max3A_53 {offsets = [1568, 0], sizes = [32, 64], strides = [1, 1]} : vector<2048x64xf32> to vector<32x64xf32>
    %max3A_151 = arith.maximumf %max3A_149, %slice3A_150 : vector<32x64xf32>
    %slice3A_152 = vector.extract_strided_slice %max3A_53 {offsets = [1600, 0], sizes = [32, 64], strides = [1, 1]} : vector<2048x64xf32> to vector<32x64xf32>
    %max3A_153 = arith.maximumf %max3A_151, %slice3A_152 : vector<32x64xf32>
    %slice3A_154 = vector.extract_strided_slice %max3A_53 {offsets = [1632, 0], sizes = [32, 64], strides = [1, 1]} : vector<2048x64xf32> to vector<32x64xf32>
    %max3A_155 = arith.maximumf %max3A_153, %slice3A_154 : vector<32x64xf32>
    %slice3A_156 = vector.extract_strided_slice %max3A_53 {offsets = [1664, 0], sizes = [32, 64], strides = [1, 1]} : vector<2048x64xf32> to vector<32x64xf32>
    %max3A_157 = arith.maximumf %max3A_155, %slice3A_156 : vector<32x64xf32>
    %slice3A_158 = vector.extract_strided_slice %max3A_53 {offsets = [1696, 0], sizes = [32, 64], strides = [1, 1]} : vector<2048x64xf32> to vector<32x64xf32>
    %max3A_159 = arith.maximumf %max3A_157, %slice3A_158 : vector<32x64xf32>
    %slice3A_160 = vector.extract_strided_slice %max3A_53 {offsets = [1728, 0], sizes = [32, 64], strides = [1, 1]} : vector<2048x64xf32> to vector<32x64xf32>
    %max3A_161 = arith.maximumf %max3A_159, %slice3A_160 : vector<32x64xf32>
    %slice3A_162 = vector.extract_strided_slice %max3A_53 {offsets = [1760, 0], sizes = [32, 64], strides = [1, 1]} : vector<2048x64xf32> to vector<32x64xf32>
    %max3A_163 = arith.maximumf %max3A_161, %slice3A_162 : vector<32x64xf32>
    %slice3A_164 = vector.extract_strided_slice %max3A_53 {offsets = [1792, 0], sizes = [32, 64], strides = [1, 1]} : vector<2048x64xf32> to vector<32x64xf32>
    %max3A_165 = arith.maximumf %max3A_163, %slice3A_164 : vector<32x64xf32>
    %slice3A_166 = vector.extract_strided_slice %max3A_53 {offsets = [1824, 0], sizes = [32, 64], strides = [1, 1]} : vector<2048x64xf32> to vector<32x64xf32>
    %max3A_167 = arith.maximumf %max3A_165, %slice3A_166 : vector<32x64xf32>
    %slice3A_168 = vector.extract_strided_slice %max3A_53 {offsets = [1856, 0], sizes = [32, 64], strides = [1, 1]} : vector<2048x64xf32> to vector<32x64xf32>
    %max3A_169 = arith.maximumf %max3A_167, %slice3A_168 : vector<32x64xf32>
    %slice3A_170 = vector.extract_strided_slice %max3A_53 {offsets = [1888, 0], sizes = [32, 64], strides = [1, 1]} : vector<2048x64xf32> to vector<32x64xf32>
    %max3A_171 = arith.maximumf %max3A_169, %slice3A_170 : vector<32x64xf32>
    %slice3A_172 = vector.extract_strided_slice %max3A_53 {offsets = [1920, 0], sizes = [32, 64], strides = [1, 1]} : vector<2048x64xf32> to vector<32x64xf32>
    %max3A_173 = arith.maximumf %max3A_171, %slice3A_172 : vector<32x64xf32>
    %slice3A_174 = vector.extract_strided_slice %max3A_53 {offsets = [1952, 0], sizes = [32, 64], strides = [1, 1]} : vector<2048x64xf32> to vector<32x64xf32>
    %max3A_175 = arith.maximumf %max3A_173, %slice3A_174 : vector<32x64xf32>
    %slice3A_176 = vector.extract_strided_slice %max3A_53 {offsets = [1984, 0], sizes = [32, 64], strides = [1, 1]} : vector<2048x64xf32> to vector<32x64xf32>
    %max3A_177 = arith.maximumf %max3A_175, %slice3A_176 : vector<32x64xf32>
    %slice3A_178 = vector.extract_strided_slice %max3A_53 {offsets = [2016, 0], sizes = [32, 64], strides = [1, 1]} : vector<2048x64xf32> to vector<32x64xf32>
    %max3A_179 = arith.maximumf %max3A_177, %slice3A_178 : vector<32x64xf32>
    %swap3A = arith.constant 0 : index
    %swap3A_180 = arith.constant 0 : index
    %swap3A_181 = arith.constant 0 : index
    %swap3A_182 = vector.load %arg11[%swap3A, %swap3A_180, %swap3A_181] : memref<1x32x64xf32, #tpu.memory_space<vmem>>, vector<1x32x64xf32>
    %swap3A_183 = vector.shape_cast %swap3A_182 : vector<1x32x64xf32> to vector<32x64xf32>
    %swap3A_184 = vector.shape_cast %max3A_179 : vector<32x64xf32> to vector<1x32x64xf32>
    tpu.vector_store %arg11[%swap3A, %swap3A_180, %swap3A_181], %swap3A_184 {strides = array<i32>} : memref<1x32x64xf32, #tpu.memory_space<vmem>>, vector<1x32x64xf32>,
    return
  }
  func.func @transform_0(%arg0: i32) -> (i32, i32, i32) {
    %c0_i32 = arith.constant 0 : i32
    %c0_i32_0 = arith.constant 0 : i32
    %c0_i32_1 = arith.constant 0 : i32
    return %arg0, %c0_i32, %c0_i32_0 : i32, i32, i32
  }
  func.func @transform_1(%arg0: i32) -> (i32, i32) {
    %c0_i32 = arith.constant 0 : i32
    %c0_i32_0 = arith.constant 0 : i32
    %c0_i32_1 = arith.constant 0 : i32
    return %c0_i32, %c0_i32_0 : i32, i32
  }
  func.func @transform_2(%arg0: i32) -> (i32, i32) {
    %c0_i32 = arith.constant 0 : i32
    %c0_i32_0 = arith.constant 0 : i32
    %c0_i32_1 = arith.constant 0 : i32
    return %c0_i32, %c0_i32_0 : i32, i32
  }
  func.func @transform_3(%arg0: i32) -> (i32, i32) {
    %c0_i32 = arith.constant 0 : i32
    %c0_i32_0 = arith.constant 0 : i32
    %c0_i32_1 = arith.constant 0 : i32
    return %c0_i32, %c0_i32_0 : i32, i32
  }
  func.func @transform_4(%arg0: i32) -> (i32, i32) {
    %c0_i32 = arith.constant 0 : i32
    %c0_i32_0 = arith.constant 0 : i32
    %c0_i32_1 = arith.constant 0 : i32
    return %c0_i32, %c0_i32_0 : i32, i32
  }
  func.func @transform_5(%arg0: i32) -> (i32, i32) {
    %c0_i32 = arith.constant 0 : i32
    %c0_i32_0 = arith.constant 0 : i32
    %c0_i32_1 = arith.constant 0 : i32
    return %c0_i32, %c0_i32_0 : i32, i32
  }
  func.func @transform_6(%arg0: i32) -> (i32, i32) {
    %c0_i32 = arith.constant 0 : i32
    %c0_i32_0 = arith.constant 0 : i32
    %c0_i32_1 = arith.constant 0 : i32
    return %c0_i32, %c0_i32_0 : i32, i32
  }
  func.func @transform_7(%arg0: i32) -> (i32, i32) {
    %c0_i32 = arith.constant 0 : i32
    %c0_i32_0 = arith.constant 0 : i32
    %c0_i32_1 = arith.constant 0 : i32
    return %c0_i32, %c0_i32_0 : i32, i32
  }
  func.func @transform_8(%arg0: i32) -> (i32, i32) {
    %c0_i32 = arith.constant 0 : i32
    %c0_i32_0 = arith.constant 0 : i32
    %c0_i32_1 = arith.constant 0 : i32
    return %c0_i32, %c0_i32_0 : i32, i32
  }
  func.func @transform_9(%arg0: i32) -> (i32, i32) {
    %c0_i32 = arith.constant 0 : i32
    %c0_i32_0 = arith.constant 0 : i32
    %c0_i32_1 = arith.constant 0 : i32
    return %c0_i32, %c0_i32_0 : i32, i32
  }
  func.func @transform_10(%arg0: i32) -> (i32, i32, i32) {
    %c0_i32 = arith.constant 0 : i32
    %c0_i32_0 = arith.constant 0 : i32
    %c0_i32_1 = arith.constant 0 : i32
    return %arg0, %c0_i32, %c0_i32_0 : i32, i32, i32
  }
}

module attributes {stable_mosaic.version = 14 : i64} {
  func.func @_mlp_body(%arg0: i32, %arg1: memref<1x32x67xf32, #tpu.memory_space<vmem>>, %arg2: memref<67x128xf32, #tpu.memory_space<vmem>>, %arg3: memref<1x128xf32, #tpu.memory_space<vmem>>, %arg4: memref<1x128xf32, #tpu.memory_space<vmem>>, %arg5: memref<128x128xf32, #tpu.memory_space<vmem>>, %arg6: memref<1x128xf32, #tpu.memory_space<vmem>>, %arg7: memref<1x128xf32, #tpu.memory_space<vmem>>, %arg8: memref<128x256xf32, #tpu.memory_space<vmem>>, %arg9: memref<1x256xf32, #tpu.memory_space<vmem>>, %arg10: memref<1x256xf32, #tpu.memory_space<vmem>>, %arg11: memref<1x1x256xf32, #tpu.memory_space<vmem>>) attributes {dimension_semantics = [#tpu.dimension_semantics<parallel>], iteration_bounds = array<i64: 16>, scalar_prefetch = 0 : i64, scratch_operands = 0 : i64, tpu.core_type = #tpu.core_type<tc>, window_params = [{transform_indices = @transform_0, window_bounds = array<i64: 1, 32, 67>}, {pipeline_mode = #tpu.pipeline_mode<synchronous>, transform_indices = @transform_1, window_bounds = array<i64: 67, 128>}, {pipeline_mode = #tpu.pipeline_mode<synchronous>, transform_indices = @transform_2, window_bounds = array<i64: 1, 128>}, {pipeline_mode = #tpu.pipeline_mode<synchronous>, transform_indices = @transform_3, window_bounds = array<i64: 1, 128>}, {pipeline_mode = #tpu.pipeline_mode<synchronous>, transform_indices = @transform_4, window_bounds = array<i64: 128, 128>}, {pipeline_mode = #tpu.pipeline_mode<synchronous>, transform_indices = @transform_5, window_bounds = array<i64: 1, 128>}, {pipeline_mode = #tpu.pipeline_mode<synchronous>, transform_indices = @transform_6, window_bounds = array<i64: 1, 128>}, {pipeline_mode = #tpu.pipeline_mode<synchronous>, transform_indices = @transform_7, window_bounds = array<i64: 128, 256>}, {pipeline_mode = #tpu.pipeline_mode<synchronous>, transform_indices = @transform_8, window_bounds = array<i64: 1, 256>}, {pipeline_mode = #tpu.pipeline_mode<synchronous>, transform_indices = @transform_9, window_bounds = array<i64: 1, 256>}, {transform_indices = @transform_10, window_bounds = array<i64: 1, 1, 256>}]} {
    %get3A = arith.constant 0 : index
    %get3A_0 = arith.constant 0 : index
    %get3A_1 = arith.constant 0 : index
    %get3A_2 = vector.load %arg1[%get3A, %get3A_0, %get3A_1] : memref<1x32x67xf32, #tpu.memory_space<vmem>>, vector<1x32x67xf32>
    %get3A_3 = vector.shape_cast %get3A_2 : vector<1x32x67xf32> to vector<32x67xf32>
    %get3A_4 = arith.constant 0 : index
    %get3A_5 = arith.constant 0 : index
    %get3A_6 = vector.load %arg2[%get3A_4, %get3A_5] : memref<67x128xf32, #tpu.memory_space<vmem>>, vector<67x128xf32>
    %get3A_7 = arith.constant 0 : index
    %get3A_8 = arith.constant 0 : index
    %get3A_9 = vector.load %arg3[%get3A_7, %get3A_8] : memref<1x128xf32, #tpu.memory_space<vmem>>, vector<1x128xf32>
    %get3A_10 = arith.constant 0 : index
    %get3A_11 = arith.constant 0 : index
    %get3A_12 = vector.load %arg4[%get3A_10, %get3A_11] : memref<1x128xf32, #tpu.memory_space<vmem>>, vector<1x128xf32>
    %dot_general3A = arith.constant dense<0.000000e+00> : vector<32x128xf32>
    %dot_general3A_13 = tpu.matmul %get3A_3, %get3A_6, %dot_general3A {dimension_numbers = #tpu.dot_dimension_numbers<[1], [0], [0], [1], [0, 0, 1, 1], [], []>, transpose_lhs_hint = false} : vector<32x67xf32>, vector<67x128xf32>, vector<32x128xf32> -> vector<32x128xf32>
    %mul3A = vector.broadcast %get3A_9 : vector<1x128xf32> to vector<32x128xf32>
    %mul3A_14 = arith.mulf %dot_general3A_13, %mul3A : vector<32x128xf32>
    %add3A = vector.broadcast %get3A_12 : vector<1x128xf32> to vector<32x128xf32>
    %add3A_15 = arith.addf %mul3A_14, %add3A : vector<32x128xf32>
    %max3A = arith.constant 0.000000e+00 : f32
    %max3A_16 = vector.broadcast %max3A : f32 to vector<32x128xf32>
    %max3A_17 = arith.maximumf %add3A_15, %max3A_16 : vector<32x128xf32>
    %get3A_18 = arith.constant 0 : index
    %get3A_19 = arith.constant 0 : index
    %get3A_20 = vector.load %arg5[%get3A_18, %get3A_19] : memref<128x128xf32, #tpu.memory_space<vmem>>, vector<128x128xf32>
    %get3A_21 = arith.constant 0 : index
    %get3A_22 = arith.constant 0 : index
    %get3A_23 = vector.load %arg6[%get3A_21, %get3A_22] : memref<1x128xf32, #tpu.memory_space<vmem>>, vector<1x128xf32>
    %get3A_24 = arith.constant 0 : index
    %get3A_25 = arith.constant 0 : index
    %get3A_26 = vector.load %arg7[%get3A_24, %get3A_25] : memref<1x128xf32, #tpu.memory_space<vmem>>, vector<1x128xf32>
    %dot_general3A_27 = arith.constant dense<0.000000e+00> : vector<32x128xf32>
    %dot_general3A_28 = tpu.matmul %max3A_17, %get3A_20, %dot_general3A_27 {dimension_numbers = #tpu.dot_dimension_numbers<[1], [0], [0], [1], [0, 0, 1, 1], [], []>, transpose_lhs_hint = false} : vector<32x128xf32>, vector<128x128xf32>, vector<32x128xf32> -> vector<32x128xf32>
    %mul3A_29 = vector.broadcast %get3A_23 : vector<1x128xf32> to vector<32x128xf32>
    %mul3A_30 = arith.mulf %dot_general3A_28, %mul3A_29 : vector<32x128xf32>
    %add3A_31 = vector.broadcast %get3A_26 : vector<1x128xf32> to vector<32x128xf32>
    %add3A_32 = arith.addf %mul3A_30, %add3A_31 : vector<32x128xf32>
    %max3A_33 = arith.constant 0.000000e+00 : f32
    %max3A_34 = vector.broadcast %max3A_33 : f32 to vector<32x128xf32>
    %max3A_35 = arith.maximumf %add3A_32, %max3A_34 : vector<32x128xf32>
    %get3A_36 = arith.constant 0 : index
    %get3A_37 = arith.constant 0 : index
    %get3A_38 = vector.load %arg8[%get3A_36, %get3A_37] : memref<128x256xf32, #tpu.memory_space<vmem>>, vector<128x256xf32>
    %get3A_39 = arith.constant 0 : index
    %get3A_40 = arith.constant 0 : index
    %get3A_41 = vector.load %arg9[%get3A_39, %get3A_40] : memref<1x256xf32, #tpu.memory_space<vmem>>, vector<1x256xf32>
    %get3A_42 = arith.constant 0 : index
    %get3A_43 = arith.constant 0 : index
    %get3A_44 = vector.load %arg10[%get3A_42, %get3A_43] : memref<1x256xf32, #tpu.memory_space<vmem>>, vector<1x256xf32>
    %dot_general3A_45 = arith.constant dense<0.000000e+00> : vector<32x256xf32>
    %dot_general3A_46 = tpu.matmul %max3A_35, %get3A_38, %dot_general3A_45 {dimension_numbers = #tpu.dot_dimension_numbers<[1], [0], [0], [1], [0, 0, 1, 1], [], []>, transpose_lhs_hint = false} : vector<32x128xf32>, vector<128x256xf32>, vector<32x256xf32> -> vector<32x256xf32>
    %mul3A_47 = vector.broadcast %get3A_41 : vector<1x256xf32> to vector<32x256xf32>
    %mul3A_48 = arith.mulf %dot_general3A_46, %mul3A_47 : vector<32x256xf32>
    %add3A_49 = vector.broadcast %get3A_44 : vector<1x256xf32> to vector<32x256xf32>
    %add3A_50 = arith.addf %mul3A_48, %add3A_49 : vector<32x256xf32>
    %max3A_51 = arith.constant 0.000000e+00 : f32
    %max3A_52 = vector.broadcast %max3A_51 : f32 to vector<32x256xf32>
    %max3A_53 = arith.maximumf %add3A_50, %max3A_52 : vector<32x256xf32>
    %reduce_max3A = arith.constant dense<0xFF800000> : vector<256xf32>
    %reduce_max3A_54 = vector.multi_reduction <maximumf>, %max3A_53, %reduce_max3A [0] : vector<32x256xf32> to vector<256xf32>
    %broadcast_in_dim3A = vector.shape_cast %reduce_max3A_54 : vector<256xf32> to vector<1x256xf32>
    %swap3A = arith.constant 0 : index
    %swap3A_55 = arith.constant 0 : index
    %swap3A_56 = arith.constant 0 : index
    %swap3A_57 = vector.load %arg11[%swap3A, %swap3A_55, %swap3A_56] : memref<1x1x256xf32, #tpu.memory_space<vmem>>, vector<1x1x256xf32>
    %swap3A_58 = vector.shape_cast %swap3A_57 : vector<1x1x256xf32> to vector<1x256xf32>
    %swap3A_59 = vector.shape_cast %broadcast_in_dim3A : vector<1x256xf32> to vector<1x1x256xf32>
    tpu.vector_store %arg11[%swap3A, %swap3A_55, %swap3A_56], %swap3A_59 {strides = array<i32>} : memref<1x1x256xf32, #tpu.memory_space<vmem>>, vector<1x1x256xf32>,
    return
  }
  func.func @transform_0(%arg0: i32) -> (i32, i32, i32) {
    %c0_i32 = arith.constant 0 : i32
    %c0_i32_0 = arith.constant 0 : i32
    %c0_i32_1 = arith.constant 0 : i32
    return %arg0, %c0_i32, %c0_i32_0 : i32, i32, i32
  }
  func.func @transform_1(%arg0: i32) -> (i32, i32) {
    %c0_i32 = arith.constant 0 : i32
    %c0_i32_0 = arith.constant 0 : i32
    %c0_i32_1 = arith.constant 0 : i32
    return %c0_i32, %c0_i32_0 : i32, i32
  }
  func.func @transform_2(%arg0: i32) -> (i32, i32) {
    %c0_i32 = arith.constant 0 : i32
    %c0_i32_0 = arith.constant 0 : i32
    %c0_i32_1 = arith.constant 0 : i32
    return %c0_i32, %c0_i32_0 : i32, i32
  }
  func.func @transform_3(%arg0: i32) -> (i32, i32) {
    %c0_i32 = arith.constant 0 : i32
    %c0_i32_0 = arith.constant 0 : i32
    %c0_i32_1 = arith.constant 0 : i32
    return %c0_i32, %c0_i32_0 : i32, i32
  }
  func.func @transform_4(%arg0: i32) -> (i32, i32) {
    %c0_i32 = arith.constant 0 : i32
    %c0_i32_0 = arith.constant 0 : i32
    %c0_i32_1 = arith.constant 0 : i32
    return %c0_i32, %c0_i32_0 : i32, i32
  }
  func.func @transform_5(%arg0: i32) -> (i32, i32) {
    %c0_i32 = arith.constant 0 : i32
    %c0_i32_0 = arith.constant 0 : i32
    %c0_i32_1 = arith.constant 0 : i32
    return %c0_i32, %c0_i32_0 : i32, i32
  }
  func.func @transform_6(%arg0: i32) -> (i32, i32) {
    %c0_i32 = arith.constant 0 : i32
    %c0_i32_0 = arith.constant 0 : i32
    %c0_i32_1 = arith.constant 0 : i32
    return %c0_i32, %c0_i32_0 : i32, i32
  }
  func.func @transform_7(%arg0: i32) -> (i32, i32) {
    %c0_i32 = arith.constant 0 : i32
    %c0_i32_0 = arith.constant 0 : i32
    %c0_i32_1 = arith.constant 0 : i32
    return %c0_i32, %c0_i32_0 : i32, i32
  }
  func.func @transform_8(%arg0: i32) -> (i32, i32) {
    %c0_i32 = arith.constant 0 : i32
    %c0_i32_0 = arith.constant 0 : i32
    %c0_i32_1 = arith.constant 0 : i32
    return %c0_i32, %c0_i32_0 : i32, i32
  }
  func.func @transform_9(%arg0: i32) -> (i32, i32) {
    %c0_i32 = arith.constant 0 : i32
    %c0_i32_0 = arith.constant 0 : i32
    %c0_i32_1 = arith.constant 0 : i32
    return %c0_i32, %c0_i32_0 : i32, i32
  }
  func.func @transform_10(%arg0: i32) -> (i32, i32, i32) {
    %c0_i32 = arith.constant 0 : i32
    %c0_i32_0 = arith.constant 0 : i32
    %c0_i32_1 = arith.constant 0 : i32
    return %arg0, %c0_i32, %c0_i32_0 : i32, i32, i32
  }
}

module attributes {stable_mosaic.version = 14 : i64} {
  func.func @_mlp_body(%arg0: i32, %arg1: memref<1x32x320xf32, #tpu.memory_space<vmem>>, %arg2: memref<320x64xf32, #tpu.memory_space<vmem>>, %arg3: memref<1x64xf32, #tpu.memory_space<vmem>>, %arg4: memref<1x64xf32, #tpu.memory_space<vmem>>, %arg5: memref<64x64xf32, #tpu.memory_space<vmem>>, %arg6: memref<1x64xf32, #tpu.memory_space<vmem>>, %arg7: memref<1x64xf32, #tpu.memory_space<vmem>>, %arg8: memref<1x32x64xf32, #tpu.memory_space<vmem>>) attributes {dimension_semantics = [#tpu.dimension_semantics<parallel>], iteration_bounds = array<i64: 16>, scalar_prefetch = 0 : i64, scratch_operands = 0 : i64, tpu.core_type = #tpu.core_type<tc>, window_params = [{transform_indices = @transform_0, window_bounds = array<i64: 1, 32, 320>}, {pipeline_mode = #tpu.pipeline_mode<synchronous>, transform_indices = @transform_1, window_bounds = array<i64: 320, 64>}, {pipeline_mode = #tpu.pipeline_mode<synchronous>, transform_indices = @transform_2, window_bounds = array<i64: 1, 64>}, {pipeline_mode = #tpu.pipeline_mode<synchronous>, transform_indices = @transform_3, window_bounds = array<i64: 1, 64>}, {pipeline_mode = #tpu.pipeline_mode<synchronous>, transform_indices = @transform_4, window_bounds = array<i64: 64, 64>}, {pipeline_mode = #tpu.pipeline_mode<synchronous>, transform_indices = @transform_5, window_bounds = array<i64: 1, 64>}, {pipeline_mode = #tpu.pipeline_mode<synchronous>, transform_indices = @transform_6, window_bounds = array<i64: 1, 64>}, {transform_indices = @transform_7, window_bounds = array<i64: 1, 32, 64>}]} {
    %get3A = arith.constant 0 : index
    %get3A_0 = arith.constant 0 : index
    %get3A_1 = arith.constant 0 : index
    %get3A_2 = vector.load %arg1[%get3A, %get3A_0, %get3A_1] : memref<1x32x320xf32, #tpu.memory_space<vmem>>, vector<1x32x320xf32>
    %get3A_3 = vector.shape_cast %get3A_2 : vector<1x32x320xf32> to vector<32x320xf32>
    %get3A_4 = arith.constant 0 : index
    %get3A_5 = arith.constant 0 : index
    %get3A_6 = vector.load %arg2[%get3A_4, %get3A_5] : memref<320x64xf32, #tpu.memory_space<vmem>>, vector<320x64xf32>
    %get3A_7 = arith.constant 0 : index
    %get3A_8 = arith.constant 0 : index
    %get3A_9 = vector.load %arg3[%get3A_7, %get3A_8] : memref<1x64xf32, #tpu.memory_space<vmem>>, vector<1x64xf32>
    %get3A_10 = arith.constant 0 : index
    %get3A_11 = arith.constant 0 : index
    %get3A_12 = vector.load %arg4[%get3A_10, %get3A_11] : memref<1x64xf32, #tpu.memory_space<vmem>>, vector<1x64xf32>
    %dot_general3A = arith.constant dense<0.000000e+00> : vector<32x64xf32>
    %dot_general3A_13 = tpu.matmul %get3A_3, %get3A_6, %dot_general3A {dimension_numbers = #tpu.dot_dimension_numbers<[1], [0], [0], [1], [0, 0, 1, 1], [], []>, transpose_lhs_hint = false} : vector<32x320xf32>, vector<320x64xf32>, vector<32x64xf32> -> vector<32x64xf32>
    %mul3A = vector.broadcast %get3A_9 : vector<1x64xf32> to vector<32x64xf32>
    %mul3A_14 = arith.mulf %dot_general3A_13, %mul3A : vector<32x64xf32>
    %add3A = vector.broadcast %get3A_12 : vector<1x64xf32> to vector<32x64xf32>
    %add3A_15 = arith.addf %mul3A_14, %add3A : vector<32x64xf32>
    %max3A = arith.constant 0.000000e+00 : f32
    %max3A_16 = vector.broadcast %max3A : f32 to vector<32x64xf32>
    %max3A_17 = arith.maximumf %add3A_15, %max3A_16 : vector<32x64xf32>
    %get3A_18 = arith.constant 0 : index
    %get3A_19 = arith.constant 0 : index
    %get3A_20 = vector.load %arg5[%get3A_18, %get3A_19] : memref<64x64xf32, #tpu.memory_space<vmem>>, vector<64x64xf32>
    %get3A_21 = arith.constant 0 : index
    %get3A_22 = arith.constant 0 : index
    %get3A_23 = vector.load %arg6[%get3A_21, %get3A_22] : memref<1x64xf32, #tpu.memory_space<vmem>>, vector<1x64xf32>
    %get3A_24 = arith.constant 0 : index
    %get3A_25 = arith.constant 0 : index
    %get3A_26 = vector.load %arg7[%get3A_24, %get3A_25] : memref<1x64xf32, #tpu.memory_space<vmem>>, vector<1x64xf32>
    %dot_general3A_27 = arith.constant dense<0.000000e+00> : vector<32x64xf32>
    %dot_general3A_28 = tpu.matmul %max3A_17, %get3A_20, %dot_general3A_27 {dimension_numbers = #tpu.dot_dimension_numbers<[1], [0], [0], [1], [0, 0, 1, 1], [], []>, transpose_lhs_hint = false} : vector<32x64xf32>, vector<64x64xf32>, vector<32x64xf32> -> vector<32x64xf32>
    %mul3A_29 = vector.broadcast %get3A_23 : vector<1x64xf32> to vector<32x64xf32>
    %mul3A_30 = arith.mulf %dot_general3A_28, %mul3A_29 : vector<32x64xf32>
    %add3A_31 = vector.broadcast %get3A_26 : vector<1x64xf32> to vector<32x64xf32>
    %add3A_32 = arith.addf %mul3A_30, %add3A_31 : vector<32x64xf32>
    %max3A_33 = arith.constant 0.000000e+00 : f32
    %max3A_34 = vector.broadcast %max3A_33 : f32 to vector<32x64xf32>
    %max3A_35 = arith.maximumf %add3A_32, %max3A_34 : vector<32x64xf32>
    %swap3A = arith.constant 0 : index
    %swap3A_36 = arith.constant 0 : index
    %swap3A_37 = arith.constant 0 : index
    %swap3A_38 = vector.load %arg8[%swap3A, %swap3A_36, %swap3A_37] : memref<1x32x64xf32, #tpu.memory_space<vmem>>, vector<1x32x64xf32>
    %swap3A_39 = vector.shape_cast %swap3A_38 : vector<1x32x64xf32> to vector<32x64xf32>
    %swap3A_40 = vector.shape_cast %max3A_35 : vector<32x64xf32> to vector<1x32x64xf32>
    tpu.vector_store %arg8[%swap3A, %swap3A_36, %swap3A_37], %swap3A_40 {strides = array<i32>} : memref<1x32x64xf32, #tpu.memory_space<vmem>>, vector<1x32x64xf32>,
    return
  }
  func.func @transform_0(%arg0: i32) -> (i32, i32, i32) {
    %c0_i32 = arith.constant 0 : i32
    %c0_i32_0 = arith.constant 0 : i32
    %c0_i32_1 = arith.constant 0 : i32
    return %arg0, %c0_i32, %c0_i32_0 : i32, i32, i32
  }
  func.func @transform_1(%arg0: i32) -> (i32, i32) {
    %c0_i32 = arith.constant 0 : i32
    %c0_i32_0 = arith.constant 0 : i32
    %c0_i32_1 = arith.constant 0 : i32
    return %c0_i32, %c0_i32_0 : i32, i32
  }
  func.func @transform_2(%arg0: i32) -> (i32, i32) {
    %c0_i32 = arith.constant 0 : i32
    %c0_i32_0 = arith.constant 0 : i32
    %c0_i32_1 = arith.constant 0 : i32
    return %c0_i32, %c0_i32_0 : i32, i32
  }
  func.func @transform_3(%arg0: i32) -> (i32, i32) {
    %c0_i32 = arith.constant 0 : i32
    %c0_i32_0 = arith.constant 0 : i32
    %c0_i32_1 = arith.constant 0 : i32
    return %c0_i32, %c0_i32_0 : i32, i32
  }
  func.func @transform_4(%arg0: i32) -> (i32, i32) {
    %c0_i32 = arith.constant 0 : i32
    %c0_i32_0 = arith.constant 0 : i32
    %c0_i32_1 = arith.constant 0 : i32
    return %c0_i32, %c0_i32_0 : i32, i32
  }
  func.func @transform_5(%arg0: i32) -> (i32, i32) {
    %c0_i32 = arith.constant 0 : i32
    %c0_i32_0 = arith.constant 0 : i32
    %c0_i32_1 = arith.constant 0 : i32
    return %c0_i32, %c0_i32_0 : i32, i32
  }
  func.func @transform_6(%arg0: i32) -> (i32, i32) {
    %c0_i32 = arith.constant 0 : i32
    %c0_i32_0 = arith.constant 0 : i32
    %c0_i32_1 = arith.constant 0 : i32
    return %c0_i32, %c0_i32_0 : i32, i32
  }
  func.func @transform_7(%arg0: i32) -> (i32, i32, i32) {
    %c0_i32 = arith.constant 0 : i32
    %c0_i32_0 = arith.constant 0 : i32
    %c0_i32_1 = arith.constant 0 : i32
    return %arg0, %c0_i32, %c0_i32_0 : i32, i32, i32
  }
}

module attributes {stable_mosaic.version = 14 : i64} {
  func.func @_interp_body(%arg0: i32, %arg1: memref<1x3x32xf32, #tpu.memory_space<vmem>>, %arg2: memref<1x3x128xf32, #tpu.memory_space<vmem>>, %arg3: memref<1x64x32xf32, #tpu.memory_space<vmem>>, %arg4: memref<1x64x128xf32, #tpu.memory_space<vmem>>) attributes {dimension_semantics = [#tpu.dimension_semantics<arbitrary>], iteration_bounds = array<i64: 16>, scalar_prefetch = 0 : i64, scratch_operands = 0 : i64, tpu.core_type = #tpu.core_type<tc>, window_params = [{transform_indices = @transform_0, window_bounds = array<i64: 1, 3, 32>}, {transform_indices = @transform_1, window_bounds = array<i64: 1, 3, 128>}, {transform_indices = @transform_2, window_bounds = array<i64: 1, 64, 32>}, {transform_indices = @transform_3, window_bounds = array<i64: 1, 64, 128>}]} {
    %get3A = arith.constant 0 : index
    %get3A_0 = arith.constant 0 : index
    %get3A_1 = arith.constant 0 : index
    %get3A_2 = vector.load %arg1[%get3A, %get3A_0, %get3A_1] : memref<1x3x32xf32, #tpu.memory_space<vmem>>, vector<1x3x32xf32>
    %get3A_3 = vector.shape_cast %get3A_2 : vector<1x3x32xf32> to vector<3x32xf32>
    %get3A_4 = arith.constant 0 : index
    %get3A_5 = arith.constant 0 : index
    %get3A_6 = arith.constant 0 : index
    %get3A_7 = vector.load %arg2[%get3A_4, %get3A_5, %get3A_6] : memref<1x3x128xf32, #tpu.memory_space<vmem>>, vector<1x3x128xf32>
    %get3A_8 = vector.shape_cast %get3A_7 : vector<1x3x128xf32> to vector<3x128xf32>
    %get3A_9 = arith.constant 0 : index
    %get3A_10 = arith.constant 0 : index
    %get3A_11 = arith.constant 0 : index
    %get3A_12 = vector.load %arg3[%get3A_9, %get3A_10, %get3A_11] : memref<1x64x32xf32, #tpu.memory_space<vmem>>, vector<1x64x32xf32>
    %get3A_13 = vector.shape_cast %get3A_12 : vector<1x64x32xf32> to vector<64x32xf32>
    %broadcast_in_dim3A = arith.constant 0.000000e+00 : f32
    %broadcast_in_dim3A_14 = vector.broadcast %broadcast_in_dim3A : f32 to vector<32x128xf32>
    %slice3A = vector.extract_strided_slice %get3A_8 {offsets = [0, 0], sizes = [1, 128], strides = [1, 1]} : vector<3x128xf32> to vector<1x128xf32>
    %slice3A_15 = vector.extract_strided_slice %get3A_3 {offsets = [0, 0], sizes = [1, 32], strides = [1, 1]} : vector<3x32xf32> to vector<1x32xf32>
    %transpose3A = tpu.transpose %slice3A_15, [1, 0] : vector<1x32xf32> -> vector<32x1xf32>
    %sub3A = vector.broadcast %slice3A : vector<1x128xf32> to vector<32x128xf32>
    %sub3A_16 = vector.broadcast %transpose3A : vector<32x1xf32> to vector<32x128xf32>
    %sub3A_17 = arith.subf %sub3A, %sub3A_16 : vector<32x128xf32>
    %mul3A = arith.mulf %sub3A_17, %sub3A_17 : vector<32x128xf32>
    %add3A = arith.addf %broadcast_in_dim3A_14, %mul3A : vector<32x128xf32>
    %slice3A_18 = vector.extract_strided_slice %get3A_8 {offsets = [1, 0], sizes = [1, 128], strides = [1, 1]} : vector<3x128xf32> to vector<1x128xf32>
    %slice3A_19 = vector.extract_strided_slice %get3A_3 {offsets = [1, 0], sizes = [1, 32], strides = [1, 1]} : vector<3x32xf32> to vector<1x32xf32>
    %transpose3A_20 = tpu.transpose %slice3A_19, [1, 0] : vector<1x32xf32> -> vector<32x1xf32>
    %sub3A_21 = vector.broadcast %slice3A_18 : vector<1x128xf32> to vector<32x128xf32>
    %sub3A_22 = vector.broadcast %transpose3A_20 : vector<32x1xf32> to vector<32x128xf32>
    %sub3A_23 = arith.subf %sub3A_21, %sub3A_22 : vector<32x128xf32>
    %mul3A_24 = arith.mulf %sub3A_23, %sub3A_23 : vector<32x128xf32>
    %add3A_25 = arith.addf %add3A, %mul3A_24 : vector<32x128xf32>
    %slice3A_26 = vector.extract_strided_slice %get3A_8 {offsets = [2, 0], sizes = [1, 128], strides = [1, 1]} : vector<3x128xf32> to vector<1x128xf32>
    %slice3A_27 = vector.extract_strided_slice %get3A_3 {offsets = [2, 0], sizes = [1, 32], strides = [1, 1]} : vector<3x32xf32> to vector<1x32xf32>
    %transpose3A_28 = tpu.transpose %slice3A_27, [1, 0] : vector<1x32xf32> -> vector<32x1xf32>
    %sub3A_29 = vector.broadcast %slice3A_26 : vector<1x128xf32> to vector<32x128xf32>
    %sub3A_30 = vector.broadcast %transpose3A_28 : vector<32x1xf32> to vector<32x128xf32>
    %sub3A_31 = arith.subf %sub3A_29, %sub3A_30 : vector<32x128xf32>
    %mul3A_32 = arith.mulf %sub3A_31, %sub3A_31 : vector<32x128xf32>
    %add3A_33 = arith.addf %add3A_25, %mul3A_32 : vector<32x128xf32>
    %iota3A = tpu.iota {dimensions = array<i32: 0>} : vector<32x128xi32>
    %broadcast_in_dim3A_34 = arith.constant 0.000000e+00 : f32
    %broadcast_in_dim3A_35 = vector.broadcast %broadcast_in_dim3A_34 : f32 to vector<32x128xf32>
    %reduce_min3A = arith.constant dense<0x7F800000> : vector<128xf32>
    %reduce_min3A_36 = vector.multi_reduction <minimumf>, %add3A_33, %reduce_min3A [0] : vector<32x128xf32> to vector<128xf32>
    %broadcast_in_dim3A_37 = vector.shape_cast %reduce_min3A_36 : vector<128xf32> to vector<1x128xf32>
    %eq3A = vector.broadcast %broadcast_in_dim3A_37 : vector<1x128xf32> to vector<32x128xf32>
    %eq3A_38 = arith.cmpf oeq, %add3A_33, %eq3A : vector<32x128xf32>
    %jit3A = arith.constant 32 : i32
    %broadcast_in_dim3A_39 = vector.broadcast %jit3A : i32 to vector<32x128xi32>
    %select_n3A = arith.select %eq3A_38, %iota3A, %broadcast_in_dim3A_39 : vector<32x128xi1>, vector<32x128xi32>
    %reduce_min3A_40 = arith.constant dense<2147483647> : vector<128xi32>
    %reduce_min3A_41 = vector.multi_reduction <minsi>, %select_n3A, %reduce_min3A_40 [0] : vector<32x128xi32> to vector<128xi32>
    %broadcast_in_dim3A_42 = vector.shape_cast %reduce_min3A_41 : vector<128xi32> to vector<1x128xi32>
    %eq3A_43 = vector.broadcast %broadcast_in_dim3A_42 : vector<1x128xi32> to vector<32x128xi32>
    %eq3A_44 = arith.cmpi eq, %iota3A, %eq3A_43 : vector<32x128xi32>
    %max3A = arith.constant 1.000000e-10 : f32
    %max3A_45 = vector.broadcast %max3A : f32 to vector<1x128xf32>
    %max3A_46 = arith.maximumf %broadcast_in_dim3A_37, %max3A_45 : vector<1x128xf32>
    %div3A = arith.constant 1.000000e+00 : f32
    %div3A_47 = vector.broadcast %div3A : f32 to vector<1x128xf32>
    %div3A_48 = arith.divf %div3A_47, %max3A_46 : vector<1x128xf32>
    %jit3A_49 = arith.constant 0x7F800000 : f32
    %broadcast_in_dim3A_50 = vector.broadcast %jit3A_49 : f32 to vector<32x128xf32>
    %select_n3A_51 = arith.select %eq3A_44, %broadcast_in_dim3A_50, %add3A_33 : vector<32x128xi1>, vector<32x128xf32>
    %reduce_min3A_52 = arith.constant dense<0x7F800000> : vector<128xf32>
    %reduce_min3A_53 = vector.multi_reduction <minimumf>, %select_n3A_51, %reduce_min3A_52 [0] : vector<32x128xf32> to vector<128xf32>
    %broadcast_in_dim3A_54 = vector.shape_cast %reduce_min3A_53 : vector<128xf32> to vector<1x128xf32>
    %eq3A_55 = vector.broadcast %broadcast_in_dim3A_54 : vector<1x128xf32> to vector<32x128xf32>
    %eq3A_56 = arith.cmpf oeq, %select_n3A_51, %eq3A_55 : vector<32x128xf32>
    %jit3A_57 = arith.constant 32 : i32
    %broadcast_in_dim3A_58 = vector.broadcast %jit3A_57 : i32 to vector<32x128xi32>
    %select_n3A_59 = arith.select %eq3A_56, %iota3A, %broadcast_in_dim3A_58 : vector<32x128xi1>, vector<32x128xi32>
    %reduce_min3A_60 = arith.constant dense<2147483647> : vector<128xi32>
    %reduce_min3A_61 = vector.multi_reduction <minsi>, %select_n3A_59, %reduce_min3A_60 [0] : vector<32x128xi32> to vector<128xi32>
    %broadcast_in_dim3A_62 = vector.shape_cast %reduce_min3A_61 : vector<128xi32> to vector<1x128xi32>
    %eq3A_63 = vector.broadcast %broadcast_in_dim3A_62 : vector<1x128xi32> to vector<32x128xi32>
    %eq3A_64 = arith.cmpi eq, %iota3A, %eq3A_63 : vector<32x128xi32>
    %max3A_65 = arith.constant 1.000000e-10 : f32
    %max3A_66 = vector.broadcast %max3A_65 : f32 to vector<1x128xf32>
    %max3A_67 = arith.maximumf %broadcast_in_dim3A_54, %max3A_66 : vector<1x128xf32>
    %div3A_68 = arith.constant 1.000000e+00 : f32
    %div3A_69 = vector.broadcast %div3A_68 : f32 to vector<1x128xf32>
    %div3A_70 = arith.divf %div3A_69, %max3A_67 : vector<1x128xf32>
    %jit3A_71 = arith.constant 0x7F800000 : f32
    %broadcast_in_dim3A_72 = vector.broadcast %jit3A_71 : f32 to vector<32x128xf32>
    %select_n3A_73 = arith.select %eq3A_64, %broadcast_in_dim3A_72, %select_n3A_51 : vector<32x128xi1>, vector<32x128xf32>
    %reduce_min3A_74 = arith.constant dense<0x7F800000> : vector<128xf32>
    %reduce_min3A_75 = vector.multi_reduction <minimumf>, %select_n3A_73, %reduce_min3A_74 [0] : vector<32x128xf32> to vector<128xf32>
    %broadcast_in_dim3A_76 = vector.shape_cast %reduce_min3A_75 : vector<128xf32> to vector<1x128xf32>
    %eq3A_77 = vector.broadcast %broadcast_in_dim3A_76 : vector<1x128xf32> to vector<32x128xf32>
    %eq3A_78 = arith.cmpf oeq, %select_n3A_73, %eq3A_77 : vector<32x128xf32>
    %jit3A_79 = arith.constant 32 : i32
    %broadcast_in_dim3A_80 = vector.broadcast %jit3A_79 : i32 to vector<32x128xi32>
    %select_n3A_81 = arith.select %eq3A_78, %iota3A, %broadcast_in_dim3A_80 : vector<32x128xi1>, vector<32x128xi32>
    %reduce_min3A_82 = arith.constant dense<2147483647> : vector<128xi32>
    %reduce_min3A_83 = vector.multi_reduction <minsi>, %select_n3A_81, %reduce_min3A_82 [0] : vector<32x128xi32> to vector<128xi32>
    %broadcast_in_dim3A_84 = vector.shape_cast %reduce_min3A_83 : vector<128xi32> to vector<1x128xi32>
    %eq3A_85 = vector.broadcast %broadcast_in_dim3A_84 : vector<1x128xi32> to vector<32x128xi32>
    %eq3A_86 = arith.cmpi eq, %iota3A, %eq3A_85 : vector<32x128xi32>
    %max3A_87 = arith.constant 1.000000e-10 : f32
    %max3A_88 = vector.broadcast %max3A_87 : f32 to vector<1x128xf32>
    %max3A_89 = arith.maximumf %broadcast_in_dim3A_76, %max3A_88 : vector<1x128xf32>
    %div3A_90 = arith.constant 1.000000e+00 : f32
    %div3A_91 = vector.broadcast %div3A_90 : f32 to vector<1x128xf32>
    %div3A_92 = arith.divf %div3A_91, %max3A_89 : vector<1x128xf32>
    %add3A_93 = arith.addf %div3A_48, %div3A_70 : vector<1x128xf32>
    %add3A_94 = arith.addf %add3A_93, %div3A_92 : vector<1x128xf32>
    %div3A_95 = arith.divf %div3A_48, %add3A_94 : vector<1x128xf32>
    %jit3A_96 = arith.constant 0.000000e+00 : f32
    %broadcast_in_dim3A_97 = vector.shape_cast %div3A_95 : vector<1x128xf32> to vector<1x128xf32>
    %broadcast_in_dim3A_98 = vector.broadcast %broadcast_in_dim3A_97 : vector<1x128xf32> to vector<32x128xf32>
    %broadcast_in_dim3A_99 = vector.broadcast %jit3A_96 : f32 to vector<32x128xf32>
    %select_n3A_100 = arith.select %eq3A_44, %broadcast_in_dim3A_98, %broadcast_in_dim3A_99 : vector<32x128xi1>, vector<32x128xf32>
    %add3A_101 = arith.addf %broadcast_in_dim3A_35, %select_n3A_100 : vector<32x128xf32>
    %div3A_102 = arith.divf %div3A_70, %add3A_94 : vector<1x128xf32>
    %jit3A_103 = arith.constant 0.000000e+00 : f32
    %broadcast_in_dim3A_104 = vector.shape_cast %div3A_102 : vector<1x128xf32> to vector<1x128xf32>
    %broadcast_in_dim3A_105 = vector.broadcast %broadcast_in_dim3A_104 : vector<1x128xf32> to vector<32x128xf32>
    %broadcast_in_dim3A_106 = vector.broadcast %jit3A_103 : f32 to vector<32x128xf32>
    %select_n3A_107 = arith.select %eq3A_64, %broadcast_in_dim3A_105, %broadcast_in_dim3A_106 : vector<32x128xi1>, vector<32x128xf32>
    %add3A_108 = arith.addf %add3A_101, %select_n3A_107 : vector<32x128xf32>
    %div3A_109 = arith.divf %div3A_92, %add3A_94 : vector<1x128xf32>
    %jit3A_110 = arith.constant 0.000000e+00 : f32
    %broadcast_in_dim3A_111 = vector.shape_cast %div3A_109 : vector<1x128xf32> to vector<1x128xf32>
    %broadcast_in_dim3A_112 = vector.broadcast %broadcast_in_dim3A_111 : vector<1x128xf32> to vector<32x128xf32>
    %broadcast_in_dim3A_113 = vector.broadcast %jit3A_110 : f32 to vector<32x128xf32>
    %select_n3A_114 = arith.select %eq3A_86, %broadcast_in_dim3A_112, %broadcast_in_dim3A_113 : vector<32x128xi1>, vector<32x128xf32>
    %add3A_115 = arith.addf %add3A_108, %select_n3A_114 : vector<32x128xf32>
    %dot_general3A = arith.constant dense<0.000000e+00> : vector<64x128xf32>
    %dot_general3A_116 = tpu.matmul %get3A_13, %add3A_115, %dot_general3A {dimension_numbers = #tpu.dot_dimension_numbers<[1], [0], [0], [1], [0, 0, 1, 1], [], []>, transpose_lhs_hint = false} : vector<64x32xf32>, vector<32x128xf32>, vector<64x128xf32> -> vector<64x128xf32>
    %swap3A = arith.constant 0 : index
    %swap3A_117 = arith.constant 0 : index
    %swap3A_118 = arith.constant 0 : index
    %swap3A_119 = vector.load %arg4[%swap3A, %swap3A_117, %swap3A_118] : memref<1x64x128xf32, #tpu.memory_space<vmem>>, vector<1x64x128xf32>
    %swap3A_120 = vector.shape_cast %swap3A_119 : vector<1x64x128xf32> to vector<64x128xf32>
    %swap3A_121 = vector.shape_cast %dot_general3A_116 : vector<64x128xf32> to vector<1x64x128xf32>
    tpu.vector_store %arg4[%swap3A, %swap3A_117, %swap3A_118], %swap3A_121 {strides = array<i32>} : memref<1x64x128xf32, #tpu.memory_space<vmem>>, vector<1x64x128xf32>,
    return
  }
  func.func @transform_0(%arg0: i32) -> (i32, i32, i32) {
    %c0_i32 = arith.constant 0 : i32
    %c0_i32_0 = arith.constant 0 : i32
    %c0_i32_1 = arith.constant 0 : i32
    return %arg0, %c0_i32, %c0_i32_0 : i32, i32, i32
  }
  func.func @transform_1(%arg0: i32) -> (i32, i32, i32) {
    %c0_i32 = arith.constant 0 : i32
    %c0_i32_0 = arith.constant 0 : i32
    %c0_i32_1 = arith.constant 0 : i32
    return %arg0, %c0_i32, %c0_i32_0 : i32, i32, i32
  }
  func.func @transform_2(%arg0: i32) -> (i32, i32, i32) {
    %c0_i32 = arith.constant 0 : i32
    %c0_i32_0 = arith.constant 0 : i32
    %c0_i32_1 = arith.constant 0 : i32
    return %arg0, %c0_i32, %c0_i32_0 : i32, i32, i32
  }
  func.func @transform_3(%arg0: i32) -> (i32, i32, i32) {
    %c0_i32 = arith.constant 0 : i32
    %c0_i32_0 = arith.constant 0 : i32
    %c0_i32_1 = arith.constant 0 : i32
    return %arg0, %c0_i32, %c0_i32_0 : i32, i32, i32
  }
}

module attributes {stable_mosaic.version = 14 : i64} {
  func.func @_mlp_body(%arg0: i32, %arg1: memref<1x128x96xf32, #tpu.memory_space<vmem>>, %arg2: memref<96x64xf32, #tpu.memory_space<vmem>>, %arg3: memref<1x64xf32, #tpu.memory_space<vmem>>, %arg4: memref<1x64xf32, #tpu.memory_space<vmem>>, %arg5: memref<64x32xf32, #tpu.memory_space<vmem>>, %arg6: memref<1x32xf32, #tpu.memory_space<vmem>>, %arg7: memref<1x32xf32, #tpu.memory_space<vmem>>, %arg8: memref<1x128x32xf32, #tpu.memory_space<vmem>>) attributes {dimension_semantics = [#tpu.dimension_semantics<parallel>], iteration_bounds = array<i64: 16>, scalar_prefetch = 0 : i64, scratch_operands = 0 : i64, tpu.core_type = #tpu.core_type<tc>, window_params = [{transform_indices = @transform_0, window_bounds = array<i64: 1, 128, 96>}, {pipeline_mode = #tpu.pipeline_mode<synchronous>, transform_indices = @transform_1, window_bounds = array<i64: 96, 64>}, {pipeline_mode = #tpu.pipeline_mode<synchronous>, transform_indices = @transform_2, window_bounds = array<i64: 1, 64>}, {pipeline_mode = #tpu.pipeline_mode<synchronous>, transform_indices = @transform_3, window_bounds = array<i64: 1, 64>}, {pipeline_mode = #tpu.pipeline_mode<synchronous>, transform_indices = @transform_4, window_bounds = array<i64: 64, 32>}, {pipeline_mode = #tpu.pipeline_mode<synchronous>, transform_indices = @transform_5, window_bounds = array<i64: 1, 32>}, {pipeline_mode = #tpu.pipeline_mode<synchronous>, transform_indices = @transform_6, window_bounds = array<i64: 1, 32>}, {transform_indices = @transform_7, window_bounds = array<i64: 1, 128, 32>}]} {
    %get3A = arith.constant 0 : index
    %get3A_0 = arith.constant 0 : index
    %get3A_1 = arith.constant 0 : index
    %get3A_2 = vector.load %arg1[%get3A, %get3A_0, %get3A_1] : memref<1x128x96xf32, #tpu.memory_space<vmem>>, vector<1x128x96xf32>
    %get3A_3 = vector.shape_cast %get3A_2 : vector<1x128x96xf32> to vector<128x96xf32>
    %get3A_4 = arith.constant 0 : index
    %get3A_5 = arith.constant 0 : index
    %get3A_6 = vector.load %arg2[%get3A_4, %get3A_5] : memref<96x64xf32, #tpu.memory_space<vmem>>, vector<96x64xf32>
    %get3A_7 = arith.constant 0 : index
    %get3A_8 = arith.constant 0 : index
    %get3A_9 = vector.load %arg3[%get3A_7, %get3A_8] : memref<1x64xf32, #tpu.memory_space<vmem>>, vector<1x64xf32>
    %get3A_10 = arith.constant 0 : index
    %get3A_11 = arith.constant 0 : index
    %get3A_12 = vector.load %arg4[%get3A_10, %get3A_11] : memref<1x64xf32, #tpu.memory_space<vmem>>, vector<1x64xf32>
    %dot_general3A = arith.constant dense<0.000000e+00> : vector<128x64xf32>
    %dot_general3A_13 = tpu.matmul %get3A_3, %get3A_6, %dot_general3A {dimension_numbers = #tpu.dot_dimension_numbers<[1], [0], [0], [1], [0, 0, 1, 1], [], []>, transpose_lhs_hint = false} : vector<128x96xf32>, vector<96x64xf32>, vector<128x64xf32> -> vector<128x64xf32>
    %mul3A = vector.broadcast %get3A_9 : vector<1x64xf32> to vector<128x64xf32>
    %mul3A_14 = arith.mulf %dot_general3A_13, %mul3A : vector<128x64xf32>
    %add3A = vector.broadcast %get3A_12 : vector<1x64xf32> to vector<128x64xf32>
    %add3A_15 = arith.addf %mul3A_14, %add3A : vector<128x64xf32>
    %max3A = arith.constant 0.000000e+00 : f32
    %max3A_16 = vector.broadcast %max3A : f32 to vector<128x64xf32>
    %max3A_17 = arith.maximumf %add3A_15, %max3A_16 : vector<128x64xf32>
    %get3A_18 = arith.constant 0 : index
    %get3A_19 = arith.constant 0 : index
    %get3A_20 = vector.load %arg5[%get3A_18, %get3A_19] : memref<64x32xf32, #tpu.memory_space<vmem>>, vector<64x32xf32>
    %get3A_21 = arith.constant 0 : index
    %get3A_22 = arith.constant 0 : index
    %get3A_23 = vector.load %arg6[%get3A_21, %get3A_22] : memref<1x32xf32, #tpu.memory_space<vmem>>, vector<1x32xf32>
    %get3A_24 = arith.constant 0 : index
    %get3A_25 = arith.constant 0 : index
    %get3A_26 = vector.load %arg7[%get3A_24, %get3A_25] : memref<1x32xf32, #tpu.memory_space<vmem>>, vector<1x32xf32>
    %dot_general3A_27 = arith.constant dense<0.000000e+00> : vector<128x32xf32>
    %dot_general3A_28 = tpu.matmul %max3A_17, %get3A_20, %dot_general3A_27 {dimension_numbers = #tpu.dot_dimension_numbers<[1], [0], [0], [1], [0, 0, 1, 1], [], []>, transpose_lhs_hint = false} : vector<128x64xf32>, vector<64x32xf32>, vector<128x32xf32> -> vector<128x32xf32>
    %mul3A_29 = vector.broadcast %get3A_23 : vector<1x32xf32> to vector<128x32xf32>
    %mul3A_30 = arith.mulf %dot_general3A_28, %mul3A_29 : vector<128x32xf32>
    %add3A_31 = vector.broadcast %get3A_26 : vector<1x32xf32> to vector<128x32xf32>
    %add3A_32 = arith.addf %mul3A_30, %add3A_31 : vector<128x32xf32>
    %max3A_33 = arith.constant 0.000000e+00 : f32
    %max3A_34 = vector.broadcast %max3A_33 : f32 to vector<128x32xf32>
    %max3A_35 = arith.maximumf %add3A_32, %max3A_34 : vector<128x32xf32>
    %swap3A = arith.constant 0 : index
    %swap3A_36 = arith.constant 0 : index
    %swap3A_37 = arith.constant 0 : index
    %swap3A_38 = vector.load %arg8[%swap3A, %swap3A_36, %swap3A_37] : memref<1x128x32xf32, #tpu.memory_space<vmem>>, vector<1x128x32xf32>
    %swap3A_39 = vector.shape_cast %swap3A_38 : vector<1x128x32xf32> to vector<128x32xf32>
    %swap3A_40 = vector.shape_cast %max3A_35 : vector<128x32xf32> to vector<1x128x32xf32>
    tpu.vector_store %arg8[%swap3A, %swap3A_36, %swap3A_37], %swap3A_40 {strides = array<i32>} : memref<1x128x32xf32, #tpu.memory_space<vmem>>, vector<1x128x32xf32>,
    return
  }
  func.func @transform_0(%arg0: i32) -> (i32, i32, i32) {
    %c0_i32 = arith.constant 0 : i32
    %c0_i32_0 = arith.constant 0 : i32
    %c0_i32_1 = arith.constant 0 : i32
    return %arg0, %c0_i32, %c0_i32_0 : i32, i32, i32
  }
  func.func @transform_1(%arg0: i32) -> (i32, i32) {
    %c0_i32 = arith.constant 0 : i32
    %c0_i32_0 = arith.constant 0 : i32
    %c0_i32_1 = arith.constant 0 : i32
    return %c0_i32, %c0_i32_0 : i32, i32
  }
  func.func @transform_2(%arg0: i32) -> (i32, i32) {
    %c0_i32 = arith.constant 0 : i32
    %c0_i32_0 = arith.constant 0 : i32
    %c0_i32_1 = arith.constant 0 : i32
    return %c0_i32, %c0_i32_0 : i32, i32
  }
  func.func @transform_3(%arg0: i32) -> (i32, i32) {
    %c0_i32 = arith.constant 0 : i32
    %c0_i32_0 = arith.constant 0 : i32
    %c0_i32_1 = arith.constant 0 : i32
    return %c0_i32, %c0_i32_0 : i32, i32
  }
  func.func @transform_4(%arg0: i32) -> (i32, i32) {
    %c0_i32 = arith.constant 0 : i32
    %c0_i32_0 = arith.constant 0 : i32
    %c0_i32_1 = arith.constant 0 : i32
    return %c0_i32, %c0_i32_0 : i32, i32
  }
  func.func @transform_5(%arg0: i32) -> (i32, i32) {
    %c0_i32 = arith.constant 0 : i32
    %c0_i32_0 = arith.constant 0 : i32
    %c0_i32_1 = arith.constant 0 : i32
    return %c0_i32, %c0_i32_0 : i32, i32
  }
  func.func @transform_6(%arg0: i32) -> (i32, i32) {
    %c0_i32 = arith.constant 0 : i32
    %c0_i32_0 = arith.constant 0 : i32
    %c0_i32_1 = arith.constant 0 : i32
    return %c0_i32, %c0_i32_0 : i32, i32
  }
  func.func @transform_7(%arg0: i32) -> (i32, i32, i32) {
    %c0_i32 = arith.constant 0 : i32
    %c0_i32_0 = arith.constant 0 : i32
    %c0_i32_1 = arith.constant 0 : i32
    return %arg0, %c0_i32, %c0_i32_0 : i32, i32, i32
  }
}

module attributes {stable_mosaic.version = 14 : i64} {
  func.func @_interp_body(%arg0: i32, %arg1: memref<1x3x128xf32, #tpu.memory_space<vmem>>, %arg2: memref<1x3x8192xf32, #tpu.memory_space<vmem>>, %arg3: memref<1x32x128xf32, #tpu.memory_space<vmem>>, %arg4: memref<1x32x8192xf32, #tpu.memory_space<vmem>>) attributes {dimension_semantics = [#tpu.dimension_semantics<arbitrary>], iteration_bounds = array<i64: 16>, scalar_prefetch = 0 : i64, scratch_operands = 0 : i64, tpu.core_type = #tpu.core_type<tc>, window_params = [{transform_indices = @transform_0, window_bounds = array<i64: 1, 3, 128>}, {transform_indices = @transform_1, window_bounds = array<i64: 1, 3, 8192>}, {transform_indices = @transform_2, window_bounds = array<i64: 1, 32, 128>}, {transform_indices = @transform_3, window_bounds = array<i64: 1, 32, 8192>}]} {
    %get3A = arith.constant 0 : index
    %get3A_0 = arith.constant 0 : index
    %get3A_1 = arith.constant 0 : index
    %get3A_2 = vector.load %arg1[%get3A, %get3A_0, %get3A_1] : memref<1x3x128xf32, #tpu.memory_space<vmem>>, vector<1x3x128xf32>
    %get3A_3 = vector.shape_cast %get3A_2 : vector<1x3x128xf32> to vector<3x128xf32>
    %get3A_4 = arith.constant 0 : index
    %get3A_5 = arith.constant 0 : index
    %get3A_6 = arith.constant 0 : index
    %get3A_7 = vector.load %arg2[%get3A_4, %get3A_5, %get3A_6] : memref<1x3x8192xf32, #tpu.memory_space<vmem>>, vector<1x3x8192xf32>
    %get3A_8 = vector.shape_cast %get3A_7 : vector<1x3x8192xf32> to vector<3x8192xf32>
    %get3A_9 = arith.constant 0 : index
    %get3A_10 = arith.constant 0 : index
    %get3A_11 = arith.constant 0 : index
    %get3A_12 = vector.load %arg3[%get3A_9, %get3A_10, %get3A_11] : memref<1x32x128xf32, #tpu.memory_space<vmem>>, vector<1x32x128xf32>
    %get3A_13 = vector.shape_cast %get3A_12 : vector<1x32x128xf32> to vector<32x128xf32>
    %broadcast_in_dim3A = arith.constant 0.000000e+00 : f32
    %broadcast_in_dim3A_14 = vector.broadcast %broadcast_in_dim3A : f32 to vector<128x8192xf32>
    %slice3A = vector.extract_strided_slice %get3A_8 {offsets = [0, 0], sizes = [1, 8192], strides = [1, 1]} : vector<3x8192xf32> to vector<1x8192xf32>
    %slice3A_15 = vector.extract_strided_slice %get3A_3 {offsets = [0, 0], sizes = [1, 128], strides = [1, 1]} : vector<3x128xf32> to vector<1x128xf32>
    %transpose3A = tpu.transpose %slice3A_15, [1, 0] : vector<1x128xf32> -> vector<128x1xf32>
    %sub3A = vector.broadcast %slice3A : vector<1x8192xf32> to vector<128x8192xf32>
    %sub3A_16 = vector.broadcast %transpose3A : vector<128x1xf32> to vector<128x8192xf32>
    %sub3A_17 = arith.subf %sub3A, %sub3A_16 : vector<128x8192xf32>
    %mul3A = arith.mulf %sub3A_17, %sub3A_17 : vector<128x8192xf32>
    %add3A = arith.addf %broadcast_in_dim3A_14, %mul3A : vector<128x8192xf32>
    %slice3A_18 = vector.extract_strided_slice %get3A_8 {offsets = [1, 0], sizes = [1, 8192], strides = [1, 1]} : vector<3x8192xf32> to vector<1x8192xf32>
    %slice3A_19 = vector.extract_strided_slice %get3A_3 {offsets = [1, 0], sizes = [1, 128], strides = [1, 1]} : vector<3x128xf32> to vector<1x128xf32>
    %transpose3A_20 = tpu.transpose %slice3A_19, [1, 0] : vector<1x128xf32> -> vector<128x1xf32>
    %sub3A_21 = vector.broadcast %slice3A_18 : vector<1x8192xf32> to vector<128x8192xf32>
    %sub3A_22 = vector.broadcast %transpose3A_20 : vector<128x1xf32> to vector<128x8192xf32>
    %sub3A_23 = arith.subf %sub3A_21, %sub3A_22 : vector<128x8192xf32>
    %mul3A_24 = arith.mulf %sub3A_23, %sub3A_23 : vector<128x8192xf32>
    %add3A_25 = arith.addf %add3A, %mul3A_24 : vector<128x8192xf32>
    %slice3A_26 = vector.extract_strided_slice %get3A_8 {offsets = [2, 0], sizes = [1, 8192], strides = [1, 1]} : vector<3x8192xf32> to vector<1x8192xf32>
    %slice3A_27 = vector.extract_strided_slice %get3A_3 {offsets = [2, 0], sizes = [1, 128], strides = [1, 1]} : vector<3x128xf32> to vector<1x128xf32>
    %transpose3A_28 = tpu.transpose %slice3A_27, [1, 0] : vector<1x128xf32> -> vector<128x1xf32>
    %sub3A_29 = vector.broadcast %slice3A_26 : vector<1x8192xf32> to vector<128x8192xf32>
    %sub3A_30 = vector.broadcast %transpose3A_28 : vector<128x1xf32> to vector<128x8192xf32>
    %sub3A_31 = arith.subf %sub3A_29, %sub3A_30 : vector<128x8192xf32>
    %mul3A_32 = arith.mulf %sub3A_31, %sub3A_31 : vector<128x8192xf32>
    %add3A_33 = arith.addf %add3A_25, %mul3A_32 : vector<128x8192xf32>
    %iota3A = tpu.iota {dimensions = array<i32: 0>} : vector<128x8192xi32>
    %broadcast_in_dim3A_34 = arith.constant 0.000000e+00 : f32
    %broadcast_in_dim3A_35 = vector.broadcast %broadcast_in_dim3A_34 : f32 to vector<128x8192xf32>
    %reduce_min3A = arith.constant dense<0x7F800000> : vector<8192xf32>
    %reduce_min3A_36 = vector.multi_reduction <minimumf>, %add3A_33, %reduce_min3A [0] : vector<128x8192xf32> to vector<8192xf32>
    %broadcast_in_dim3A_37 = vector.shape_cast %reduce_min3A_36 : vector<8192xf32> to vector<1x8192xf32>
    %eq3A = vector.broadcast %broadcast_in_dim3A_37 : vector<1x8192xf32> to vector<128x8192xf32>
    %eq3A_38 = arith.cmpf oeq, %add3A_33, %eq3A : vector<128x8192xf32>
    %jit3A = arith.constant 128 : i32
    %broadcast_in_dim3A_39 = vector.broadcast %jit3A : i32 to vector<128x8192xi32>
    %select_n3A = arith.select %eq3A_38, %iota3A, %broadcast_in_dim3A_39 : vector<128x8192xi1>, vector<128x8192xi32>
    %reduce_min3A_40 = arith.constant dense<2147483647> : vector<8192xi32>
    %reduce_min3A_41 = vector.multi_reduction <minsi>, %select_n3A, %reduce_min3A_40 [0] : vector<128x8192xi32> to vector<8192xi32>
    %broadcast_in_dim3A_42 = vector.shape_cast %reduce_min3A_41 : vector<8192xi32> to vector<1x8192xi32>
    %eq3A_43 = vector.broadcast %broadcast_in_dim3A_42 : vector<1x8192xi32> to vector<128x8192xi32>
    %eq3A_44 = arith.cmpi eq, %iota3A, %eq3A_43 : vector<128x8192xi32>
    %max3A = arith.constant 1.000000e-10 : f32
    %max3A_45 = vector.broadcast %max3A : f32 to vector<1x8192xf32>
    %max3A_46 = arith.maximumf %broadcast_in_dim3A_37, %max3A_45 : vector<1x8192xf32>
    %div3A = arith.constant 1.000000e+00 : f32
    %div3A_47 = vector.broadcast %div3A : f32 to vector<1x8192xf32>
    %div3A_48 = arith.divf %div3A_47, %max3A_46 : vector<1x8192xf32>
    %jit3A_49 = arith.constant 0x7F800000 : f32
    %broadcast_in_dim3A_50 = vector.broadcast %jit3A_49 : f32 to vector<128x8192xf32>
    %select_n3A_51 = arith.select %eq3A_44, %broadcast_in_dim3A_50, %add3A_33 : vector<128x8192xi1>, vector<128x8192xf32>
    %reduce_min3A_52 = arith.constant dense<0x7F800000> : vector<8192xf32>
    %reduce_min3A_53 = vector.multi_reduction <minimumf>, %select_n3A_51, %reduce_min3A_52 [0] : vector<128x8192xf32> to vector<8192xf32>
    %broadcast_in_dim3A_54 = vector.shape_cast %reduce_min3A_53 : vector<8192xf32> to vector<1x8192xf32>
    %eq3A_55 = vector.broadcast %broadcast_in_dim3A_54 : vector<1x8192xf32> to vector<128x8192xf32>
    %eq3A_56 = arith.cmpf oeq, %select_n3A_51, %eq3A_55 : vector<128x8192xf32>
    %jit3A_57 = arith.constant 128 : i32
    %broadcast_in_dim3A_58 = vector.broadcast %jit3A_57 : i32 to vector<128x8192xi32>
    %select_n3A_59 = arith.select %eq3A_56, %iota3A, %broadcast_in_dim3A_58 : vector<128x8192xi1>, vector<128x8192xi32>
    %reduce_min3A_60 = arith.constant dense<2147483647> : vector<8192xi32>
    %reduce_min3A_61 = vector.multi_reduction <minsi>, %select_n3A_59, %reduce_min3A_60 [0] : vector<128x8192xi32> to vector<8192xi32>
    %broadcast_in_dim3A_62 = vector.shape_cast %reduce_min3A_61 : vector<8192xi32> to vector<1x8192xi32>
    %eq3A_63 = vector.broadcast %broadcast_in_dim3A_62 : vector<1x8192xi32> to vector<128x8192xi32>
    %eq3A_64 = arith.cmpi eq, %iota3A, %eq3A_63 : vector<128x8192xi32>
    %max3A_65 = arith.constant 1.000000e-10 : f32
    %max3A_66 = vector.broadcast %max3A_65 : f32 to vector<1x8192xf32>
    %max3A_67 = arith.maximumf %broadcast_in_dim3A_54, %max3A_66 : vector<1x8192xf32>
    %div3A_68 = arith.constant 1.000000e+00 : f32
    %div3A_69 = vector.broadcast %div3A_68 : f32 to vector<1x8192xf32>
    %div3A_70 = arith.divf %div3A_69, %max3A_67 : vector<1x8192xf32>
    %jit3A_71 = arith.constant 0x7F800000 : f32
    %broadcast_in_dim3A_72 = vector.broadcast %jit3A_71 : f32 to vector<128x8192xf32>
    %select_n3A_73 = arith.select %eq3A_64, %broadcast_in_dim3A_72, %select_n3A_51 : vector<128x8192xi1>, vector<128x8192xf32>
    %reduce_min3A_74 = arith.constant dense<0x7F800000> : vector<8192xf32>
    %reduce_min3A_75 = vector.multi_reduction <minimumf>, %select_n3A_73, %reduce_min3A_74 [0] : vector<128x8192xf32> to vector<8192xf32>
    %broadcast_in_dim3A_76 = vector.shape_cast %reduce_min3A_75 : vector<8192xf32> to vector<1x8192xf32>
    %eq3A_77 = vector.broadcast %broadcast_in_dim3A_76 : vector<1x8192xf32> to vector<128x8192xf32>
    %eq3A_78 = arith.cmpf oeq, %select_n3A_73, %eq3A_77 : vector<128x8192xf32>
    %jit3A_79 = arith.constant 128 : i32
    %broadcast_in_dim3A_80 = vector.broadcast %jit3A_79 : i32 to vector<128x8192xi32>
    %select_n3A_81 = arith.select %eq3A_78, %iota3A, %broadcast_in_dim3A_80 : vector<128x8192xi1>, vector<128x8192xi32>
    %reduce_min3A_82 = arith.constant dense<2147483647> : vector<8192xi32>
    %reduce_min3A_83 = vector.multi_reduction <minsi>, %select_n3A_81, %reduce_min3A_82 [0] : vector<128x8192xi32> to vector<8192xi32>
    %broadcast_in_dim3A_84 = vector.shape_cast %reduce_min3A_83 : vector<8192xi32> to vector<1x8192xi32>
    %eq3A_85 = vector.broadcast %broadcast_in_dim3A_84 : vector<1x8192xi32> to vector<128x8192xi32>
    %eq3A_86 = arith.cmpi eq, %iota3A, %eq3A_85 : vector<128x8192xi32>
    %max3A_87 = arith.constant 1.000000e-10 : f32
    %max3A_88 = vector.broadcast %max3A_87 : f32 to vector<1x8192xf32>
    %max3A_89 = arith.maximumf %broadcast_in_dim3A_76, %max3A_88 : vector<1x8192xf32>
    %div3A_90 = arith.constant 1.000000e+00 : f32
    %div3A_91 = vector.broadcast %div3A_90 : f32 to vector<1x8192xf32>
    %div3A_92 = arith.divf %div3A_91, %max3A_89 : vector<1x8192xf32>
    %add3A_93 = arith.addf %div3A_48, %div3A_70 : vector<1x8192xf32>
    %add3A_94 = arith.addf %add3A_93, %div3A_92 : vector<1x8192xf32>
    %div3A_95 = arith.divf %div3A_48, %add3A_94 : vector<1x8192xf32>
    %jit3A_96 = arith.constant 0.000000e+00 : f32
    %broadcast_in_dim3A_97 = vector.shape_cast %div3A_95 : vector<1x8192xf32> to vector<1x8192xf32>
    %broadcast_in_dim3A_98 = vector.broadcast %broadcast_in_dim3A_97 : vector<1x8192xf32> to vector<128x8192xf32>
    %broadcast_in_dim3A_99 = vector.broadcast %jit3A_96 : f32 to vector<128x8192xf32>
    %select_n3A_100 = arith.select %eq3A_44, %broadcast_in_dim3A_98, %broadcast_in_dim3A_99 : vector<128x8192xi1>, vector<128x8192xf32>
    %add3A_101 = arith.addf %broadcast_in_dim3A_35, %select_n3A_100 : vector<128x8192xf32>
    %div3A_102 = arith.divf %div3A_70, %add3A_94 : vector<1x8192xf32>
    %jit3A_103 = arith.constant 0.000000e+00 : f32
    %broadcast_in_dim3A_104 = vector.shape_cast %div3A_102 : vector<1x8192xf32> to vector<1x8192xf32>
    %broadcast_in_dim3A_105 = vector.broadcast %broadcast_in_dim3A_104 : vector<1x8192xf32> to vector<128x8192xf32>
    %broadcast_in_dim3A_106 = vector.broadcast %jit3A_103 : f32 to vector<128x8192xf32>
    %select_n3A_107 = arith.select %eq3A_64, %broadcast_in_dim3A_105, %broadcast_in_dim3A_106 : vector<128x8192xi1>, vector<128x8192xf32>
    %add3A_108 = arith.addf %add3A_101, %select_n3A_107 : vector<128x8192xf32>
    %div3A_109 = arith.divf %div3A_92, %add3A_94 : vector<1x8192xf32>
    %jit3A_110 = arith.constant 0.000000e+00 : f32
    %broadcast_in_dim3A_111 = vector.shape_cast %div3A_109 : vector<1x8192xf32> to vector<1x8192xf32>
    %broadcast_in_dim3A_112 = vector.broadcast %broadcast_in_dim3A_111 : vector<1x8192xf32> to vector<128x8192xf32>
    %broadcast_in_dim3A_113 = vector.broadcast %jit3A_110 : f32 to vector<128x8192xf32>
    %select_n3A_114 = arith.select %eq3A_86, %broadcast_in_dim3A_112, %broadcast_in_dim3A_113 : vector<128x8192xi1>, vector<128x8192xf32>
    %add3A_115 = arith.addf %add3A_108, %select_n3A_114 : vector<128x8192xf32>
    %dot_general3A = arith.constant dense<0.000000e+00> : vector<32x8192xf32>
    %dot_general3A_116 = tpu.matmul %get3A_13, %add3A_115, %dot_general3A {dimension_numbers = #tpu.dot_dimension_numbers<[1], [0], [0], [1], [0, 0, 1, 1], [], []>, transpose_lhs_hint = false} : vector<32x128xf32>, vector<128x8192xf32>, vector<32x8192xf32> -> vector<32x8192xf32>
    %swap3A = arith.constant 0 : index
    %swap3A_117 = arith.constant 0 : index
    %swap3A_118 = arith.constant 0 : index
    %swap3A_119 = vector.load %arg4[%swap3A, %swap3A_117, %swap3A_118] : memref<1x32x8192xf32, #tpu.memory_space<vmem>>, vector<1x32x8192xf32>
    %swap3A_120 = vector.shape_cast %swap3A_119 : vector<1x32x8192xf32> to vector<32x8192xf32>
    %swap3A_121 = vector.shape_cast %dot_general3A_116 : vector<32x8192xf32> to vector<1x32x8192xf32>
    tpu.vector_store %arg4[%swap3A, %swap3A_117, %swap3A_118], %swap3A_121 {strides = array<i32>} : memref<1x32x8192xf32, #tpu.memory_space<vmem>>, vector<1x32x8192xf32>,
    return
  }
  func.func @transform_0(%arg0: i32) -> (i32, i32, i32) {
    %c0_i32 = arith.constant 0 : i32
    %c0_i32_0 = arith.constant 0 : i32
    %c0_i32_1 = arith.constant 0 : i32
    return %arg0, %c0_i32, %c0_i32_0 : i32, i32, i32
  }
  func.func @transform_1(%arg0: i32) -> (i32, i32, i32) {
    %c0_i32 = arith.constant 0 : i32
    %c0_i32_0 = arith.constant 0 : i32
    %c0_i32_1 = arith.constant 0 : i32
    return %arg0, %c0_i32, %c0_i32_0 : i32, i32, i32
  }
  func.func @transform_2(%arg0: i32) -> (i32, i32, i32) {
    %c0_i32 = arith.constant 0 : i32
    %c0_i32_0 = arith.constant 0 : i32
    %c0_i32_1 = arith.constant 0 : i32
    return %arg0, %c0_i32, %c0_i32_0 : i32, i32, i32
  }
  func.func @transform_3(%arg0: i32) -> (i32, i32, i32) {
    %c0_i32 = arith.constant 0 : i32
    %c0_i32_0 = arith.constant 0 : i32
    %c0_i32_1 = arith.constant 0 : i32
    return %arg0, %c0_i32, %c0_i32_0 : i32, i32, i32
  }
}

module attributes {stable_mosaic.version = 14 : i64} {
  func.func @_mlp_body(%arg0: i32, %arg1: memref<1x8192x38xf32, #tpu.memory_space<vmem>>, %arg2: memref<38x32xf32, #tpu.memory_space<vmem>>, %arg3: memref<1x32xf32, #tpu.memory_space<vmem>>, %arg4: memref<1x32xf32, #tpu.memory_space<vmem>>, %arg5: memref<32x32xf32, #tpu.memory_space<vmem>>, %arg6: memref<1x32xf32, #tpu.memory_space<vmem>>, %arg7: memref<1x32xf32, #tpu.memory_space<vmem>>, %arg8: memref<32x32xf32, #tpu.memory_space<vmem>>, %arg9: memref<1x32xf32, #tpu.memory_space<vmem>>, %arg10: memref<1x32xf32, #tpu.memory_space<vmem>>, %arg11: memref<32x32xf32, #tpu.memory_space<vmem>>, %arg12: memref<1x32xf32, #tpu.memory_space<vmem>>, %arg13: memref<1x32xf32, #tpu.memory_space<vmem>>, %arg14: memref<1x8192x32xf32, #tpu.memory_space<vmem>>) attributes {dimension_semantics = [#tpu.dimension_semantics<parallel>], iteration_bounds = array<i64: 16>, scalar_prefetch = 0 : i64, scratch_operands = 0 : i64, tpu.core_type = #tpu.core_type<tc>, window_params = [{transform_indices = @transform_0, window_bounds = array<i64: 1, 8192, 38>}, {pipeline_mode = #tpu.pipeline_mode<synchronous>, transform_indices = @transform_1, window_bounds = array<i64: 38, 32>}, {pipeline_mode = #tpu.pipeline_mode<synchronous>, transform_indices = @transform_2, window_bounds = array<i64: 1, 32>}, {pipeline_mode = #tpu.pipeline_mode<synchronous>, transform_indices = @transform_3, window_bounds = array<i64: 1, 32>}, {pipeline_mode = #tpu.pipeline_mode<synchronous>, transform_indices = @transform_4, window_bounds = array<i64: 32, 32>}, {pipeline_mode = #tpu.pipeline_mode<synchronous>, transform_indices = @transform_5, window_bounds = array<i64: 1, 32>}, {pipeline_mode = #tpu.pipeline_mode<synchronous>, transform_indices = @transform_6, window_bounds = array<i64: 1, 32>}, {pipeline_mode = #tpu.pipeline_mode<synchronous>, transform_indices = @transform_7, window_bounds = array<i64: 32, 32>}, {pipeline_mode = #tpu.pipeline_mode<synchronous>, transform_indices = @transform_8, window_bounds = array<i64: 1, 32>}, {pipeline_mode = #tpu.pipeline_mode<synchronous>, transform_indices = @transform_9, window_bounds = array<i64: 1, 32>}, {pipeline_mode = #tpu.pipeline_mode<synchronous>, transform_indices = @transform_10, window_bounds = array<i64: 32, 32>}, {pipeline_mode = #tpu.pipeline_mode<synchronous>, transform_indices = @transform_11, window_bounds = array<i64: 1, 32>}, {pipeline_mode = #tpu.pipeline_mode<synchronous>, transform_indices = @transform_12, window_bounds = array<i64: 1, 32>}, {transform_indices = @transform_13, window_bounds = array<i64: 1, 8192, 32>}]} {
    %get3A = arith.constant 0 : index
    %get3A_0 = arith.constant 0 : index
    %get3A_1 = arith.constant 0 : index
    %get3A_2 = vector.load %arg1[%get3A, %get3A_0, %get3A_1] : memref<1x8192x38xf32, #tpu.memory_space<vmem>>, vector<1x8192x38xf32>
    %get3A_3 = vector.shape_cast %get3A_2 : vector<1x8192x38xf32> to vector<8192x38xf32>
    %get3A_4 = arith.constant 0 : index
    %get3A_5 = arith.constant 0 : index
    %get3A_6 = vector.load %arg2[%get3A_4, %get3A_5] : memref<38x32xf32, #tpu.memory_space<vmem>>, vector<38x32xf32>
    %get3A_7 = arith.constant 0 : index
    %get3A_8 = arith.constant 0 : index
    %get3A_9 = vector.load %arg3[%get3A_7, %get3A_8] : memref<1x32xf32, #tpu.memory_space<vmem>>, vector<1x32xf32>
    %get3A_10 = arith.constant 0 : index
    %get3A_11 = arith.constant 0 : index
    %get3A_12 = vector.load %arg4[%get3A_10, %get3A_11] : memref<1x32xf32, #tpu.memory_space<vmem>>, vector<1x32xf32>
    %dot_general3A = arith.constant dense<0.000000e+00> : vector<8192x32xf32>
    %dot_general3A_13 = tpu.matmul %get3A_3, %get3A_6, %dot_general3A {dimension_numbers = #tpu.dot_dimension_numbers<[1], [0], [0], [1], [0, 0, 1, 1], [], []>, transpose_lhs_hint = false} : vector<8192x38xf32>, vector<38x32xf32>, vector<8192x32xf32> -> vector<8192x32xf32>
    %mul3A = vector.broadcast %get3A_9 : vector<1x32xf32> to vector<8192x32xf32>
    %mul3A_14 = arith.mulf %dot_general3A_13, %mul3A : vector<8192x32xf32>
    %add3A = vector.broadcast %get3A_12 : vector<1x32xf32> to vector<8192x32xf32>
    %add3A_15 = arith.addf %mul3A_14, %add3A : vector<8192x32xf32>
    %max3A = arith.constant 0.000000e+00 : f32
    %max3A_16 = vector.broadcast %max3A : f32 to vector<8192x32xf32>
    %max3A_17 = arith.maximumf %add3A_15, %max3A_16 : vector<8192x32xf32>
    %get3A_18 = arith.constant 0 : index
    %get3A_19 = arith.constant 0 : index
    %get3A_20 = vector.load %arg5[%get3A_18, %get3A_19] : memref<32x32xf32, #tpu.memory_space<vmem>>, vector<32x32xf32>
    %get3A_21 = arith.constant 0 : index
    %get3A_22 = arith.constant 0 : index
    %get3A_23 = vector.load %arg6[%get3A_21, %get3A_22] : memref<1x32xf32, #tpu.memory_space<vmem>>, vector<1x32xf32>
    %get3A_24 = arith.constant 0 : index
    %get3A_25 = arith.constant 0 : index
    %get3A_26 = vector.load %arg7[%get3A_24, %get3A_25] : memref<1x32xf32, #tpu.memory_space<vmem>>, vector<1x32xf32>
    %dot_general3A_27 = arith.constant dense<0.000000e+00> : vector<8192x32xf32>
    %dot_general3A_28 = tpu.matmul %max3A_17, %get3A_20, %dot_general3A_27 {dimension_numbers = #tpu.dot_dimension_numbers<[1], [0], [0], [1], [0, 0, 1, 1], [], []>, transpose_lhs_hint = false} : vector<8192x32xf32>, vector<32x32xf32>, vector<8192x32xf32> -> vector<8192x32xf32>
    %mul3A_29 = vector.broadcast %get3A_23 : vector<1x32xf32> to vector<8192x32xf32>
    %mul3A_30 = arith.mulf %dot_general3A_28, %mul3A_29 : vector<8192x32xf32>
    %add3A_31 = vector.broadcast %get3A_26 : vector<1x32xf32> to vector<8192x32xf32>
    %add3A_32 = arith.addf %mul3A_30, %add3A_31 : vector<8192x32xf32>
    %max3A_33 = arith.constant 0.000000e+00 : f32
    %max3A_34 = vector.broadcast %max3A_33 : f32 to vector<8192x32xf32>
    %max3A_35 = arith.maximumf %add3A_32, %max3A_34 : vector<8192x32xf32>
    %get3A_36 = arith.constant 0 : index
    %get3A_37 = arith.constant 0 : index
    %get3A_38 = vector.load %arg8[%get3A_36, %get3A_37] : memref<32x32xf32, #tpu.memory_space<vmem>>, vector<32x32xf32>
    %get3A_39 = arith.constant 0 : index
    %get3A_40 = arith.constant 0 : index
    %get3A_41 = vector.load %arg9[%get3A_39, %get3A_40] : memref<1x32xf32, #tpu.memory_space<vmem>>, vector<1x32xf32>
    %get3A_42 = arith.constant 0 : index
    %get3A_43 = arith.constant 0 : index
    %get3A_44 = vector.load %arg10[%get3A_42, %get3A_43] : memref<1x32xf32, #tpu.memory_space<vmem>>, vector<1x32xf32>
    %dot_general3A_45 = arith.constant dense<0.000000e+00> : vector<8192x32xf32>
    %dot_general3A_46 = tpu.matmul %max3A_35, %get3A_38, %dot_general3A_45 {dimension_numbers = #tpu.dot_dimension_numbers<[1], [0], [0], [1], [0, 0, 1, 1], [], []>, transpose_lhs_hint = false} : vector<8192x32xf32>, vector<32x32xf32>, vector<8192x32xf32> -> vector<8192x32xf32>
    %mul3A_47 = vector.broadcast %get3A_41 : vector<1x32xf32> to vector<8192x32xf32>
    %mul3A_48 = arith.mulf %dot_general3A_46, %mul3A_47 : vector<8192x32xf32>
    %add3A_49 = vector.broadcast %get3A_44 : vector<1x32xf32> to vector<8192x32xf32>
    %add3A_50 = arith.addf %mul3A_48, %add3A_49 : vector<8192x32xf32>
    %max3A_51 = arith.constant 0.000000e+00 : f32
    %max3A_52 = vector.broadcast %max3A_51 : f32 to vector<8192x32xf32>
    %max3A_53 = arith.maximumf %add3A_50, %max3A_52 : vector<8192x32xf32>
    %get3A_54 = arith.constant 0 : index
    %get3A_55 = arith.constant 0 : index
    %get3A_56 = vector.load %arg11[%get3A_54, %get3A_55] : memref<32x32xf32, #tpu.memory_space<vmem>>, vector<32x32xf32>
    %get3A_57 = arith.constant 0 : index
    %get3A_58 = arith.constant 0 : index
    %get3A_59 = vector.load %arg12[%get3A_57, %get3A_58] : memref<1x32xf32, #tpu.memory_space<vmem>>, vector<1x32xf32>
    %get3A_60 = arith.constant 0 : index
    %get3A_61 = arith.constant 0 : index
    %get3A_62 = vector.load %arg13[%get3A_60, %get3A_61] : memref<1x32xf32, #tpu.memory_space<vmem>>, vector<1x32xf32>
    %dot_general3A_63 = arith.constant dense<0.000000e+00> : vector<8192x32xf32>
    %dot_general3A_64 = tpu.matmul %max3A_53, %get3A_56, %dot_general3A_63 {dimension_numbers = #tpu.dot_dimension_numbers<[1], [0], [0], [1], [0, 0, 1, 1], [], []>, transpose_lhs_hint = false} : vector<8192x32xf32>, vector<32x32xf32>, vector<8192x32xf32> -> vector<8192x32xf32>
    %mul3A_65 = vector.broadcast %get3A_59 : vector<1x32xf32> to vector<8192x32xf32>
    %mul3A_66 = arith.mulf %dot_general3A_64, %mul3A_65 : vector<8192x32xf32>
    %add3A_67 = vector.broadcast %get3A_62 : vector<1x32xf32> to vector<8192x32xf32>
    %add3A_68 = arith.addf %mul3A_66, %add3A_67 : vector<8192x32xf32>
    %max3A_69 = arith.constant 0.000000e+00 : f32
    %max3A_70 = vector.broadcast %max3A_69 : f32 to vector<8192x32xf32>
    %max3A_71 = arith.maximumf %add3A_68, %max3A_70 : vector<8192x32xf32>
    %swap3A = arith.constant 0 : index
    %swap3A_72 = arith.constant 0 : index
    %swap3A_73 = arith.constant 0 : index
    %swap3A_74 = vector.load %arg14[%swap3A, %swap3A_72, %swap3A_73] : memref<1x8192x32xf32, #tpu.memory_space<vmem>>, vector<1x8192x32xf32>
    %swap3A_75 = vector.shape_cast %swap3A_74 : vector<1x8192x32xf32> to vector<8192x32xf32>
    %swap3A_76 = vector.shape_cast %max3A_71 : vector<8192x32xf32> to vector<1x8192x32xf32>
    tpu.vector_store %arg14[%swap3A, %swap3A_72, %swap3A_73], %swap3A_76 {strides = array<i32>} : memref<1x8192x32xf32, #tpu.memory_space<vmem>>, vector<1x8192x32xf32>,
    return
  }
  func.func @transform_0(%arg0: i32) -> (i32, i32, i32) {
    %c0_i32 = arith.constant 0 : i32
    %c0_i32_0 = arith.constant 0 : i32
    %c0_i32_1 = arith.constant 0 : i32
    return %arg0, %c0_i32, %c0_i32_0 : i32, i32, i32
  }
  func.func @transform_1(%arg0: i32) -> (i32, i32) {
    %c0_i32 = arith.constant 0 : i32
    %c0_i32_0 = arith.constant 0 : i32
    %c0_i32_1 = arith.constant 0 : i32
    return %c0_i32, %c0_i32_0 : i32, i32
  }
  func.func @transform_2(%arg0: i32) -> (i32, i32) {
    %c0_i32 = arith.constant 0 : i32
    %c0_i32_0 = arith.constant 0 : i32
    %c0_i32_1 = arith.constant 0 : i32
    return %c0_i32, %c0_i32_0 : i32, i32
  }
  func.func @transform_3(%arg0: i32) -> (i32, i32) {
    %c0_i32 = arith.constant 0 : i32
    %c0_i32_0 = arith.constant 0 : i32
    %c0_i32_1 = arith.constant 0 : i32
    return %c0_i32, %c0_i32_0 : i32, i32
  }
  func.func @transform_4(%arg0: i32) -> (i32, i32) {
    %c0_i32 = arith.constant 0 : i32
    %c0_i32_0 = arith.constant 0 : i32
    %c0_i32_1 = arith.constant 0 : i32
    return %c0_i32, %c0_i32_0 : i32, i32
  }
  func.func @transform_5(%arg0: i32) -> (i32, i32) {
    %c0_i32 = arith.constant 0 : i32
    %c0_i32_0 = arith.constant 0 : i32
    %c0_i32_1 = arith.constant 0 : i32
    return %c0_i32, %c0_i32_0 : i32, i32
  }
  func.func @transform_6(%arg0: i32) -> (i32, i32) {
    %c0_i32 = arith.constant 0 : i32
    %c0_i32_0 = arith.constant 0 : i32
    %c0_i32_1 = arith.constant 0 : i32
    return %c0_i32, %c0_i32_0 : i32, i32
  }
  func.func @transform_7(%arg0: i32) -> (i32, i32) {
    %c0_i32 = arith.constant 0 : i32
    %c0_i32_0 = arith.constant 0 : i32
    %c0_i32_1 = arith.constant 0 : i32
    return %c0_i32, %c0_i32_0 : i32, i32
  }
  func.func @transform_8(%arg0: i32) -> (i32, i32) {
    %c0_i32 = arith.constant 0 : i32
    %c0_i32_0 = arith.constant 0 : i32
    %c0_i32_1 = arith.constant 0 : i32
    return %c0_i32, %c0_i32_0 : i32, i32
  }
  func.func @transform_9(%arg0: i32) -> (i32, i32) {
    %c0_i32 = arith.constant 0 : i32
    %c0_i32_0 = arith.constant 0 : i32
    %c0_i32_1 = arith.constant 0 : i32
    return %c0_i32, %c0_i32_0 : i32, i32
  }
  func.func @transform_10(%arg0: i32) -> (i32, i32) {
    %c0_i32 = arith.constant 0 : i32
    %c0_i32_0 = arith.constant 0 : i32
    %c0_i32_1 = arith.constant 0 : i32
    return %c0_i32, %c0_i32_0 : i32, i32
  }
  func.func @transform_11(%arg0: i32) -> (i32, i32) {
    %c0_i32 = arith.constant 0 : i32
    %c0_i32_0 = arith.constant 0 : i32
    %c0_i32_1 = arith.constant 0 : i32
    return %c0_i32, %c0_i32_0 : i32, i32
  }
  func.func @transform_12(%arg0: i32) -> (i32, i32) {
    %c0_i32 = arith.constant 0 : i32
    %c0_i32_0 = arith.constant 0 : i32
    %c0_i32_1 = arith.constant 0 : i32
    return %c0_i32, %c0_i32_0 : i32, i32
  }
  func.func @transform_13(%arg0: i32) -> (i32, i32, i32) {
    %c0_i32 = arith.constant 0 : i32
    %c0_i32_0 = arith.constant 0 : i32
    %c0_i32_1 = arith.constant 0 : i32
    return %arg0, %c0_i32, %c0_i32_0 : i32, i32, i32
  }
}

</mosaic_0001>

<sc_bundles>
// kernel: gather_offload_async_start.1
scs
__scs_entry_jumppad:
0x0: {  	(pc) =	sbr.rel $0x88, $3  }
0x1: {  	(tag) =	ssettag $0x0;
	lr =	simm.s32 $0x1  }
0x2: {  	[smem:$0x3F6D] =	sst lr;
	_ =	strace $0xD0000000  }
0x3: {  	_ = 	snop  }
0x4: {  	_ = 	snop  }
0x5: {  	_ = 	snop  }
0x6: {  	_ = 	snop  }
0x7: {  	_ = 	snop  }
__scs_overlays_trampoline_lowered:
0x8: {  	[smem:$0x3F7C] =	sst s0  }
0x9: {  	[smem:$0x3F7D] =	sst s1  }
0xa: {  	[smem:$0x3F7E] =	sst s2  }
0xb: {  	[smem:$0x3F7F] =	sst s3  }
0xc: {  	[smem:$0x3F80] =	sst s4  }
0xd: {  	[smem:$0x3F81] =	sst s5  }
0xe: {  	[smem:$0x3F82] =	sst s6  }
0xf: {  	[smem:$0x3F83] =	sst s7  }
0x10: {  	[smem:$0x3F84] =	sst s8  }
0x11: {  	[smem:$0x3F85] =	sst s9;
	s0 =	simm.s32 @!p0 $0x0  }
0x12: {  	s1 =	sld [smem:$0x3F6B];
	s0 =	simm.s32 @p0 $0x1  }
0x13: {  	[smem:$0x3F86] =	sst s0;
	s0 =	simm.s32 @!p1 $0x0  }
0x14: {  	s2 =	sld [smem:$0x3F6A];
	s0 =	simm.s32 @p1 $0x1  }
0x15: {  	[smem:$0x3F87] =	sst s0;
	s0 =	simm.s32 @!p2 $0x0  }
0x16: {  	s3 =	sld [smem:$0x3FDB];
	s0 =	simm.s32 @p2 $0x1  }
0x17: {  	s4 =	simm.s32 $0x1BF5;
	[smem:$0x3F89] =	sst s0  }
0x18: {  	s0 =	sld [smem:$0x3F6C];
	_ =	swait.ge [sflag:s4], $0x0  }
0x19: {  	s7 =	sld [smem:$0x3F6D]  }
0x1a: {  	s8 =	sadd.s32 $0xFFFFE003, lr  }
0x1b: {  	s9 =	sadd.s32 $0xFFFFFEF7, lr;
	s5 =	simm.s32 $0xFFFFFFFF;
	p2 =	slt.u32 s8, $0xFFFFF086  }
0x1c: {  	p1 =	slt.u32 s9, $0xF7A;
	s5 =	simm.s32 @!p2 $0x0  }
0x1d: {  	s5 =	simm.s32 @p1 $0x1;
	p0 =	seq.s32 s7, s2  }
0x1e: {  	s7 =	smul.u32 @!p0 $0xF7A, s2;
	p2 =	seq.s32 @!p0 s5, $0x0  }
0x1f: {  	s9 =	smul.u32 $0xF7A, s1;
	s8 =	simm.s32 @!p0 $0x1BF5;
	p2 =	por !p2, p0  }
0x20: {  	[sflag:s8] =	ssyncset.s32 @!p0 $0xFFFFF086;
	s6 =	sadd.s32 @!p0 s3, s7;
	s7 =	simm.s32 @!p0 $0x108  }
0x21: {  	s3 =	sadd.s32 s3, s9;
	s6 =	sadd.s32 @!p0 $0x88, s6;
	s7 =	simm.s32 @p2 $0x1082  }
0x22: {  	[simem:s7], [sflag:s8] =	dma.local @!p0 [hbm:s6], $0xF7A  }
0x23: {  	s9 =	sor.u32 $0xD0000000, s2;
	s6 =	simm.s32 $0x108;
	_ =	swait.ge @!p0 [sflag:s8], $0x0  }
0x24: {  	s3 =	sadd.s32 $0x88, s3;
	s6 =	simm.s32 @!p1 $0x1082;
	[sflag:s4] =	ssyncset.s32 $0xFFFFF086  }
0x25: {  	[simem:s6], [sflag:s4] =	dma.local [hbm:s3], $0xF7A  }
0x26: {  	[smem:$0x3F6D] =	sst s1;
	(tag) =	ssettag s2;
	_ =	strace s9  }
0x27: {  	s1 =	sld [smem:$0x3F7D]  }
0x28: {  	s2 =	sld [smem:$0x3F7E]  }
0x29: {  	s4 =	sld [smem:$0x3F80]  }
0x2a: {  	p0 =	seq.s32 s5, $0x0;
	s5 =	sld [smem:$0x3F81]  }
0x2b: {  	s6 =	sld [smem:$0x3F82]  }
0x2c: {  	s7 =	sld [smem:$0x3F83]  }
0x2d: {  	s3 =	simm.s32 $0x108;
	s8 =	sld [smem:$0x3F84]  }
0x2e: {  	s3 =	simm.s32 @!p0 $0x1082;
	s9 =	sld [smem:$0x3F85]  }
0x2f: {  	lr =	sadd.s32 s0, s3;
	s0 =	sld [smem:$0x3F7C]  }
0x30: {  	s3 =	sld [smem:$0x3F7F]  }
0x31: {  	[smem:$0x3F88] =	sst s10  }
0x32: {  	s10 =	sld [smem:$0x3F86];
	_ =	sdelay $0x3  }
0x33: {  	p0 =	seq.s32 s10, $0x1;
	s10 =	sld [smem:$0x3F88];
	_ =	sdelay $0x3  }
0x34: {  	[smem:$0x3F88] =	sst s10  }
0x35: {  	s10 =	sld [smem:$0x3F87];
	_ =	sdelay $0x3  }
0x36: {  	p1 =	seq.s32 s10, $0x1;
	s10 =	sld [smem:$0x3F88];
	_ =	sdelay $0x3  }
0x37: {  	[smem:$0x3F88] =	sst s10  }
0x38: {  	s10 =	sld [smem:$0x3F89]  }
0x39: {  	_ = 	snop;
	(pc) =	sbr.ind lr, $3  }
0x3a: {  	_ = 	snop  }
0x3b: {  	_ = 	snop  }
0x3c: {  	p2 =	seq.s32 s10, $0x1;
	s10 =	sld [smem:$0x3F88]  }
0x3d: {  	_ =	shalt  }
0x3e: {  	_ =	shalt  }
0x3f: {  	_ =	shalt  }
0x40: {  	_ =	shalt  }
0x41: {  	_ =	shalt  }
0x42: {  	_ =	shalt  }
0x43: {  	_ =	shalt  }
0x44: {  	_ =	shalt  }
0x45: {  	_ =	shalt  }
0x46: {  	_ =	shalt  }
0x47: {  	_ =	shalt  }
0x48: {  	_ =	shalt  }
0x49: {  	_ =	shalt  }
0x4a: {  	_ =	shalt  }
0x4b: {  	_ =	shalt  }
0x4c: {  	_ =	shalt  }
0x4d: {  	_ =	shalt  }
0x4e: {  	_ =	shalt  }
0x4f: {  	_ =	shalt  }
0x50: {  	_ =	shalt  }
0x51: {  	_ =	shalt  }
0x52: {  	_ =	shalt  }
0x53: {  	_ =	shalt  }
0x54: {  	_ =	shalt  }
0x55: {  	_ =	shalt  }
0x56: {  	_ =	shalt  }
0x57: {  	_ =	shalt  }
0x58: {  	_ =	shalt  }
0x59: {  	_ =	shalt  }
0x5a: {  	_ =	shalt  }
0x5b: {  	_ =	shalt  }
0x5c: {  	_ =	shalt  }
0x5d: {  	_ =	shalt  }
0x5e: {  	_ =	shalt  }
0x5f: {  	_ =	shalt  }
0x60: {  	_ =	shalt  }
0x61: {  	_ =	shalt  }
0x62: {  	_ =	shalt  }
0x63: {  	_ =	shalt  }
0x64: {  	_ =	shalt  }
0x65: {  	_ =	shalt  }
0x66: {  	_ =	shalt  }
0x67: {  	_ =	shalt  }
0x68: {  	_ =	shalt  }
0x69: {  	_ =	shalt  }
0x6a: {  	_ =	shalt  }
0x6b: {  	_ =	shalt  }
0x6c: {  	_ =	shalt  }
0x6d: {  	_ =	shalt  }
0x6e: {  	_ =	shalt  }
0x6f: {  	_ =	shalt  }
0x70: {  	_ =	shalt  }
0x71: {  	_ =	shalt  }
0x72: {  	_ =	shalt  }
0x73: {  	_ =	shalt  }
0x74: {  	_ =	shalt  }
0x75: {  	_ =	shalt  }
0x76: {  	_ =	shalt  }
0x77: {  	_ =	shalt  }
0x78: {  	_ =	shalt  }
0x79: {  	_ =	shalt  }
0x7a: {  	_ =	shalt  }
0x7b: {  	_ =	shalt  }
0x7c: {  	_ =	shalt  }
0x7d: {  	_ =	shalt  }
0x7e: {  	_ =	shalt  }
0x7f: {  	_ =	shalt  }
0x80: {  	_ =	shalt  }
0x81: {  	_ =	shalt  }
0x82: {  	_ =	shalt  }
0x83: {  	_ =	shalt  }
0x84: {  	_ =	shalt  }
0x85: {  	_ =	shalt  }
0x86: {  	_ =	shalt  }
0x87: {  	_ =	shalt  }
.Lfunc_end0:
.L_simem_size_0:
called_computation.2_lowered:
.L_overlay_start_0:
0x88: {  	s2 =	sld [smem:$0x3FD9]  }
0x89: {  	s3 =	sld [smem:$0x3FFE];
	_ =	sdelay $0x1  }
0x8a: {  	s1 =	srdreg.scid  }
0x8b: {  	s0 =	sand.u32 $0x1, s1  }
0x8c: {  	s17 =	sshll.u32 s0, $0xA;
	s2 =	sadd.s32 s3, s2  }
0x8d: {  	s2 =	sadd.s32 s2, s17  }
0x8e: {  	[smem:$0x3F94] =	sst s2  }
0x8f: {  	_ = 	snop  }
0x90: {  	s2 =	sld [smem:$0x3FD0];
	(tm) =	ssettm $0x1  }
0x91: {  	s18 =	sld [smem:$0x3FFB];
	_ =	sdelay $0x3  }
0x92: {  	_ =	strace s18  }
0x93: {  	s3 =	sld [smem:$0x3FFC];
	_ =	sdelay $0x3  }
0x94: {  	_ =	strace s3  }
0x95: {  	s3 =	sld [smem:$0x3FFD];
	_ =	sdelay $0x3  }
0x96: {  	_ =	strace s3  }
0x97: {  	_ =	strace $0x8FFFFFFF  }
0x98: {  	s19 =	sld [smem:$0x3FDB];
	_ =	sdelay $0x1  }
0x99: {  	s4 =	simm.s32 $_scs_section_size  }
0x9a: {  	s5 =	simm.s32 $_size__tile_overlayer_lowered;
	s6 =	simm.s32 $_tile_overlayer_lowered  }
0x9b: {  	s22 =	simm.s32 $0x1BFF;
	s21 =	sshll.u32 s6, $0x1;
	s3 =	sadd.s32 s4, s19  }
0x9c: {  	s7 =	simm.s32 $0x0;
	s20 =	sshll.u32 s5, $0x1;
	s5 =	sadd.s32 s21, s3  }
0x9d: {  	[timem:s7], [sflag:s22] =	dma.local [hbm:s5], s20  }
0x9e: {  	_ =	swait.ge [sflag:s22], s20  }
0x9f: {  	s4 =	ssub.s32 $0x0, s20;
	[sflag:s22] =	ssyncset.done $0x0  }
0xa0: {  	[sflag:s22] =	ssyncadd.s32 s4;
	_ =	sdelay $0x1  }
0xa1: {  	s23 =	simm.s32 $0x1B8B  }
0xa2: {  	_ =	swait.ge [sflag:s23], $0x1  }
0xa3: {  	[sflag:s23] =	ssyncset.done $0x0  }
0xa4: {  	s25 =	simm.s32 $0x1B8E;
	s24 =	sld [smem:$0x3FFE];
	[sflag:s23] =	ssyncadd.s32 $0xFFFFFFFF  }
0xa5: {  	s26 =	simm.s32 $execute0_lowered;
	[smem:$0x3FD2] =	sst s25  }
0xa6: {  	s5 =	sshll.u32 s26, $0x1;
	_ =	strace $0x80000049;
	[dreg:$0x1] =	wrdreg $0xFFFFFFFF  }
0xa7: {  	s28 =	simm.s32 $_size_execute0_lowered;
	s3 =	sadd.s32 s3, s5;
	[dreg:$0x0] =	wrdreg $0x0  }
0xa8: {  	s5 =	sshll.u32 s28, $0x1;
	[dreg:$0x2] =	wrdreg s3  }
0xa9: {  	[dreg:$0x3] =	wrdreg s5  }
0xaa: {  	[dreg:$0x4] =	wrdreg $0xC0  }
0xab: {  	_ =	task [dreg:s7], $0x5FFFF  }
0xac: {  	[dreg:$0x1] =	wrdreg $0xFFFFFFFF  }
0xad: {  	[dreg:$0x0] =	wrdreg $0x60  }
0xae: {  	[dreg:$0x2] =	wrdreg s24  }
0xaf: {  	[dreg:$0x3] =	wrdreg s2  }
0xb0: {  	[dreg:$0x4] =	wrdreg $0xA  }
0xb1: {  	_ =	task.clear_ibuf [dreg:s7], $0x5FFFF;
	_ =	strace $0x90000049  }
0xb2: {  	s29 =	simm.s32 $0xA;
	_ =	strace $0x8000004B  }
0xb3: {  	_ =	swait.ge [sflag:s29], $0x1  }
0xb4: {  	[sflag:s29] =	ssyncadd.s32 $0xFFFFFFFF  }
0xb5: {  	_ =	strace $0x9000004B  }
0xb6: {  	_ =	sfence  }
0xb7: {  	s30 =	sld [smem:$0x0];
	_ =	sdelay $0x2  }
0xb8: {  	s31 =	sshll.u32 s1, $0xD;
	s1 =	sshrl.u32 s1, $0x2  }
0xb9: {  	s3 =	sand.u32 $0x4000, s31;
	s1 =	sadd.s32 s1, s30  }
0xba: {  	s0 =	sor.u32 s3, s0;
	s1 =	sshll.u32 s1, $0x11  }
0xbb: {  	s0 =	sor.u32 s1, s0  }
0xbc: {  	s0 =	sadd.s32 $0x8F2B, s0  }
0xbd: {  	[sflag:s0] =	ssyncadd.remote.s32 $0x1  }
0xbe: {  	_ =	sfence.sel $0xFFFF  }
0xbf: {  	[dreg:$0x0] =	wrdreg $0xFFFFFFFF;
	(pc) =	sbr.abs _section_cstart, $3  }
0xc0: {  	[dreg:$0x1] =	wrdreg $0xFFFFFFFF  }
0xc1: {  	_ =	task.clear_ibuf [dreg:s7], $0x2FFFF;
	_ =	strace $0x9FFFFFFF  }
0xc2: {  	(tm) =	ssettm $0x7FFFFFFF  }
0xc3: {  	_ =	shalt  }
tec
execute0_lowered:
.L_overlay_start_1:
0x0: {  	(tag) =	ssettag $0x1  }
0x1: {  	s1 =	srdreg.scid;
	s8 =	rddreg [dreg:$0x0]  }
0x2: {  	s0 =	stileid.u32;
	s2 =	rddreg [dreg:$0x1]  }
0x3: {  	s5 =	simm.s32 $0x1;
	s9 =	simm.s32 $0x1;
	s1 =	sshll.u32 s1, $0x5  }
0x4: {  	s10 =	simm.s32 $0x3;
	s3 =	sshll.u32 s0, $0x6;
	s4 =	sand.u32 $0x20, s1  }
0x5: {  	s13 =	simm.s32 $0x0;
	s12 =	simm.s32 $0x0;
	s3 =	sor.u32 s3, s4  }
0x6: {  	s1 =	rddreg [dreg:$0x2];
	_ =	strace $0x8000004A;
	s7 =	ssub.s32 $0x600, s3  }
.Ltmp0:
0x7: {  	s4 =	sadd.s32 $0x223A00, s8;
	s6 =	sand.u32 $0x3E0, s7;
	(pc) =	sbr.rel .LBB2_1-.Ltmp0, $4  }
0x8: {  	[sflag:s5] =	ssyncpa.u1 $0x0;
	s8 =	sadd.s32 $0x224400, s8;
	p0 =	sne.s32 s6, $0x0  }
0x9: {  	s7 =	sshrl.u32 s7, $0xA;
	s6 =	simm.s32 $0x2;
	s9 =	simm.s32 @!p0 $0x0  }
0xa: {  	s11 =	smov.u32 s3;
	[sflag:s6] =	ssyncpa.u1 $0x0;
	s7 =	sadd.s32 s9, s7  }
0xb: {  	vm0 =	vmmov $0xffff;
	[sflag:s10] =	ssyncpa.u1 $0x0;
	s10 =	simm.s32 $0x0;
	s9 =	sadd.s32 $0x1, s7  }
.LBB2_5:
0xc: {  	s15 =	sadd.s32 $0x400, s11  }
0xd: {  	p1 =	sgt.s32 s15, $0x5FF  }
0xe: {  	s15 =	smov.u32 @p1 s3;
	p1 =	sne.s32 s12, s9  }
.Ltmp1:
0xf: {  	p0 =	slt.u32 s12, $0x2;
	(pc) =	sbr.rel @!p1 .LBB2_6-.Ltmp1, $4  }
0x10: {  	s14 =	simm.s32 @!p0 $0x3  }
0x11: {  	_ =	swait.ge @!p0 [sflag:s14], $0x20  }
0x12: {  	s16 =	sadd.s32 $0x1, s12;
	s13 =	smov.u32 s11;
	[sflag:s14] =	ssyncset.done @!p0 $0x0  }
0x13: {  	s12 =	smov.u32 s16;
	s11 =	smov.u32 s15;
	[sflag:s14] =	ssyncadd.s32 @!p0 $0xFFFFFFE0  }
.LBB2_1:
0x14: {  	p0 =	sge.u32 s12, s7  }
0x15: {  	s14 =	sxor.u32 @!p0 $0xFFFFFFFF, s12  }
0x16: {  	s31 =	sadd.s32 $0xFFFFFFFF, s12;
	s15 =	sshrl.u32 @!p0 s11, $0x3;
	s14 =	sshll.u32 @!p0 s14, $0x5  }
0x17: {  	s16 =	sand.u32 @!p0 $0x7, s11;
	s15 =	sadd.s32 @!p0 s8, s15;
	s14 =	sand.u32 @!p0 $0x20, s14  }
0x18: {  	[tilespmem:s14], [sflag:$0x2] =	stream.linear.gather @!p0 [hbm4b:s15+s16], $0x20, $0x38;
	[tilespmem:$0x80] =	vst v63  }
0x19: {  	p0 =	sge.u32 s31, s7  }
.Ltmp2:
0x1a: {  	_ = 	snop;
	(pc) =	sbr.rel @p0 .LBB2_5-.Ltmp2, $1  }
0x1b: {  	_ =	sdelay $0x3  }
0x1c: {  	_ =	swait.ge [sflag:s6], $0x20;
	s14 =	sshll.u32 s12, $0x5;
	s16 =	simm.s32 $0x0  }
0x1d: {  	p0 =	por $0x1, $0x1;
	[sflag:s6] =	ssyncset.done $0x0;
	s15 =	sand.u32 $0x20, s14  }
0x1e: {  	[sflag:s6] =	ssyncadd.s32 $0xFFFFFFE0;
	(ifvalue) =	ssetifvalue $0x7FFFFFFF;
	s14 =	sor.u32 $0x40, s15  }
.LBB2_3:
0x1f: {  	s17 =	sadd.s32 s16, s15  }
0x20: {  	v0 =	vld.msk [tilespmem:s17+$0x0 ss:$0x1], $0xffff;
	_ =	sdelay $0x4  }
0x21: {  	vm1 =	veq.s32 v0, $0x80000000;
	v1 =	vshrl.u32 v0, $0x4  }
0x22: {  	v2 =	vshrl.u32 v0, $0x6;
	v0 =	vshll.u32 v0, $0x9;
	v1 =	vand.u32 $0x3, v1  }
0x23: {  	v2 =	vand.u32 $0x7F, v2;
	v0 =	vand.u32 $0x1E00, v0;
	v1 =	vsel vm1, $0xFFFFFFFF, v1  }
0x24: {  	v2 =	vsel vm1, $0xFFFFFFFF, v2;
	v0 =	vsel vm1, $0xFFFFFE00, v0;
	v3 =	vand.u32 $0xFFFFFE00, v1  }
0x25: {  	v63 =	vand.u32 $0xFFFFFE00, v2;
	v0 =	vadd.s32 v0, v3  }
0x26: {  	v2 =	vand.u32 $0x7F, v2;
	v1 =	vshll.u32 v1, $0x7;
	v0 =	vadd.s32 v63, v0  }
0x27: {  	v1 =	vand.u32 $0x180, v1;
	v0 =	vor.u32 v2, v0  }
0x28: {  	p1 =	por p0, p0;
	v0 =	vor.u32 v1, v0  }
.Ltmp3:
0x29: {  	_ = 	snop;
	(pc) =	sbr.rel @p1 .LBB2_3-.Ltmp3, $4  }
0x2a: {  	_ = 	snop  }
0x2b: {  	s31 =	sadd.s32 s16, s14  }
0x2c: {  	s16 =	simm.s32 $0x10;
	p0 =	por $0x0, $0x0;
	(ifvalue) =	ssetifvalue $0x7FFFFFFF  }
0x2d: {  	[tilespmem:s31], [sflag:$0x1] =	stream.indirect_vreg.gather [hbm4b:s4+s10], $0x1, v0, vm0, $0x4038;
	[tilespmem:$0x80] =	vst v63  }
.Ltmp4:
0x2e: {  	(pc) =	sbr.rel .LBB2_5-.Ltmp4, $4  }
0x2f: {  	_ =	swait.ge [sflag:s5], $0x20  }
0x30: {  	s15 =	sshrl.u32 s13, $0x3;
	[sflag:s5] =	ssyncset.done $0x0  }
0x31: {  	s31 =	sand.u32 $0x7, s13;
	s15 =	sadd.s32 s2, s15;
	[sflag:s5] =	ssyncadd.s32 $0xFFFFFFE0  }
0x32: {  	[hbm4b:s15+s31] =	stream.linear.scatter [tilespmem:s14], [sflag:$0x3], $0x20, $0x38;
	[tilespmem:$0x80] =	vst v63  }
.LBB2_6:
0x33: {  	_ =	sfence.sel $0x180000  }
0x34: {  	s2 =	simm.s32 $0x2;
	[bflag:$0x0] =	sbarrier.arrive $0xFFFF  }
0x35: {  	s30 =	simm.s32 $0x3;
	[sflag:s2] =	ssyncpa.u1 $0x1  }
0x36: {  	s31 =	simm.s32 $0x1;
	[sflag:s30] =	ssyncpa.u1 $0x1  }
0x37: {  	[sflag:s31] =	ssyncpa.u1 $0x1  }
0x38: {  	p0 =	sne.s32 s0, $0x0;
	_ =	strace $0x9000004A  }
0x39: {  	s0 =	sadd.s32 @!p0 $0x100000, s1;
	[bflag:$0x2] =	sbarrier.arrive $0xFFFF  }
0x3a: {  	[sflag:s0] =	ssyncadd.tile.s32 @!p0 $0x1;
	_ =	shalt  }
.Lfunc_end2:
_tile_overlayer_lowered:
.L_overlay_start_2:
0x3b: {  	(tag) =	ssettag $0x2  }
0x3c: {  	s0 =	rddreg [dreg:$0x0];
	s2 =	stileid.u32  }
0x3d: {  	s1 =	rddreg [dreg:$0x1];
	p0 =	sne.s32 s2, $0x0  }
0x3e: {  	s3 =	rddreg [dreg:$0x2];
	[bflag:$0x3] =	sbarrier.arrive $0xFFFF;
	s2 =	simm.s32 @!p0 $0x1C01  }
0x3f: {  	[timem:s3], [sflag:s2] =	dma.local @!p0 [hbm:s0], s1  }
0x40: {  	s0 =	simm.s32 @!p0 $0x1  }
0x41: {  	_ =	swait.ge @!p0 [sflag:s0], s1  }
0x42: {  	s1 =	ssub.s32 @!p0 $0x0, s1;
	[sflag:s0] =	ssyncset.done @!p0 $0x0  }
0x43: {  	[sflag:s0] =	ssyncadd.s32 @!p0 s1  }
0x44: {  	[bflag:$0x3] =	sbarrier.arrive $0xFFFF  }
0x45: {  	_ =	shalt  }

// kernel: gather_offload_async_start.2
scs
__scs_entry_jumppad:
0x0: {  	(pc) =	sbr.rel $0x88, $3  }
0x1: {  	(tag) =	ssettag $0x0;
	lr =	simm.s32 $0x1  }
0x2: {  	[smem:$0x3F6D] =	sst lr;
	_ =	strace $0xD0000000  }
0x3: {  	_ = 	snop  }
0x4: {  	_ = 	snop  }
0x5: {  	_ = 	snop  }
0x6: {  	_ = 	snop  }
0x7: {  	_ = 	snop  }
__scs_overlays_trampoline_lowered:
0x8: {  	[smem:$0x3F7C] =	sst s0  }
0x9: {  	[smem:$0x3F7D] =	sst s1  }
0xa: {  	[smem:$0x3F7E] =	sst s2  }
0xb: {  	[smem:$0x3F7F] =	sst s3  }
0xc: {  	[smem:$0x3F80] =	sst s4  }
0xd: {  	[smem:$0x3F81] =	sst s5  }
0xe: {  	[smem:$0x3F82] =	sst s6  }
0xf: {  	[smem:$0x3F83] =	sst s7  }
0x10: {  	[smem:$0x3F84] =	sst s8  }
0x11: {  	[smem:$0x3F85] =	sst s9;
	s0 =	simm.s32 @!p0 $0x0  }
0x12: {  	s1 =	sld [smem:$0x3F6B];
	s0 =	simm.s32 @p0 $0x1  }
0x13: {  	[smem:$0x3F86] =	sst s0;
	s0 =	simm.s32 @!p1 $0x0  }
0x14: {  	s2 =	sld [smem:$0x3F6A];
	s0 =	simm.s32 @p1 $0x1  }
0x15: {  	[smem:$0x3F87] =	sst s0;
	s0 =	simm.s32 @!p2 $0x0  }
0x16: {  	s3 =	sld [smem:$0x3FDB];
	s0 =	simm.s32 @p2 $0x1  }
0x17: {  	s4 =	simm.s32 $0x1BF5;
	[smem:$0x3F89] =	sst s0  }
0x18: {  	s0 =	sld [smem:$0x3F6C];
	_ =	swait.ge [sflag:s4], $0x0  }
0x19: {  	s7 =	sld [smem:$0x3F6D]  }
0x1a: {  	s8 =	sadd.s32 $0xFFFFE003, lr  }
0x1b: {  	s9 =	sadd.s32 $0xFFFFFEF7, lr;
	s5 =	simm.s32 $0xFFFFFFFF;
	p2 =	slt.u32 s8, $0xFFFFF086  }
0x1c: {  	p1 =	slt.u32 s9, $0xF7A;
	s5 =	simm.s32 @!p2 $0x0  }
0x1d: {  	s5 =	simm.s32 @p1 $0x1;
	p0 =	seq.s32 s7, s2  }
0x1e: {  	s7 =	smul.u32 @!p0 $0xF7A, s2;
	p2 =	seq.s32 @!p0 s5, $0x0  }
0x1f: {  	s9 =	smul.u32 $0xF7A, s1;
	s8 =	simm.s32 @!p0 $0x1BF5;
	p2 =	por !p2, p0  }
0x20: {  	[sflag:s8] =	ssyncset.s32 @!p0 $0xFFFFF086;
	s6 =	sadd.s32 @!p0 s3, s7;
	s7 =	simm.s32 @!p0 $0x108  }
0x21: {  	s3 =	sadd.s32 s3, s9;
	s6 =	sadd.s32 @!p0 $0x88, s6;
	s7 =	simm.s32 @p2 $0x1082  }
0x22: {  	[simem:s7], [sflag:s8] =	dma.local @!p0 [hbm:s6], $0xF7A  }
0x23: {  	s9 =	sor.u32 $0xD0000000, s2;
	s6 =	simm.s32 $0x108;
	_ =	swait.ge @!p0 [sflag:s8], $0x0  }
0x24: {  	s3 =	sadd.s32 $0x88, s3;
	s6 =	simm.s32 @!p1 $0x1082;
	[sflag:s4] =	ssyncset.s32 $0xFFFFF086  }
0x25: {  	[simem:s6], [sflag:s4] =	dma.local [hbm:s3], $0xF7A  }
0x26: {  	[smem:$0x3F6D] =	sst s1;
	(tag) =	ssettag s2;
	_ =	strace s9  }
0x27: {  	s1 =	sld [smem:$0x3F7D]  }
0x28: {  	s2 =	sld [smem:$0x3F7E]  }
0x29: {  	s4 =	sld [smem:$0x3F80]  }
0x2a: {  	p0 =	seq.s32 s5, $0x0;
	s5 =	sld [smem:$0x3F81]  }
0x2b: {  	s6 =	sld [smem:$0x3F82]  }
0x2c: {  	s7 =	sld [smem:$0x3F83]  }
0x2d: {  	s3 =	simm.s32 $0x108;
	s8 =	sld [smem:$0x3F84]  }
0x2e: {  	s3 =	simm.s32 @!p0 $0x1082;
	s9 =	sld [smem:$0x3F85]  }
0x2f: {  	lr =	sadd.s32 s0, s3;
	s0 =	sld [smem:$0x3F7C]  }
0x30: {  	s3 =	sld [smem:$0x3F7F]  }
0x31: {  	[smem:$0x3F88] =	sst s10  }
0x32: {  	s10 =	sld [smem:$0x3F86];
	_ =	sdelay $0x3  }
0x33: {  	p0 =	seq.s32 s10, $0x1;
	s10 =	sld [smem:$0x3F88];
	_ =	sdelay $0x3  }
0x34: {  	[smem:$0x3F88] =	sst s10  }
0x35: {  	s10 =	sld [smem:$0x3F87];
	_ =	sdelay $0x3  }
0x36: {  	p1 =	seq.s32 s10, $0x1;
	s10 =	sld [smem:$0x3F88];
	_ =	sdelay $0x3  }
0x37: {  	[smem:$0x3F88] =	sst s10  }
0x38: {  	s10 =	sld [smem:$0x3F89]  }
0x39: {  	_ = 	snop;
	(pc) =	sbr.ind lr, $3  }
0x3a: {  	_ = 	snop  }
0x3b: {  	_ = 	snop  }
0x3c: {  	p2 =	seq.s32 s10, $0x1;
	s10 =	sld [smem:$0x3F88]  }
0x3d: {  	_ =	shalt  }
0x3e: {  	_ =	shalt  }
0x3f: {  	_ =	shalt  }
0x40: {  	_ =	shalt  }
0x41: {  	_ =	shalt  }
0x42: {  	_ =	shalt  }
0x43: {  	_ =	shalt  }
0x44: {  	_ =	shalt  }
0x45: {  	_ =	shalt  }
0x46: {  	_ =	shalt  }
0x47: {  	_ =	shalt  }
0x48: {  	_ =	shalt  }
0x49: {  	_ =	shalt  }
0x4a: {  	_ =	shalt  }
0x4b: {  	_ =	shalt  }
0x4c: {  	_ =	shalt  }
0x4d: {  	_ =	shalt  }
0x4e: {  	_ =	shalt  }
0x4f: {  	_ =	shalt  }
0x50: {  	_ =	shalt  }
0x51: {  	_ =	shalt  }
0x52: {  	_ =	shalt  }
0x53: {  	_ =	shalt  }
0x54: {  	_ =	shalt  }
0x55: {  	_ =	shalt  }
0x56: {  	_ =	shalt  }
0x57: {  	_ =	shalt  }
0x58: {  	_ =	shalt  }
0x59: {  	_ =	shalt  }
0x5a: {  	_ =	shalt  }
0x5b: {  	_ =	shalt  }
0x5c: {  	_ =	shalt  }
0x5d: {  	_ =	shalt  }
0x5e: {  	_ =	shalt  }
0x5f: {  	_ =	shalt  }
0x60: {  	_ =	shalt  }
0x61: {  	_ =	shalt  }
0x62: {  	_ =	shalt  }
0x63: {  	_ =	shalt  }
0x64: {  	_ =	shalt  }
0x65: {  	_ =	shalt  }
0x66: {  	_ =	shalt  }
0x67: {  	_ =	shalt  }
0x68: {  	_ =	shalt  }
0x69: {  	_ =	shalt  }
0x6a: {  	_ =	shalt  }
0x6b: {  	_ =	shalt  }
0x6c: {  	_ =	shalt  }
0x6d: {  	_ =	shalt  }
0x6e: {  	_ =	shalt  }
0x6f: {  	_ =	shalt  }
0x70: {  	_ =	shalt  }
0x71: {  	_ =	shalt  }
0x72: {  	_ =	shalt  }
0x73: {  	_ =	shalt  }
0x74: {  	_ =	shalt  }
0x75: {  	_ =	shalt  }
0x76: {  	_ =	shalt  }
0x77: {  	_ =	shalt  }
0x78: {  	_ =	shalt  }
0x79: {  	_ =	shalt  }
0x7a: {  	_ =	shalt  }
0x7b: {  	_ =	shalt  }
0x7c: {  	_ =	shalt  }
0x7d: {  	_ =	shalt  }
0x7e: {  	_ =	shalt  }
0x7f: {  	_ =	shalt  }
0x80: {  	_ =	shalt  }
0x81: {  	_ =	shalt  }
0x82: {  	_ =	shalt  }
0x83: {  	_ =	shalt  }
0x84: {  	_ =	shalt  }
0x85: {  	_ =	shalt  }
0x86: {  	_ =	shalt  }
0x87: {  	_ =	shalt  }
.Lfunc_end0:
.L_simem_size_0:
called_computation.3_lowered:
.L_overlay_start_0:
0x88: {  	s2 =	sld [smem:$0x3FD9]  }
0x89: {  	s3 =	sld [smem:$0x3FFE];
	_ =	sdelay $0x1  }
0x8a: {  	s1 =	srdreg.scid  }
0x8b: {  	s0 =	sand.u32 $0x1, s1  }
0x8c: {  	s17 =	sshll.u32 s0, $0xA;
	s2 =	sadd.s32 s3, s2  }
0x8d: {  	s2 =	sadd.s32 s2, s17  }
0x8e: {  	[smem:$0x3F94] =	sst s2  }
0x8f: {  	_ = 	snop  }
0x90: {  	(tm) =	ssettm $0x1  }
0x91: {  	s18 =	sld [smem:$0x3FFB];
	_ =	sdelay $0x3  }
0x92: {  	_ =	strace s18  }
0x93: {  	s2 =	sld [smem:$0x3FFC];
	_ =	sdelay $0x3  }
0x94: {  	_ =	strace s2  }
0x95: {  	s2 =	sld [smem:$0x3FFD];
	_ =	sdelay $0x3  }
0x96: {  	_ =	strace s2  }
0x97: {  	_ =	strace $0x8FFFFFFF  }
0x98: {  	s19 =	sld [smem:$0x3FDB];
	_ =	sdelay $0x1  }
0x99: {  	s20 =	simm.s32 $_scs_section_size  }
0x9a: {  	s4 =	simm.s32 $_size__tile_overlayer_lowered;
	s5 =	simm.s32 $_tile_overlayer_lowered  }
0x9b: {  	s6 =	simm.s32 $0x1BFF;
	s21 =	sshll.u32 s5, $0x1;
	s3 =	sadd.s32 s20, s19  }
0x9c: {  	s22 =	simm.s32 $0x0;
	s4 =	sshll.u32 s4, $0x1;
	s5 =	sadd.s32 s21, s3  }
0x9d: {  	[timem:s22], [sflag:s6] =	dma.local [hbm:s5], s4  }
0x9e: {  	_ =	swait.ge [sflag:s6], s4  }
0x9f: {  	s4 =	ssub.s32 $0x0, s4;
	[sflag:s6] =	ssyncset.done $0x0  }
0xa0: {  	[sflag:s6] =	ssyncadd.s32 s4;
	_ =	sdelay $0x1  }
0xa1: {  	s23 =	simm.s32 $0x1B8B  }
0xa2: {  	_ =	swait.ge [sflag:s23], $0x1  }
0xa3: {  	[sflag:s23] =	ssyncset.done $0x0  }
0xa4: {  	[sflag:s23] =	ssyncadd.s32 $0xFFFFFFFF  }
0xa5: {  	s4 =	sld [smem:$0x0]  }
0xa6: {  	s5 =	sand.u32 $0xFFFFFFFE, s1  }
0xa7: {  	p0 =	sne.s32 s1, s5  }
0xa8: {  	s5 =	sshll.u32 @p0 s5, $0xE  }
0xa9: {  	s5 =	sadd.s32 @p0 $0x11B8D, s5;
	s6 =	sshll.u32 @p0 s4, $0x11  }
0xaa: {  	s5 =	sor.u32 @p0 s6, s5  }
0xab: {  	[sflag:s5] =	ssyncadd.remote.s32 @p0 $0x1;
	_ =	sdelay $0x1  }
0xac: {  	s5 =	simm.s32 @p0 $0x1B8D  }
0xad: {  	_ =	swait.eq @p0 [sflag:s5], $0x1  }
0xae: {  	[sflag:s5] =	ssyncadd.s32 @p0 $0xFFFFFFFF  }
0xaf: {  	s6 =	sshll.u32 @!p0 s1, $0xE  }
0xb0: {  	s6 =	sor.u32 @!p0 $0x4000, s6;
	s5 =	simm.s32 @!p0 $0x1B8D  }
0xb1: {  	s4 =	sshll.u32 @!p0 s4, $0x11;
	s6 =	sadd.s32 @!p0 $0x11B8D, s6;
	_ =	swait.eq @!p0 [sflag:s5], $0x1  }
0xb2: {  	s4 =	sor.u32 @!p0 s4, s6;
	[sflag:s5] =	ssyncadd.s32 @!p0 $0xFFFFFFFF  }
0xb3: {  	s25 =	simm.s32 $0x1B8E;
	s24 =	sld [smem:$0x3FFE];
	[sflag:s4] =	ssyncadd.remote.s32 @!p0 $0x1  }
0xb4: {  	s26 =	simm.s32 $execute0_lowered;
	[smem:$0x3FD2] =	sst s25  }
0xb5: {  	s5 =	sshll.u32 s26, $0x1;
	_ =	strace $0x80000052;
	[dreg:$0x1] =	wrdreg $0xFFFFFFFF  }
0xb6: {  	s28 =	simm.s32 $_size_execute0_lowered;
	s3 =	sadd.s32 s3, s5;
	[dreg:$0x0] =	wrdreg $0x0  }
0xb7: {  	s5 =	sshll.u32 s28, $0x1;
	[dreg:$0x2] =	wrdreg s3  }
0xb8: {  	[dreg:$0x3] =	wrdreg s5  }
0xb9: {  	[dreg:$0x4] =	wrdreg $0xC0  }
0xba: {  	_ =	task [dreg:s22], $0x5FFFF  }
0xbb: {  	[dreg:$0x1] =	wrdreg $0xFFFFFFFF  }
0xbc: {  	[dreg:$0x0] =	wrdreg $0x60  }
0xbd: {  	[dreg:$0x2] =	wrdreg s24  }
0xbe: {  	[dreg:$0x3] =	wrdreg $0x9  }
0xbf: {  	_ =	task.clear_ibuf [dreg:s22], $0x4FFFF;
	_ =	strace $0x90000052  }
0xc0: {  	s29 =	simm.s32 $0x9;
	_ =	strace $0x80000054  }
0xc1: {  	_ =	swait.ge [sflag:s29], $0x1  }
0xc2: {  	[sflag:s29] =	ssyncadd.s32 $0xFFFFFFFF  }
0xc3: {  	_ =	strace $0x90000054  }
0xc4: {  	_ =	sfence  }
0xc5: {  	s30 =	sld [smem:$0x0];
	_ =	sdelay $0x2  }
0xc6: {  	s31 =	sshll.u32 s1, $0xD;
	s1 =	sshrl.u32 s1, $0x2  }
0xc7: {  	s4 =	sand.u32 $0x4000, s31;
	s1 =	sadd.s32 s1, s30  }
0xc8: {  	s0 =	sor.u32 s4, s0;
	s1 =	sshll.u32 s1, $0x11  }
0xc9: {  	s0 =	sor.u32 s1, s0  }
0xca: {  	s0 =	sadd.s32 $0x8F2B, s0  }
0xcb: {  	[sflag:s0] =	ssyncadd.remote.s32 $0x1  }
0xcc: {  	_ =	sfence.sel $0xFFFF  }
0xcd: {  	[dreg:$0x0] =	wrdreg $0xFFFFFFFF;
	(pc) =	sbr.abs _section_cstart, $3  }
0xce: {  	[dreg:$0x1] =	wrdreg $0xFFFFFFFF  }
0xcf: {  	_ =	task.clear_ibuf [dreg:s22], $0x2FFFF;
	_ =	strace $0x9FFFFFFF  }
0xd0: {  	(tm) =	ssettm $0x7FFFFFFF  }
0xd1: {  	_ =	shalt  }
tec
execute0_lowered:
.L_overlay_start_1:
0x0: {  	(tag) =	ssettag $0x1  }
0x1: {  	s0 =	srdreg.scid;
	s5 =	rddreg [dreg:$0x0]  }
0x2: {  	s1 =	stileid.u32;
	s6 =	simm.s32 $0x1;
	s9 =	simm.s32 $0x1  }
0x3: {  	s10 =	simm.s32 $0x3;
	s13 =	simm.s32 $0x0;
	s2 =	sshll.u32 s0, $0xD  }
0x4: {  	s12 =	simm.s32 $0x0;
	s3 =	sshll.u32 s1, $0xE;
	s2 =	sand.u32 $0x2000, s2  }
0x5: {  	s0 =	rddreg [dreg:$0x1];
	_ =	strace $0x80000053;
	s2 =	sor.u32 s3, s2  }
0x6: {  	s4 =	sadd.s32 $0x22CE00, s5;
	[sflag:s6] =	ssyncpa.u1 $0x0;
	s8 =	ssub.s32 $0x60000, s2  }
.Ltmp0:
0x7: {  	s3 =	sadd.s32 $0xC400, s5;
	s7 =	sand.u32 $0x3E000, s8;
	(pc) =	sbr.rel .LBB2_1-.Ltmp0, $4  }
0x8: {  	s5 =	sadd.s32 $0x244E00, s5;
	s11 =	smov.u32 s2;
	p0 =	sne.s32 s7, $0x0  }
0x9: {  	s8 =	sshrl.u32 s8, $0x12;
	s7 =	simm.s32 $0x2;
	s9 =	simm.s32 @!p0 $0x0  }
0xa: {  	[sflag:s7] =	ssyncpa.u1 $0x0;
	p0 =	por $0x0, $0x0;
	s8 =	sadd.s32 s9, s8  }
0xb: {  	vm0 =	vmmov $0xffff;
	[sflag:s10] =	ssyncpa.u1 $0x0;
	s10 =	simm.s32 $0x0;
	s9 =	sadd.s32 $0x1, s8  }
.LBB2_4:
0xc: {  	v2 =	vand.u32 $0x3, v2;
	v3 =	vshrl.u32 v0, $0x6;
	v63 =	vshll.u32 v0, $0xF  }
0xd: {  	v2 =	vsel vm1, $0xFFFFFFFF, v2;
	v3 =	vand.u32 $0x1FFF, v3;
	v0 =	vand.u32 $0x78000, v63  }
0xe: {  	v3 =	vsel vm1, $0xFFFFFFFF, v3;
	v0 =	vsel vm1, $0xFFFF8000, v0;
	v4 =	vand.u32 $0xFFFF8000, v2  }
0xf: {  	v5 =	vand.u32 $0x7F, v3;
	v0 =	vadd.s32 v0, v4;
	v3 =	vshll.u32 v3, $0x2  }
0x10: {  	v2 =	vshll.u32 v2, $0x7;
	v3 =	vand.u32 $0xFFFFFE00, v3;
	v0 =	vor.u32 v5, v0  }
0x11: {  	v2 =	vand.u32 $0x180, v2;
	v0 =	vadd.s32 v3, v0  }
0x12: {  	v0 =	vor.u32 v2, v0;
	_ =	sdelay $0x1  }
0x13: {  	(ifvalue) =	ssetifvalue $0x7FFFFFFF;
	s14 =	sadd.s32 $0x10, s14  }
0x14: {  	[tilespmem:s14], [sflag:$0x1] =	stream.indirect_vreg.gather [hbm4b:s3+s10], $0x1, v1, vm0, $0x4038;
	[tilespmem:$0x8000] =	vst v63  }
0x15: {  	(ifvalue) =	ssetifvalue $0x7FFFFFFF;
	s14 =	sadd.s32 $0x10, s14  }
0x16: {  	[tilespmem:s14], [sflag:$0x1] =	stream.indirect_vreg.gather [hbm4b:s3+s10], $0x1, v0, vm0, $0x4038;
	[tilespmem:$0x8000] =	vst v63  }
0x17: {  	_ =	swait.ge [sflag:s6], $0x2000  }
0x18: {  	s30 =	sshrl.u32 s13, $0x3;
	[sflag:s6] =	ssyncset.done $0x0  }
0x19: {  	s31 =	sand.u32 $0x7, s13;
	s14 =	sadd.s32 s5, s30;
	[sflag:s6] =	ssyncadd.s32 $0xFFFFE000  }
0x1a: {  	[hbm4b:s14+s31] =	stream.linear.scatter [tilespmem:s15], [sflag:$0x3], $0x2000, $0x38;
	[tilespmem:$0x8000] =	vst v63  }
.LBB2_5:
0x1b: {  	s15 =	sadd.s32 $0x40000, s11  }
0x1c: {  	p2 =	sgt.s32 s15, $0x5FFFF  }
0x1d: {  	s15 =	smov.u32 @p2 s2;
	p2 =	sne.s32 s12, s9  }
.Ltmp1:
0x1e: {  	p1 =	slt.u32 s12, $0x2;
	(pc) =	sbr.rel @!p2 .LBB2_6-.Ltmp1, $4  }
0x1f: {  	s14 =	simm.s32 @!p1 $0x3  }
0x20: {  	s16 =	sadd.s32 $0x1, s12;
	_ =	swait.ge @!p1 [sflag:s14], $0x2000  }
0x21: {  	s13 =	smov.u32 s11;
	p0 =	por !p0, !p0;
	[sflag:s14] =	ssyncset.done @!p1 $0x0  }
0x22: {  	s12 =	smov.u32 s16;
	s11 =	smov.u32 s15;
	[sflag:s14] =	ssyncadd.s32 @!p1 $0xFFFFE000  }
.LBB2_1:
0x23: {  	p1 =	sge.u32 s12, s8  }
0x24: {  	s14 =	sxor.u32 @!p1 $0xFFFFFFFF, s12  }
0x25: {  	s31 =	sadd.s32 $0xFFFFFFFF, s12;
	s15 =	sshrl.u32 @!p1 s11, $0x3;
	s14 =	sshll.u32 @!p1 s14, $0xD  }
0x26: {  	s16 =	sand.u32 @!p1 $0x7, s11;
	s15 =	sadd.s32 @!p1 s4, s15;
	s14 =	sand.u32 @!p1 $0x2000, s14  }
0x27: {  	[tilespmem:s14], [sflag:$0x2] =	stream.linear.gather @!p1 [hbm4b:s15+s16], $0x2000, $0x38;
	[tilespmem:$0x8000] =	vst v63  }
0x28: {  	p1 =	sge.u32 s31, s8  }
.Ltmp2:
0x29: {  	_ = 	snop;
	(pc) =	sbr.rel @p1 .LBB2_5-.Ltmp2, $1  }
0x2a: {  	_ =	sdelay $0x3  }
0x2b: {  	s14 =	simm.s32 $0x1  }
0x2c: {  	_ =	swait.ge [sflag:s7], $0x2000;
	s14 =	simm.s32 @!p0 $0x0  }
0x2d: {  	[sflag:s7] =	ssyncset.done $0x0;
	s14 =	sshll.u32 s14, $0xD  }
0x2e: {  	[sflag:s7] =	ssyncadd.s32 $0xFFFFE000;
	(ifvalue) =	ssetifvalue $0x7FFFFFFF;
	v0 =	vld.msk [tilespmem:s14+$0x0 ss:$0x1], $0xffff;
	_ =	sdelay $0x1  }
0x2f: {  	s15 =	sadd.s32 $0x10, s14  }
0x30: {  	v3 =	vld.msk [tilespmem:s15+$0x0 ss:$0x1], $0xffff;
	_ =	sdelay $0x1  }
0x31: {  	vm1 =	veq.s32 v0, $0x80000000  }
0x32: {  	v1 =	vshrl.u32 v0, $0x4;
	v2 =	vshrl.u32 v0, $0x6;
	v0 =	vshll.u32 v0, $0xF  }
0x33: {  	v1 =	vand.u32 $0x3, v1;
	v2 =	vand.u32 $0x1FFF, v2;
	v0 =	vand.u32 $0x78000, v0  }
0x34: {  	v62 =	vshrl.u32 v3, $0x6;
	v1 =	vsel vm1, $0xFFFFFFFF, v1;
	v2 =	vsel vm1, $0xFFFFFFFF, v2  }
0x35: {  	v0 =	vsel vm1, $0xFFFF8000, v0;
	vm1 =	veq.s32 v3, $0x80000000;
	v4 =	vand.u32 $0xFFFF8000, v1  }
0x36: {  	v5 =	vand.u32 $0x7F, v2;
	v2 =	vshll.u32 v2, $0x2;
	v0 =	vadd.s32 v0, v4  }
0x37: {  	v1 =	vshll.u32 v1, $0x7;
	v2 =	vand.u32 $0xFFFFFE00, v2;
	v0 =	vor.u32 v5, v0  }
0x38: {  	v1 =	vand.u32 $0x180, v1;
	v0 =	vadd.s32 v2, v0;
	v2 =	vshrl.u32 v3, $0x4  }
0x39: {  	s17 =	sadd.s32 $0x10, s15;
	v3 =	vshll.u32 v3, $0xF;
	v1 =	vor.u32 v1, v0;
	v2 =	vand.u32 $0x3, v2  }
0x3a: {  	v4 =	vand.u32 $0x1FFF, v62;
	v0 =	vld.msk [tilespmem:s17+$0x0 ss:$0x1], $0xffff;
	v3 =	vand.u32 $0x78000, v3;
	v2 =	vsel vm1, $0xFFFFFFFF, v2  }
0x3b: {  	v4 =	vsel vm1, $0xFFFFFFFF, v4;
	v3 =	vsel vm1, $0xFFFF8000, v3;
	v63 =	vand.u32 $0xFFFF8000, v2  }
0x3c: {  	s31 =	sshll.u32 s12, $0xD;
	v6 =	vand.u32 $0x7F, v4;
	v4 =	vshll.u32 v4, $0x2;
	v3 =	vadd.s32 v3, v63  }
0x3d: {  	s14 =	sor.u32 $0x4000, s14;
	s15 =	sand.u32 $0x2000, s31;
	(ifvalue) =	ssetifvalue $0x7FFFFFFF;
	v4 =	vand.u32 $0xFFFFFE00, v4;
	v2 =	vshll.u32 v2, $0x7;
	v3 =	vor.u32 v6, v3  }
0x3e: {  	[tilespmem:s14], [sflag:$0x1] =	stream.indirect_vreg.gather [hbm4b:s3+s10], $0x1, v1, vm0, $0x4038;
	v1 =	vand.u32 $0x180, v2;
	v3 =	vadd.s32 v4, v3;
	[tilespmem:$0x8000] =	vst v63  }
0x3f: {  	s16 =	simm.s32 $0x20;
	s15 =	sor.u32 $0x4000, s15;
	s17 =	sadd.s32 $0x10, s17;
	vm1 =	veq.s32 v0, $0x80000000;
	v2 =	vshrl.u32 v0, $0x4;
	v1 =	vor.u32 v1, v3  }
.LBB2_3:
0x40: {  	s16 =	sadd.s32 $0x10, s16;
	v2 =	vand.u32 $0x3, v2;
	v3 =	vshrl.u32 v0, $0x6;
	v4 =	vshll.u32 v0, $0xF;
	v0 =	vld.msk [tilespmem:s17+$0x0 ss:$0x1], $0xffff  }
0x41: {  	p1 =	slt.u32 s16, $0x1FF0;
	v2 =	vsel vm1, $0xFFFFFFFF, v2;
	v3 =	vand.u32 $0x1FFF, v3;
	v4 =	vand.u32 $0x78000, v4  }
.Ltmp3:
0x42: {  	v3 =	vsel vm1, $0xFFFFFFFF, v3;
	v4 =	vsel vm1, $0xFFFF8000, v4;
	v5 =	vand.u32 $0xFFFF8000, v2;
	(pc) =	sbr.rel @p1 .LBB2_3-.Ltmp3, $4  }
0x43: {  	s14 =	sadd.s32 $0x10, s14;
	v6 =	vand.u32 $0x7F, v3;
	v4 =	vadd.s32 v4, v5;
	v3 =	vshll.u32 v3, $0x2;
	(ifvalue) =	ssetifvalue $0x7FFFFFFF  }
0x44: {  	v2 =	vshll.u32 v2, $0x7;
	v3 =	vand.u32 $0xFFFFFE00, v3;
	v4 =	vor.u32 v6, v4;
	[tilespmem:s14], [sflag:$0x1] =	stream.indirect_vreg.gather [hbm4b:s3+s10], $0x1, v1, vm0, $0x4038;
	[tilespmem:$0x8000] =	vst v63  }
0x45: {  	v1 =	vand.u32 $0x180, v2;
	v3 =	vadd.s32 v3, v4  }
0x46: {  	s17 =	sadd.s32 $0x10, s17;
	vm1 =	veq.s32 v0, $0x80000000;
	v2 =	vshrl.u32 v0, $0x4;
	v1 =	vor.u32 v1, v3  }
.Ltmp4:
0x47: {  	_ = 	snop;
	(pc) =	sbr.rel .LBB2_4-.Ltmp4, $1  }
0x48: {  	_ =	sdelay $0x3  }
.LBB2_6:
0x49: {  	_ =	sfence.sel $0x180000  }
0x4a: {  	s2 =	simm.s32 $0x2;
	[bflag:$0x0] =	sbarrier.arrive $0xFFFF  }
0x4b: {  	s30 =	simm.s32 $0x3;
	[sflag:s2] =	ssyncpa.u1 $0x1  }
0x4c: {  	s31 =	simm.s32 $0x1;
	[sflag:s30] =	ssyncpa.u1 $0x1  }
0x4d: {  	[sflag:s31] =	ssyncpa.u1 $0x1  }
0x4e: {  	p0 =	sne.s32 s1, $0x0;
	_ =	strace $0x90000053  }
0x4f: {  	s0 =	sadd.s32 @!p0 $0x100000, s0;
	[bflag:$0x2] =	sbarrier.arrive $0xFFFF  }
0x50: {  	[sflag:s0] =	ssyncadd.tile.s32 @!p0 $0x1;
	_ =	shalt  }
.Lfunc_end2:
_tile_overlayer_lowered:
.L_overlay_start_2:
0x51: {  	(tag) =	ssettag $0x2  }
0x52: {  	s0 =	rddreg [dreg:$0x0];
	s2 =	stileid.u32  }
0x53: {  	s1 =	rddreg [dreg:$0x1];
	p0 =	sne.s32 s2, $0x0  }
0x54: {  	s3 =	rddreg [dreg:$0x2];
	[bflag:$0x3] =	sbarrier.arrive $0xFFFF;
	s2 =	simm.s32 @!p0 $0x1C01  }
0x55: {  	[timem:s3], [sflag:s2] =	dma.local @!p0 [hbm:s0], s1  }
0x56: {  	s0 =	simm.s32 @!p0 $0x1  }
0x57: {  	_ =	swait.ge @!p0 [sflag:s0], s1  }
0x58: {  	s1 =	ssub.s32 @!p0 $0x0, s1;
	[sflag:s0] =	ssyncset.done @!p0 $0x0  }
0x59: {  	[sflag:s0] =	ssyncadd.s32 @!p0 s1  }
0x5a: {  	[bflag:$0x3] =	sbarrier.arrive $0xFFFF  }
0x5b: {  	_ =	shalt  }

// kernel: gather_offload_async_start.3
scs
__scs_entry_jumppad:
0x0: {  	(pc) =	sbr.rel $0x88, $3  }
0x1: {  	(tag) =	ssettag $0x0;
	lr =	simm.s32 $0x1  }
0x2: {  	[smem:$0x3F6D] =	sst lr;
	_ =	strace $0xD0000000  }
0x3: {  	_ = 	snop  }
0x4: {  	_ = 	snop  }
0x5: {  	_ = 	snop  }
0x6: {  	_ = 	snop  }
0x7: {  	_ = 	snop  }
__scs_overlays_trampoline_lowered:
0x8: {  	[smem:$0x3F7C] =	sst s0  }
0x9: {  	[smem:$0x3F7D] =	sst s1  }
0xa: {  	[smem:$0x3F7E] =	sst s2  }
0xb: {  	[smem:$0x3F7F] =	sst s3  }
0xc: {  	[smem:$0x3F80] =	sst s4  }
0xd: {  	[smem:$0x3F81] =	sst s5  }
0xe: {  	[smem:$0x3F82] =	sst s6  }
0xf: {  	[smem:$0x3F83] =	sst s7  }
0x10: {  	[smem:$0x3F84] =	sst s8  }
0x11: {  	[smem:$0x3F85] =	sst s9;
	s0 =	simm.s32 @!p0 $0x0  }
0x12: {  	s1 =	sld [smem:$0x3F6B];
	s0 =	simm.s32 @p0 $0x1  }
0x13: {  	[smem:$0x3F86] =	sst s0;
	s0 =	simm.s32 @!p1 $0x0  }
0x14: {  	s2 =	sld [smem:$0x3F6A];
	s0 =	simm.s32 @p1 $0x1  }
0x15: {  	[smem:$0x3F87] =	sst s0;
	s0 =	simm.s32 @!p2 $0x0  }
0x16: {  	s3 =	sld [smem:$0x3FDB];
	s0 =	simm.s32 @p2 $0x1  }
0x17: {  	s4 =	simm.s32 $0x1BF5;
	[smem:$0x3F89] =	sst s0  }
0x18: {  	s0 =	sld [smem:$0x3F6C];
	_ =	swait.ge [sflag:s4], $0x0  }
0x19: {  	s7 =	sld [smem:$0x3F6D]  }
0x1a: {  	s8 =	sadd.s32 $0xFFFFE003, lr  }
0x1b: {  	s9 =	sadd.s32 $0xFFFFFEF7, lr;
	s5 =	simm.s32 $0xFFFFFFFF;
	p2 =	slt.u32 s8, $0xFFFFF086  }
0x1c: {  	p1 =	slt.u32 s9, $0xF7A;
	s5 =	simm.s32 @!p2 $0x0  }
0x1d: {  	s5 =	simm.s32 @p1 $0x1;
	p0 =	seq.s32 s7, s2  }
0x1e: {  	s7 =	smul.u32 @!p0 $0xF7A, s2;
	p2 =	seq.s32 @!p0 s5, $0x0  }
0x1f: {  	s9 =	smul.u32 $0xF7A, s1;
	s8 =	simm.s32 @!p0 $0x1BF5;
	p2 =	por !p2, p0  }
0x20: {  	[sflag:s8] =	ssyncset.s32 @!p0 $0xFFFFF086;
	s6 =	sadd.s32 @!p0 s3, s7;
	s7 =	simm.s32 @!p0 $0x108  }
0x21: {  	s3 =	sadd.s32 s3, s9;
	s6 =	sadd.s32 @!p0 $0x88, s6;
	s7 =	simm.s32 @p2 $0x1082  }
0x22: {  	[simem:s7], [sflag:s8] =	dma.local @!p0 [hbm:s6], $0xF7A  }
0x23: {  	s9 =	sor.u32 $0xD0000000, s2;
	s6 =	simm.s32 $0x108;
	_ =	swait.ge @!p0 [sflag:s8], $0x0  }
0x24: {  	s3 =	sadd.s32 $0x88, s3;
	s6 =	simm.s32 @!p1 $0x1082;
	[sflag:s4] =	ssyncset.s32 $0xFFFFF086  }
0x25: {  	[simem:s6], [sflag:s4] =	dma.local [hbm:s3], $0xF7A  }
0x26: {  	[smem:$0x3F6D] =	sst s1;
	(tag) =	ssettag s2;
	_ =	strace s9  }
0x27: {  	s1 =	sld [smem:$0x3F7D]  }
0x28: {  	s2 =	sld [smem:$0x3F7E]  }
0x29: {  	s4 =	sld [smem:$0x3F80]  }
0x2a: {  	p0 =	seq.s32 s5, $0x0;
	s5 =	sld [smem:$0x3F81]  }
0x2b: {  	s6 =	sld [smem:$0x3F82]  }
0x2c: {  	s7 =	sld [smem:$0x3F83]  }
0x2d: {  	s3 =	simm.s32 $0x108;
	s8 =	sld [smem:$0x3F84]  }
0x2e: {  	s3 =	simm.s32 @!p0 $0x1082;
	s9 =	sld [smem:$0x3F85]  }
0x2f: {  	lr =	sadd.s32 s0, s3;
	s0 =	sld [smem:$0x3F7C]  }
0x30: {  	s3 =	sld [smem:$0x3F7F]  }
0x31: {  	[smem:$0x3F88] =	sst s10  }
0x32: {  	s10 =	sld [smem:$0x3F86];
	_ =	sdelay $0x3  }
0x33: {  	p0 =	seq.s32 s10, $0x1;
	s10 =	sld [smem:$0x3F88];
	_ =	sdelay $0x3  }
0x34: {  	[smem:$0x3F88] =	sst s10  }
0x35: {  	s10 =	sld [smem:$0x3F87];
	_ =	sdelay $0x3  }
0x36: {  	p1 =	seq.s32 s10, $0x1;
	s10 =	sld [smem:$0x3F88];
	_ =	sdelay $0x3  }
0x37: {  	[smem:$0x3F88] =	sst s10  }
0x38: {  	s10 =	sld [smem:$0x3F89]  }
0x39: {  	_ = 	snop;
	(pc) =	sbr.ind lr, $3  }
0x3a: {  	_ = 	snop  }
0x3b: {  	_ = 	snop  }
0x3c: {  	p2 =	seq.s32 s10, $0x1;
	s10 =	sld [smem:$0x3F88]  }
0x3d: {  	_ =	shalt  }
0x3e: {  	_ =	shalt  }
0x3f: {  	_ =	shalt  }
0x40: {  	_ =	shalt  }
0x41: {  	_ =	shalt  }
0x42: {  	_ =	shalt  }
0x43: {  	_ =	shalt  }
0x44: {  	_ =	shalt  }
0x45: {  	_ =	shalt  }
0x46: {  	_ =	shalt  }
0x47: {  	_ =	shalt  }
0x48: {  	_ =	shalt  }
0x49: {  	_ =	shalt  }
0x4a: {  	_ =	shalt  }
0x4b: {  	_ =	shalt  }
0x4c: {  	_ =	shalt  }
0x4d: {  	_ =	shalt  }
0x4e: {  	_ =	shalt  }
0x4f: {  	_ =	shalt  }
0x50: {  	_ =	shalt  }
0x51: {  	_ =	shalt  }
0x52: {  	_ =	shalt  }
0x53: {  	_ =	shalt  }
0x54: {  	_ =	shalt  }
0x55: {  	_ =	shalt  }
0x56: {  	_ =	shalt  }
0x57: {  	_ =	shalt  }
0x58: {  	_ =	shalt  }
0x59: {  	_ =	shalt  }
0x5a: {  	_ =	shalt  }
0x5b: {  	_ =	shalt  }
0x5c: {  	_ =	shalt  }
0x5d: {  	_ =	shalt  }
0x5e: {  	_ =	shalt  }
0x5f: {  	_ =	shalt  }
0x60: {  	_ =	shalt  }
0x61: {  	_ =	shalt  }
0x62: {  	_ =	shalt  }
0x63: {  	_ =	shalt  }
0x64: {  	_ =	shalt  }
0x65: {  	_ =	shalt  }
0x66: {  	_ =	shalt  }
0x67: {  	_ =	shalt  }
0x68: {  	_ =	shalt  }
0x69: {  	_ =	shalt  }
0x6a: {  	_ =	shalt  }
0x6b: {  	_ =	shalt  }
0x6c: {  	_ =	shalt  }
0x6d: {  	_ =	shalt  }
0x6e: {  	_ =	shalt  }
0x6f: {  	_ =	shalt  }
0x70: {  	_ =	shalt  }
0x71: {  	_ =	shalt  }
0x72: {  	_ =	shalt  }
0x73: {  	_ =	shalt  }
0x74: {  	_ =	shalt  }
0x75: {  	_ =	shalt  }
0x76: {  	_ =	shalt  }
0x77: {  	_ =	shalt  }
0x78: {  	_ =	shalt  }
0x79: {  	_ =	shalt  }
0x7a: {  	_ =	shalt  }
0x7b: {  	_ =	shalt  }
0x7c: {  	_ =	shalt  }
0x7d: {  	_ =	shalt  }
0x7e: {  	_ =	shalt  }
0x7f: {  	_ =	shalt  }
0x80: {  	_ =	shalt  }
0x81: {  	_ =	shalt  }
0x82: {  	_ =	shalt  }
0x83: {  	_ =	shalt  }
0x84: {  	_ =	shalt  }
0x85: {  	_ =	shalt  }
0x86: {  	_ =	shalt  }
0x87: {  	_ =	shalt  }
.Lfunc_end0:
.L_simem_size_0:
called_computation.4_lowered:
.L_overlay_start_0:
0x88: {  	s2 =	sld [smem:$0x3FD9]  }
0x89: {  	s3 =	sld [smem:$0x3FFE];
	_ =	sdelay $0x1  }
0x8a: {  	s1 =	srdreg.scid  }
0x8b: {  	s0 =	sand.u32 $0x1, s1  }
0x8c: {  	s16 =	sshll.u32 s0, $0xA;
	s2 =	sadd.s32 s3, s2  }
0x8d: {  	s2 =	sadd.s32 s2, s16  }
0x8e: {  	[smem:$0x3F94] =	sst s2  }
0x8f: {  	_ = 	snop  }
0x90: {  	(tm) =	ssettm $0x1  }
0x91: {  	s17 =	sld [smem:$0x3FFB];
	_ =	sdelay $0x3  }
0x92: {  	_ =	strace s17  }
0x93: {  	s2 =	sld [smem:$0x3FFC];
	_ =	sdelay $0x3  }
0x94: {  	_ =	strace s2  }
0x95: {  	s2 =	sld [smem:$0x3FFD];
	_ =	sdelay $0x3  }
0x96: {  	_ =	strace s2  }
0x97: {  	_ =	strace $0x8FFFFFFF  }
0x98: {  	s18 =	sld [smem:$0x3FDB];
	_ =	sdelay $0x1  }
0x99: {  	s19 =	simm.s32 $_scs_section_size  }
0x9a: {  	s4 =	simm.s32 $_size__tile_overlayer_lowered;
	s5 =	simm.s32 $_tile_overlayer_lowered  }
0x9b: {  	s22 =	simm.s32 $0x1BFF;
	s21 =	sshll.u32 s5, $0x1;
	s2 =	sadd.s32 s19, s18  }
0x9c: {  	s6 =	simm.s32 $0x0;
	s20 =	sshll.u32 s4, $0x1;
	s4 =	sadd.s32 s21, s2  }
0x9d: {  	[timem:s6], [sflag:s22] =	dma.local [hbm:s4], s20  }
0x9e: {  	_ =	swait.ge [sflag:s22], s20  }
0x9f: {  	s3 =	ssub.s32 $0x0, s20;
	[sflag:s22] =	ssyncset.done $0x0  }
0xa0: {  	[sflag:s22] =	ssyncadd.s32 s3;
	_ =	sdelay $0x1  }
0xa1: {  	s23 =	simm.s32 $0x1B8B  }
0xa2: {  	_ =	swait.ge [sflag:s23], $0x1  }
0xa3: {  	[sflag:s23] =	ssyncset.done $0x0  }
0xa4: {  	s25 =	simm.s32 $0x1B8E;
	s24 =	sld [smem:$0x3FFE];
	[sflag:s23] =	ssyncadd.s32 $0xFFFFFFFF  }
0xa5: {  	s26 =	simm.s32 $execute0_lowered;
	[smem:$0x3FD2] =	sst s25  }
0xa6: {  	s4 =	sshll.u32 s26, $0x1;
	_ =	strace $0x8000004F;
	[dreg:$0x1] =	wrdreg $0xFFFFFFFF  }
0xa7: {  	s28 =	simm.s32 $_size_execute0_lowered;
	s2 =	sadd.s32 s2, s4;
	[dreg:$0x0] =	wrdreg $0x0  }
0xa8: {  	s4 =	sshll.u32 s28, $0x1;
	[dreg:$0x2] =	wrdreg s2  }
0xa9: {  	[dreg:$0x3] =	wrdreg s4  }
0xaa: {  	[dreg:$0x4] =	wrdreg $0xC0  }
0xab: {  	_ =	task [dreg:s6], $0x5FFFF  }
0xac: {  	[dreg:$0x1] =	wrdreg $0xFFFFFFFF  }
0xad: {  	[dreg:$0x0] =	wrdreg $0x60  }
0xae: {  	[dreg:$0x2] =	wrdreg s24  }
0xaf: {  	[dreg:$0x3] =	wrdreg $0xA  }
0xb0: {  	_ =	task.clear_ibuf [dreg:s6], $0x4FFFF;
	_ =	strace $0x9000004F  }
0xb1: {  	s29 =	simm.s32 $0xA;
	_ =	strace $0x80000051  }
0xb2: {  	_ =	swait.ge [sflag:s29], $0x1  }
0xb3: {  	[sflag:s29] =	ssyncadd.s32 $0xFFFFFFFF  }
0xb4: {  	_ =	strace $0x90000051  }
0xb5: {  	_ =	sfence  }
0xb6: {  	s30 =	sld [smem:$0x0];
	_ =	sdelay $0x2  }
0xb7: {  	s31 =	sshll.u32 s1, $0xD;
	s1 =	sshrl.u32 s1, $0x2  }
0xb8: {  	s3 =	sand.u32 $0x4000, s31;
	s1 =	sadd.s32 s1, s30  }
0xb9: {  	s0 =	sor.u32 s3, s0;
	s1 =	sshll.u32 s1, $0x11  }
0xba: {  	s0 =	sor.u32 s1, s0  }
0xbb: {  	s0 =	sadd.s32 $0x8F2B, s0  }
0xbc: {  	[sflag:s0] =	ssyncadd.remote.s32 $0x1  }
0xbd: {  	_ =	sfence.sel $0xFFFF  }
0xbe: {  	[dreg:$0x0] =	wrdreg $0xFFFFFFFF;
	(pc) =	sbr.abs _section_cstart, $3  }
0xbf: {  	[dreg:$0x1] =	wrdreg $0xFFFFFFFF  }
0xc0: {  	_ =	task.clear_ibuf [dreg:s6], $0x2FFFF;
	_ =	strace $0x9FFFFFFF  }
0xc1: {  	(tm) =	ssettm $0x7FFFFFFF  }
tec
execute0_lowered:
.L_overlay_start_1:
0x0: {  	(tag) =	ssettag $0x1  }
0x1: {  	s0 =	srdreg.scid;
	s5 =	rddreg [dreg:$0x0]  }
0x2: {  	s1 =	stileid.u32;
	s6 =	simm.s32 $0x1;
	s9 =	simm.s32 $0x1  }
0x3: {  	s10 =	simm.s32 $0x3;
	s13 =	simm.s32 $0x0;
	s2 =	sshll.u32 s0, $0xD  }
0x4: {  	s12 =	simm.s32 $0x0;
	s3 =	sshll.u32 s1, $0xE;
	s2 =	sand.u32 $0x2000, s2  }
0x5: {  	s0 =	rddreg [dreg:$0x1];
	_ =	strace $0x80000050;
	s2 =	sor.u32 s3, s2  }
0x6: {  	s4 =	sadd.s32 $0x22CE00, s5;
	[sflag:s6] =	ssyncpa.u1 $0x0;
	s8 =	ssub.s32 $0x60000, s2  }
.Ltmp0:
0x7: {  	s3 =	sadd.s32 $0x200, s5;
	s7 =	sand.u32 $0x3E000, s8;
	(pc) =	sbr.rel .LBB2_1-.Ltmp0, $4  }
0x8: {  	s5 =	sadd.s32 $0x238E00, s5;
	s11 =	smov.u32 s2;
	p0 =	sne.s32 s7, $0x0  }
0x9: {  	s8 =	sshrl.u32 s8, $0x12;
	s7 =	simm.s32 $0x2;
	s9 =	simm.s32 @!p0 $0x0  }
0xa: {  	[sflag:s7] =	ssyncpa.u1 $0x0;
	p0 =	por $0x0, $0x0;
	s8 =	sadd.s32 s9, s8  }
0xb: {  	vm0 =	vmmov $0xffff;
	[sflag:s10] =	ssyncpa.u1 $0x0;
	s10 =	simm.s32 $0x0;
	s9 =	sadd.s32 $0x1, s8  }
.LBB2_4:
0xc: {  	v2 =	vsel vm1, $0xFFFFFFFF, v2;
	v3 =	vshrl.u32 v0, $0x6;
	v61 =	vshll.u32 v0, $0xD  }
0xd: {  	v3 =	vand.u32 $0x1FFF, v3;
	v0 =	vand.u32 $0x60000, v61;
	v4 =	vshll.u32 v2, $0xD  }
0xe: {  	v2 =	vshll.u32 v2, $0x7;
	v0 =	vsel vm1, $0xFFFE0000, v0;
	v4 =	vand.u32 $0xFFFF0000, v4  }
0xf: {  	v3 =	vsel vm1, $0xFFFFFFFF, v3;
	v2 =	vand.u32 $0x380, v2;
	v0 =	vadd.s32 v0, v4  }
0x10: {  	v62 =	vand.u32 $0x7F, v3;
	v3 =	vshll.u32 v3, $0x3;
	v0 =	vor.u32 v2, v0  }
0x11: {  	v63 =	vand.u32 $0xFFFFFC00, v3;
	v0 =	vor.u32 v62, v0  }
0x12: {  	v0 =	vadd.s32 v63, v0;
	_ =	sdelay $0x1  }
0x13: {  	(ifvalue) =	ssetifvalue $0x7FFFFFFF;
	s14 =	sadd.s32 $0x10, s14  }
0x14: {  	[tilespmem:s14], [sflag:$0x1] =	stream.indirect_vreg.gather [hbm4b:s3+s10], $0x1, v1, vm0, $0x4038;
	[tilespmem:$0x8000] =	vst v63  }
0x15: {  	(ifvalue) =	ssetifvalue $0x7FFFFFFF;
	s14 =	sadd.s32 $0x10, s14  }
0x16: {  	[tilespmem:s14], [sflag:$0x1] =	stream.indirect_vreg.gather [hbm4b:s3+s10], $0x1, v0, vm0, $0x4038;
	[tilespmem:$0x8000] =	vst v63  }
0x17: {  	_ =	swait.ge [sflag:s6], $0x2000  }
0x18: {  	s30 =	sshrl.u32 s13, $0x3;
	[sflag:s6] =	ssyncset.done $0x0  }
0x19: {  	s31 =	sand.u32 $0x7, s13;
	s14 =	sadd.s32 s5, s30;
	[sflag:s6] =	ssyncadd.s32 $0xFFFFE000  }
0x1a: {  	[hbm4b:s14+s31] =	stream.linear.scatter [tilespmem:s15], [sflag:$0x3], $0x2000, $0x38;
	[tilespmem:$0x8000] =	vst v63  }
.LBB2_5:
0x1b: {  	s15 =	sadd.s32 $0x40000, s11  }
0x1c: {  	p2 =	sgt.s32 s15, $0x5FFFF  }
0x1d: {  	s15 =	smov.u32 @p2 s2;
	p2 =	sne.s32 s12, s9  }
.Ltmp1:
0x1e: {  	p1 =	slt.u32 s12, $0x2;
	(pc) =	sbr.rel @!p2 .LBB2_6-.Ltmp1, $4  }
0x1f: {  	s14 =	simm.s32 @!p1 $0x3  }
0x20: {  	s16 =	sadd.s32 $0x1, s12;
	_ =	swait.ge @!p1 [sflag:s14], $0x2000  }
0x21: {  	s13 =	smov.u32 s11;
	p0 =	por !p0, !p0;
	[sflag:s14] =	ssyncset.done @!p1 $0x0  }
0x22: {  	s12 =	smov.u32 s16;
	s11 =	smov.u32 s15;
	[sflag:s14] =	ssyncadd.s32 @!p1 $0xFFFFE000  }
.LBB2_1:
0x23: {  	p1 =	sge.u32 s12, s8  }
0x24: {  	s14 =	sxor.u32 @!p1 $0xFFFFFFFF, s12  }
0x25: {  	s31 =	sadd.s32 $0xFFFFFFFF, s12;
	s15 =	sshrl.u32 @!p1 s11, $0x3;
	s14 =	sshll.u32 @!p1 s14, $0xD  }
0x26: {  	s16 =	sand.u32 @!p1 $0x7, s11;
	s15 =	sadd.s32 @!p1 s4, s15;
	s14 =	sand.u32 @!p1 $0x2000, s14  }
0x27: {  	[tilespmem:s14], [sflag:$0x2] =	stream.linear.gather @!p1 [hbm4b:s15+s16], $0x2000, $0x38;
	[tilespmem:$0x8000] =	vst v63  }
0x28: {  	p1 =	sge.u32 s31, s8  }
.Ltmp2:
0x29: {  	_ = 	snop;
	(pc) =	sbr.rel @p1 .LBB2_5-.Ltmp2, $1  }
0x2a: {  	_ =	sdelay $0x3  }
0x2b: {  	s14 =	simm.s32 $0x1  }
0x2c: {  	_ =	swait.ge [sflag:s7], $0x2000;
	s14 =	simm.s32 @!p0 $0x0  }
0x2d: {  	[sflag:s7] =	ssyncset.done $0x0;
	s14 =	sshll.u32 s14, $0xD  }
0x2e: {  	[sflag:s7] =	ssyncadd.s32 $0xFFFFE000;
	(ifvalue) =	ssetifvalue $0x7FFFFFFF;
	v0 =	vld.msk [tilespmem:s14+$0x0 ss:$0x1], $0xffff;
	_ =	sdelay $0x1  }
0x2f: {  	s15 =	sadd.s32 $0x10, s14  }
0x30: {  	v3 =	vld.msk [tilespmem:s15+$0x0 ss:$0x1], $0xffff;
	_ =	sdelay $0x1  }
0x31: {  	vm1 =	veq.s32 v0, $0x80000000  }
0x32: {  	v1 =	vand.u32 $0xF, v0;
	v2 =	vshrl.u32 v0, $0x6;
	v0 =	vshll.u32 v0, $0xD  }
0x33: {  	v1 =	vsel vm1, $0xFFFFFFFF, v1;
	v2 =	vand.u32 $0x1FFF, v2;
	v0 =	vand.u32 $0x60000, v0  }
0x34: {  	v62 =	vshrl.u32 v3, $0x6;
	v4 =	vshll.u32 v1, $0xD;
	v0 =	vsel vm1, $0xFFFE0000, v0  }
0x35: {  	v1 =	vshll.u32 v1, $0x7;
	v2 =	vsel vm1, $0xFFFFFFFF, v2;
	v4 =	vand.u32 $0xFFFF0000, v4  }
0x36: {  	vm1 =	veq.s32 v3, $0x80000000;
	v1 =	vand.u32 $0x380, v1;
	v0 =	vadd.s32 v0, v4  }
0x37: {  	v61 =	vand.u32 $0x7F, v2;
	v2 =	vshll.u32 v2, $0x3;
	v0 =	vor.u32 v1, v0  }
0x38: {  	v1 =	vand.u32 $0xFFFFFC00, v2;
	v2 =	vand.u32 $0xF, v3;
	v0 =	vor.u32 v61, v0  }
0x39: {  	s17 =	sadd.s32 $0x10, s15;
	v3 =	vshll.u32 v3, $0xD;
	v2 =	vsel vm1, $0xFFFFFFFF, v2;
	v1 =	vadd.s32 v1, v0  }
0x3a: {  	v4 =	vand.u32 $0x1FFF, v62;
	v3 =	vand.u32 $0x60000, v3;
	v0 =	vld.msk [tilespmem:s17+$0x0 ss:$0x1], $0xffff;
	v5 =	vshll.u32 v2, $0xD  }
0x3b: {  	v3 =	vsel vm1, $0xFFFE0000, v3;
	v2 =	vshll.u32 v2, $0x7;
	v5 =	vand.u32 $0xFFFF0000, v5  }
0x3c: {  	s31 =	sshll.u32 s12, $0xD;
	v4 =	vsel vm1, $0xFFFFFFFF, v4;
	v2 =	vand.u32 $0x380, v2;
	v3 =	vadd.s32 v3, v5  }
0x3d: {  	s14 =	sor.u32 $0x4000, s14;
	s15 =	sand.u32 $0x2000, s31;
	v63 =	vand.u32 $0x7F, v4;
	v4 =	vshll.u32 v4, $0x3;
	(ifvalue) =	ssetifvalue $0x7FFFFFFF;
	v2 =	vor.u32 v2, v3  }
0x3e: {  	v3 =	vor.u32 v63, v2;
	[tilespmem:s14], [sflag:$0x1] =	stream.indirect_vreg.gather [hbm4b:s3+s10], $0x1, v1, vm0, $0x4038;
	v1 =	vand.u32 $0xFFFFFC00, v4;
	[tilespmem:$0x8000] =	vst v63  }
0x3f: {  	s16 =	simm.s32 $0x20;
	s15 =	sor.u32 $0x4000, s15;
	s17 =	sadd.s32 $0x10, s17;
	vm1 =	veq.s32 v0, $0x80000000;
	v2 =	vand.u32 $0xF, v0;
	v1 =	vadd.s32 v1, v3  }
.LBB2_3:
0x40: {  	s16 =	sadd.s32 $0x10, s16;
	v2 =	vsel vm1, $0xFFFFFFFF, v2;
	v3 =	vshrl.u32 v0, $0x6;
	v4 =	vshll.u32 v0, $0xD;
	v0 =	vld.msk [tilespmem:s17+$0x0 ss:$0x1], $0xffff  }
0x41: {  	p1 =	slt.u32 s16, $0x1FF0;
	v3 =	vand.u32 $0x1FFF, v3;
	v4 =	vand.u32 $0x60000, v4;
	v5 =	vshll.u32 v2, $0xD  }
.Ltmp3:
0x42: {  	v2 =	vshll.u32 v2, $0x7;
	v4 =	vsel vm1, $0xFFFE0000, v4;
	v5 =	vand.u32 $0xFFFF0000, v5;
	(pc) =	sbr.rel @p1 .LBB2_3-.Ltmp3, $4  }
0x43: {  	s14 =	sadd.s32 $0x10, s14;
	v3 =	vsel vm1, $0xFFFFFFFF, v3;
	v2 =	vand.u32 $0x380, v2;
	v4 =	vadd.s32 v4, v5;
	(ifvalue) =	ssetifvalue $0x7FFFFFFF  }
0x44: {  	v5 =	vand.u32 $0x7F, v3;
	v3 =	vshll.u32 v3, $0x3;
	v2 =	vor.u32 v2, v4;
	[tilespmem:s14], [sflag:$0x1] =	stream.indirect_vreg.gather [hbm4b:s3+s10], $0x1, v1, vm0, $0x4038;
	[tilespmem:$0x8000] =	vst v63  }
0x45: {  	v1 =	vand.u32 $0xFFFFFC00, v3;
	v3 =	vor.u32 v5, v2  }
0x46: {  	s17 =	sadd.s32 $0x10, s17;
	vm1 =	veq.s32 v0, $0x80000000;
	v2 =	vand.u32 $0xF, v0;
	v1 =	vadd.s32 v1, v3  }
.Ltmp4:
0x47: {  	_ = 	snop;
	(pc) =	sbr.rel .LBB2_4-.Ltmp4, $1  }
0x48: {  	_ =	sdelay $0x3  }
.LBB2_6:
0x49: {  	_ =	sfence.sel $0x180000  }
0x4a: {  	s2 =	simm.s32 $0x2;
	[bflag:$0x0] =	sbarrier.arrive $0xFFFF  }
0x4b: {  	s30 =	simm.s32 $0x3;
	[sflag:s2] =	ssyncpa.u1 $0x1  }
0x4c: {  	s31 =	simm.s32 $0x1;
	[sflag:s30] =	ssyncpa.u1 $0x1  }
0x4d: {  	[sflag:s31] =	ssyncpa.u1 $0x1  }
0x4e: {  	p0 =	sne.s32 s1, $0x0;
	_ =	strace $0x90000050  }
0x4f: {  	s0 =	sadd.s32 @!p0 $0x100000, s0;
	[bflag:$0x2] =	sbarrier.arrive $0xFFFF  }
0x50: {  	[sflag:s0] =	ssyncadd.tile.s32 @!p0 $0x1;
	_ =	shalt  }
.Lfunc_end2:
_tile_overlayer_lowered:
.L_overlay_start_2:
0x51: {  	(tag) =	ssettag $0x2  }
0x52: {  	s0 =	rddreg [dreg:$0x0];
	s2 =	stileid.u32  }
0x53: {  	s1 =	rddreg [dreg:$0x1];
	p0 =	sne.s32 s2, $0x0  }
0x54: {  	s3 =	rddreg [dreg:$0x2];
	[bflag:$0x3] =	sbarrier.arrive $0xFFFF;
	s2 =	simm.s32 @!p0 $0x1C01  }
0x55: {  	[timem:s3], [sflag:s2] =	dma.local @!p0 [hbm:s0], s1  }
0x56: {  	s0 =	simm.s32 @!p0 $0x1  }
0x57: {  	_ =	swait.ge @!p0 [sflag:s0], s1  }
0x58: {  	s1 =	ssub.s32 @!p0 $0x0, s1;
	[sflag:s0] =	ssyncset.done @!p0 $0x0  }
0x59: {  	[sflag:s0] =	ssyncadd.s32 @!p0 s1  }
0x5a: {  	[bflag:$0x3] =	sbarrier.arrive $0xFFFF  }
0x5b: {  	_ =	shalt  }

// kernel: gather_offload_async_start
scs
__scs_entry_jumppad:
0x0: {  	(pc) =	sbr.rel $0x88, $3  }
0x1: {  	(tag) =	ssettag $0x0;
	lr =	simm.s32 $0x1  }
0x2: {  	[smem:$0x3F6D] =	sst lr;
	_ =	strace $0xD0000000  }
0x3: {  	_ = 	snop  }
0x4: {  	_ = 	snop  }
0x5: {  	_ = 	snop  }
0x6: {  	_ = 	snop  }
0x7: {  	_ = 	snop  }
__scs_overlays_trampoline_lowered:
0x8: {  	[smem:$0x3F7C] =	sst s0  }
0x9: {  	[smem:$0x3F7D] =	sst s1  }
0xa: {  	[smem:$0x3F7E] =	sst s2  }
0xb: {  	[smem:$0x3F7F] =	sst s3  }
0xc: {  	[smem:$0x3F80] =	sst s4  }
0xd: {  	[smem:$0x3F81] =	sst s5  }
0xe: {  	[smem:$0x3F82] =	sst s6  }
0xf: {  	[smem:$0x3F83] =	sst s7  }
0x10: {  	[smem:$0x3F84] =	sst s8  }
0x11: {  	[smem:$0x3F85] =	sst s9;
	s0 =	simm.s32 @!p0 $0x0  }
0x12: {  	s1 =	sld [smem:$0x3F6B];
	s0 =	simm.s32 @p0 $0x1  }
0x13: {  	[smem:$0x3F86] =	sst s0;
	s0 =	simm.s32 @!p1 $0x0  }
0x14: {  	s2 =	sld [smem:$0x3F6A];
	s0 =	simm.s32 @p1 $0x1  }
0x15: {  	[smem:$0x3F87] =	sst s0;
	s0 =	simm.s32 @!p2 $0x0  }
0x16: {  	s3 =	sld [smem:$0x3FDB];
	s0 =	simm.s32 @p2 $0x1  }
0x17: {  	s4 =	simm.s32 $0x1BF5;
	[smem:$0x3F89] =	sst s0  }
0x18: {  	s0 =	sld [smem:$0x3F6C];
	_ =	swait.ge [sflag:s4], $0x0  }
0x19: {  	s7 =	sld [smem:$0x3F6D]  }
0x1a: {  	s8 =	sadd.s32 $0xFFFFE003, lr  }
0x1b: {  	s9 =	sadd.s32 $0xFFFFFEF7, lr;
	s5 =	simm.s32 $0xFFFFFFFF;
	p2 =	slt.u32 s8, $0xFFFFF086  }
0x1c: {  	p1 =	slt.u32 s9, $0xF7A;
	s5 =	simm.s32 @!p2 $0x0  }
0x1d: {  	s5 =	simm.s32 @p1 $0x1;
	p0 =	seq.s32 s7, s2  }
0x1e: {  	s7 =	smul.u32 @!p0 $0xF7A, s2;
	p2 =	seq.s32 @!p0 s5, $0x0  }
0x1f: {  	s9 =	smul.u32 $0xF7A, s1;
	s8 =	simm.s32 @!p0 $0x1BF5;
	p2 =	por !p2, p0  }
0x20: {  	[sflag:s8] =	ssyncset.s32 @!p0 $0xFFFFF086;
	s6 =	sadd.s32 @!p0 s3, s7;
	s7 =	simm.s32 @!p0 $0x108  }
0x21: {  	s3 =	sadd.s32 s3, s9;
	s6 =	sadd.s32 @!p0 $0x88, s6;
	s7 =	simm.s32 @p2 $0x1082  }
0x22: {  	[simem:s7], [sflag:s8] =	dma.local @!p0 [hbm:s6], $0xF7A  }
0x23: {  	s9 =	sor.u32 $0xD0000000, s2;
	s6 =	simm.s32 $0x108;
	_ =	swait.ge @!p0 [sflag:s8], $0x0  }
0x24: {  	s3 =	sadd.s32 $0x88, s3;
	s6 =	simm.s32 @!p1 $0x1082;
	[sflag:s4] =	ssyncset.s32 $0xFFFFF086  }
0x25: {  	[simem:s6], [sflag:s4] =	dma.local [hbm:s3], $0xF7A  }
0x26: {  	[smem:$0x3F6D] =	sst s1;
	(tag) =	ssettag s2;
	_ =	strace s9  }
0x27: {  	s1 =	sld [smem:$0x3F7D]  }
0x28: {  	s2 =	sld [smem:$0x3F7E]  }
0x29: {  	s4 =	sld [smem:$0x3F80]  }
0x2a: {  	p0 =	seq.s32 s5, $0x0;
	s5 =	sld [smem:$0x3F81]  }
0x2b: {  	s6 =	sld [smem:$0x3F82]  }
0x2c: {  	s7 =	sld [smem:$0x3F83]  }
0x2d: {  	s3 =	simm.s32 $0x108;
	s8 =	sld [smem:$0x3F84]  }
0x2e: {  	s3 =	simm.s32 @!p0 $0x1082;
	s9 =	sld [smem:$0x3F85]  }
0x2f: {  	lr =	sadd.s32 s0, s3;
	s0 =	sld [smem:$0x3F7C]  }
0x30: {  	s3 =	sld [smem:$0x3F7F]  }
0x31: {  	[smem:$0x3F88] =	sst s10  }
0x32: {  	s10 =	sld [smem:$0x3F86];
	_ =	sdelay $0x3  }
0x33: {  	p0 =	seq.s32 s10, $0x1;
	s10 =	sld [smem:$0x3F88];
	_ =	sdelay $0x3  }
0x34: {  	[smem:$0x3F88] =	sst s10  }
0x35: {  	s10 =	sld [smem:$0x3F87];
	_ =	sdelay $0x3  }
0x36: {  	p1 =	seq.s32 s10, $0x1;
	s10 =	sld [smem:$0x3F88];
	_ =	sdelay $0x3  }
0x37: {  	[smem:$0x3F88] =	sst s10  }
0x38: {  	s10 =	sld [smem:$0x3F89]  }
0x39: {  	_ = 	snop;
	(pc) =	sbr.ind lr, $3  }
0x3a: {  	_ = 	snop  }
0x3b: {  	_ = 	snop  }
0x3c: {  	p2 =	seq.s32 s10, $0x1;
	s10 =	sld [smem:$0x3F88]  }
0x3d: {  	_ =	shalt  }
0x3e: {  	_ =	shalt  }
0x3f: {  	_ =	shalt  }
0x40: {  	_ =	shalt  }
0x41: {  	_ =	shalt  }
0x42: {  	_ =	shalt  }
0x43: {  	_ =	shalt  }
0x44: {  	_ =	shalt  }
0x45: {  	_ =	shalt  }
0x46: {  	_ =	shalt  }
0x47: {  	_ =	shalt  }
0x48: {  	_ =	shalt  }
0x49: {  	_ =	shalt  }
0x4a: {  	_ =	shalt  }
0x4b: {  	_ =	shalt  }
0x4c: {  	_ =	shalt  }
0x4d: {  	_ =	shalt  }
0x4e: {  	_ =	shalt  }
0x4f: {  	_ =	shalt  }
0x50: {  	_ =	shalt  }
0x51: {  	_ =	shalt  }
0x52: {  	_ =	shalt  }
0x53: {  	_ =	shalt  }
0x54: {  	_ =	shalt  }
0x55: {  	_ =	shalt  }
0x56: {  	_ =	shalt  }
0x57: {  	_ =	shalt  }
0x58: {  	_ =	shalt  }
0x59: {  	_ =	shalt  }
0x5a: {  	_ =	shalt  }
0x5b: {  	_ =	shalt  }
0x5c: {  	_ =	shalt  }
0x5d: {  	_ =	shalt  }
0x5e: {  	_ =	shalt  }
0x5f: {  	_ =	shalt  }
0x60: {  	_ =	shalt  }
0x61: {  	_ =	shalt  }
0x62: {  	_ =	shalt  }
0x63: {  	_ =	shalt  }
0x64: {  	_ =	shalt  }
0x65: {  	_ =	shalt  }
0x66: {  	_ =	shalt  }
0x67: {  	_ =	shalt  }
0x68: {  	_ =	shalt  }
0x69: {  	_ =	shalt  }
0x6a: {  	_ =	shalt  }
0x6b: {  	_ =	shalt  }
0x6c: {  	_ =	shalt  }
0x6d: {  	_ =	shalt  }
0x6e: {  	_ =	shalt  }
0x6f: {  	_ =	shalt  }
0x70: {  	_ =	shalt  }
0x71: {  	_ =	shalt  }
0x72: {  	_ =	shalt  }
0x73: {  	_ =	shalt  }
0x74: {  	_ =	shalt  }
0x75: {  	_ =	shalt  }
0x76: {  	_ =	shalt  }
0x77: {  	_ =	shalt  }
0x78: {  	_ =	shalt  }
0x79: {  	_ =	shalt  }
0x7a: {  	_ =	shalt  }
0x7b: {  	_ =	shalt  }
0x7c: {  	_ =	shalt  }
0x7d: {  	_ =	shalt  }
0x7e: {  	_ =	shalt  }
0x7f: {  	_ =	shalt  }
0x80: {  	_ =	shalt  }
0x81: {  	_ =	shalt  }
0x82: {  	_ =	shalt  }
0x83: {  	_ =	shalt  }
0x84: {  	_ =	shalt  }
0x85: {  	_ =	shalt  }
0x86: {  	_ =	shalt  }
0x87: {  	_ =	shalt  }
.Lfunc_end0:
.L_simem_size_0:
called_computation.1_lowered:
.L_overlay_start_0:
0x88: {  	s2 =	sld [smem:$0x3FD9]  }
0x89: {  	s3 =	sld [smem:$0x3FFE];
	_ =	sdelay $0x1  }
0x8a: {  	s1 =	srdreg.scid  }
0x8b: {  	s0 =	sand.u32 $0x1, s1  }
0x8c: {  	s16 =	sshll.u32 s0, $0xA;
	s2 =	sadd.s32 s3, s2  }
0x8d: {  	s2 =	sadd.s32 s2, s16  }
0x8e: {  	[smem:$0x3F94] =	sst s2  }
0x8f: {  	_ = 	snop  }
0x90: {  	(tm) =	ssettm $0x1  }
0x91: {  	s17 =	sld [smem:$0x3FFB];
	_ =	sdelay $0x3  }
0x92: {  	_ =	strace s17  }
0x93: {  	s2 =	sld [smem:$0x3FFC];
	_ =	sdelay $0x3  }
0x94: {  	_ =	strace s2  }
0x95: {  	s2 =	sld [smem:$0x3FFD];
	_ =	sdelay $0x3  }
0x96: {  	_ =	strace s2  }
0x97: {  	_ =	strace $0x8FFFFFFF  }
0x98: {  	s18 =	sld [smem:$0x3FDB];
	_ =	sdelay $0x1  }
0x99: {  	s19 =	simm.s32 $_scs_section_size  }
0x9a: {  	s4 =	simm.s32 $_size__tile_overlayer_lowered;
	s5 =	simm.s32 $_tile_overlayer_lowered  }
0x9b: {  	s22 =	simm.s32 $0x1BFF;
	s21 =	sshll.u32 s5, $0x1;
	s2 =	sadd.s32 s19, s18  }
0x9c: {  	s6 =	simm.s32 $0x0;
	s20 =	sshll.u32 s4, $0x1;
	s4 =	sadd.s32 s21, s2  }
0x9d: {  	[timem:s6], [sflag:s22] =	dma.local [hbm:s4], s20  }
0x9e: {  	_ =	swait.ge [sflag:s22], s20  }
0x9f: {  	s3 =	ssub.s32 $0x0, s20;
	[sflag:s22] =	ssyncset.done $0x0  }
0xa0: {  	[sflag:s22] =	ssyncadd.s32 s3;
	_ =	sdelay $0x1  }
0xa1: {  	s23 =	simm.s32 $0x1B8B  }
0xa2: {  	_ =	swait.ge [sflag:s23], $0x1  }
0xa3: {  	[sflag:s23] =	ssyncset.done $0x0  }
0xa4: {  	s25 =	simm.s32 $0x1B8E;
	s24 =	sld [smem:$0x3FFE];
	[sflag:s23] =	ssyncadd.s32 $0xFFFFFFFF  }
0xa5: {  	s26 =	simm.s32 $execute0_lowered;
	[smem:$0x3FD2] =	sst s25  }
0xa6: {  	s4 =	sshll.u32 s26, $0x1;
	_ =	strace $0x80000046;
	[dreg:$0x1] =	wrdreg $0xFFFFFFFF  }
0xa7: {  	s28 =	simm.s32 $_size_execute0_lowered;
	s2 =	sadd.s32 s2, s4;
	[dreg:$0x0] =	wrdreg $0x0  }
0xa8: {  	s4 =	sshll.u32 s28, $0x1;
	[dreg:$0x2] =	wrdreg s2  }
0xa9: {  	[dreg:$0x3] =	wrdreg s4  }
0xaa: {  	[dreg:$0x4] =	wrdreg $0xC0  }
0xab: {  	_ =	task [dreg:s6], $0x5FFFF  }
0xac: {  	[dreg:$0x1] =	wrdreg $0xFFFFFFFF  }
0xad: {  	[dreg:$0x0] =	wrdreg $0x60  }
0xae: {  	[dreg:$0x2] =	wrdreg s24  }
0xaf: {  	[dreg:$0x3] =	wrdreg $0x9  }
0xb0: {  	_ =	task.clear_ibuf [dreg:s6], $0x4FFFF;
	_ =	strace $0x90000046  }
0xb1: {  	s29 =	simm.s32 $0x9;
	_ =	strace $0x80000048  }
0xb2: {  	_ =	swait.ge [sflag:s29], $0x1  }
0xb3: {  	[sflag:s29] =	ssyncadd.s32 $0xFFFFFFFF  }
0xb4: {  	_ =	strace $0x90000048  }
0xb5: {  	_ =	sfence  }
0xb6: {  	s30 =	sld [smem:$0x0];
	_ =	sdelay $0x2  }
0xb7: {  	s31 =	sshll.u32 s1, $0xD;
	s1 =	sshrl.u32 s1, $0x2  }
0xb8: {  	s3 =	sand.u32 $0x4000, s31;
	s1 =	sadd.s32 s1, s30  }
0xb9: {  	s0 =	sor.u32 s3, s0;
	s1 =	sshll.u32 s1, $0x11  }
0xba: {  	s0 =	sor.u32 s1, s0  }
0xbb: {  	s0 =	sadd.s32 $0x8F2B, s0  }
0xbc: {  	[sflag:s0] =	ssyncadd.remote.s32 $0x1  }
0xbd: {  	_ =	sfence.sel $0xFFFF  }
0xbe: {  	[dreg:$0x0] =	wrdreg $0xFFFFFFFF;
	(pc) =	sbr.abs _section_cstart, $3  }
0xbf: {  	[dreg:$0x1] =	wrdreg $0xFFFFFFFF  }
0xc0: {  	_ =	task.clear_ibuf [dreg:s6], $0x2FFFF;
	_ =	strace $0x9FFFFFFF  }
0xc1: {  	(tm) =	ssettm $0x7FFFFFFF  }
tec
execute0_lowered:
.L_overlay_start_1:
0x0: {  	(tag) =	ssettag $0x1  }
0x1: {  	s0 =	srdreg.scid;
	s5 =	rddreg [dreg:$0x0]  }
0x2: {  	s1 =	stileid.u32;
	s6 =	simm.s32 $0x1;
	s9 =	simm.s32 $0x1  }
0x3: {  	s10 =	simm.s32 $0x3;
	s13 =	simm.s32 $0x0;
	s2 =	sshll.u32 s0, $0x7  }
0x4: {  	s12 =	simm.s32 $0x0;
	s3 =	sshll.u32 s1, $0x8;
	s2 =	sand.u32 $0x80, s2  }
0x5: {  	s0 =	rddreg [dreg:$0x1];
	_ =	strace $0x80000047;
	s2 =	sor.u32 s3, s2  }
0x6: {  	s4 =	sadd.s32 $0x21C400, s5;
	[sflag:s6] =	ssyncpa.u1 $0x0;
	s8 =	ssub.s32 $0x1800, s2  }
.Ltmp0:
0x7: {  	s3 =	sadd.s32 $0xC400, s5;
	s7 =	sand.u32 $0xF80, s8;
	(pc) =	sbr.rel .LBB2_1-.Ltmp0, $4  }
0x8: {  	s5 =	sadd.s32 $0x223200, s5;
	s11 =	smov.u32 s2;
	p0 =	sne.s32 s7, $0x0  }
0x9: {  	s8 =	sshrl.u32 s8, $0xC;
	s7 =	simm.s32 $0x2;
	s9 =	simm.s32 @!p0 $0x0  }
0xa: {  	[sflag:s7] =	ssyncpa.u1 $0x0;
	p0 =	por $0x0, $0x0;
	s8 =	sadd.s32 s9, s8  }
0xb: {  	vm0 =	vmmov $0xffff;
	[sflag:s10] =	ssyncpa.u1 $0x0;
	s10 =	simm.s32 $0x0;
	s9 =	sadd.s32 $0x1, s8  }
.LBB2_4:
0xc: {  	v2 =	vand.u32 $0x3, v2;
	v3 =	vshrl.u32 v0, $0x6;
	v63 =	vshll.u32 v0, $0xF  }
0xd: {  	v2 =	vsel vm1, $0xFFFFFFFF, v2;
	v3 =	vand.u32 $0x1FFF, v3;
	v0 =	vand.u32 $0x78000, v63  }
0xe: {  	v3 =	vsel vm1, $0xFFFFFFFF, v3;
	v0 =	vsel vm1, $0xFFFF8000, v0;
	v4 =	vand.u32 $0xFFFF8000, v2  }
0xf: {  	v5 =	vand.u32 $0x7F, v3;
	v0 =	vadd.s32 v0, v4;
	v3 =	vshll.u32 v3, $0x2  }
0x10: {  	v2 =	vshll.u32 v2, $0x7;
	v3 =	vand.u32 $0xFFFFFE00, v3;
	v0 =	vor.u32 v5, v0  }
0x11: {  	v2 =	vand.u32 $0x180, v2;
	v0 =	vadd.s32 v3, v0  }
0x12: {  	v0 =	vor.u32 v2, v0;
	_ =	sdelay $0x1  }
0x13: {  	(ifvalue) =	ssetifvalue $0x7FFFFFFF;
	s14 =	sadd.s32 $0x10, s14  }
0x14: {  	[tilespmem:s14], [sflag:$0x1] =	stream.indirect_vreg.gather [hbm4b:s3+s10], $0x1, v1, vm0, $0x4038;
	[tilespmem:$0x200] =	vst v63  }
0x15: {  	(ifvalue) =	ssetifvalue $0x7FFFFFFF;
	s14 =	sadd.s32 $0x10, s14  }
0x16: {  	[tilespmem:s14], [sflag:$0x1] =	stream.indirect_vreg.gather [hbm4b:s3+s10], $0x1, v0, vm0, $0x4038;
	[tilespmem:$0x200] =	vst v63  }
0x17: {  	_ =	swait.ge [sflag:s6], $0x80  }
0x18: {  	s30 =	sshrl.u32 s13, $0x3;
	[sflag:s6] =	ssyncset.done $0x0  }
0x19: {  	s31 =	sand.u32 $0x7, s13;
	s14 =	sadd.s32 s5, s30;
	[sflag:s6] =	ssyncadd.s32 $0xFFFFFF80  }
0x1a: {  	[hbm4b:s14+s31] =	stream.linear.scatter [tilespmem:s15], [sflag:$0x3], $0x80, $0x38;
	[tilespmem:$0x200] =	vst v63  }
.LBB2_5:
0x1b: {  	s15 =	sadd.s32 $0x1000, s11  }
0x1c: {  	p2 =	sgt.s32 s15, $0x17FF  }
0x1d: {  	s15 =	smov.u32 @p2 s2;
	p2 =	sne.s32 s12, s9  }
.Ltmp1:
0x1e: {  	p1 =	slt.u32 s12, $0x2;
	(pc) =	sbr.rel @!p2 .LBB2_6-.Ltmp1, $4  }
0x1f: {  	s14 =	simm.s32 @!p1 $0x3  }
0x20: {  	s16 =	sadd.s32 $0x1, s12;
	_ =	swait.ge @!p1 [sflag:s14], $0x80  }
0x21: {  	s13 =	smov.u32 s11;
	p0 =	por !p0, !p0;
	[sflag:s14] =	ssyncset.done @!p1 $0x0  }
0x22: {  	s12 =	smov.u32 s16;
	s11 =	smov.u32 s15;
	[sflag:s14] =	ssyncadd.s32 @!p1 $0xFFFFFF80  }
.LBB2_1:
0x23: {  	p1 =	sge.u32 s12, s8  }
0x24: {  	s14 =	sxor.u32 @!p1 $0xFFFFFFFF, s12  }
0x25: {  	s31 =	sadd.s32 $0xFFFFFFFF, s12;
	s15 =	sshrl.u32 @!p1 s11, $0x3;
	s14 =	sshll.u32 @!p1 s14, $0x7  }
0x26: {  	s16 =	sand.u32 @!p1 $0x7, s11;
	s15 =	sadd.s32 @!p1 s4, s15;
	s14 =	sand.u32 @!p1 $0x80, s14  }
0x27: {  	[tilespmem:s14], [sflag:$0x2] =	stream.linear.gather @!p1 [hbm4b:s15+s16], $0x80, $0x38;
	[tilespmem:$0x200] =	vst v63  }
0x28: {  	p1 =	sge.u32 s31, s8  }
.Ltmp2:
0x29: {  	_ = 	snop;
	(pc) =	sbr.rel @p1 .LBB2_5-.Ltmp2, $1  }
0x2a: {  	_ =	sdelay $0x3  }
0x2b: {  	s14 =	simm.s32 $0x1  }
0x2c: {  	_ =	swait.ge [sflag:s7], $0x80;
	s14 =	simm.s32 @!p0 $0x0  }
0x2d: {  	[sflag:s7] =	ssyncset.done $0x0;
	s14 =	sshll.u32 s14, $0x7  }
0x2e: {  	[sflag:s7] =	ssyncadd.s32 $0xFFFFFF80;
	(ifvalue) =	ssetifvalue $0x7FFFFFFF;
	v0 =	vld.msk [tilespmem:s14+$0x0 ss:$0x1], $0xffff;
	_ =	sdelay $0x1  }
0x2f: {  	s15 =	sadd.s32 $0x10, s14  }
0x30: {  	v3 =	vld.msk [tilespmem:s15+$0x0 ss:$0x1], $0xffff;
	_ =	sdelay $0x1  }
0x31: {  	vm1 =	veq.s32 v0, $0x80000000  }
0x32: {  	v1 =	vshrl.u32 v0, $0x4;
	v2 =	vshrl.u32 v0, $0x6;
	v0 =	vshll.u32 v0, $0xF  }
0x33: {  	v1 =	vand.u32 $0x3, v1;
	v2 =	vand.u32 $0x1FFF, v2;
	v0 =	vand.u32 $0x78000, v0  }
0x34: {  	v62 =	vshrl.u32 v3, $0x6;
	v1 =	vsel vm1, $0xFFFFFFFF, v1;
	v2 =	vsel vm1, $0xFFFFFFFF, v2  }
0x35: {  	v0 =	vsel vm1, $0xFFFF8000, v0;
	vm1 =	veq.s32 v3, $0x80000000;
	v4 =	vand.u32 $0xFFFF8000, v1  }
0x36: {  	v5 =	vand.u32 $0x7F, v2;
	v2 =	vshll.u32 v2, $0x2;
	v0 =	vadd.s32 v0, v4  }
0x37: {  	v1 =	vshll.u32 v1, $0x7;
	v2 =	vand.u32 $0xFFFFFE00, v2;
	v0 =	vor.u32 v5, v0  }
0x38: {  	v1 =	vand.u32 $0x180, v1;
	v0 =	vadd.s32 v2, v0;
	v2 =	vshrl.u32 v3, $0x4  }
0x39: {  	s17 =	sadd.s32 $0x10, s15;
	v3 =	vshll.u32 v3, $0xF;
	v1 =	vor.u32 v1, v0;
	v2 =	vand.u32 $0x3, v2  }
0x3a: {  	v4 =	vand.u32 $0x1FFF, v62;
	v0 =	vld.msk [tilespmem:s17+$0x0 ss:$0x1], $0xffff;
	v3 =	vand.u32 $0x78000, v3;
	v2 =	vsel vm1, $0xFFFFFFFF, v2  }
0x3b: {  	v4 =	vsel vm1, $0xFFFFFFFF, v4;
	v3 =	vsel vm1, $0xFFFF8000, v3;
	v63 =	vand.u32 $0xFFFF8000, v2  }
0x3c: {  	s31 =	sshll.u32 s12, $0x7;
	v6 =	vand.u32 $0x7F, v4;
	v4 =	vshll.u32 v4, $0x2;
	v3 =	vadd.s32 v3, v63  }
0x3d: {  	s14 =	sor.u32 $0x100, s14;
	s15 =	sand.u32 $0x80, s31;
	(ifvalue) =	ssetifvalue $0x7FFFFFFF;
	v4 =	vand.u32 $0xFFFFFE00, v4;
	v2 =	vshll.u32 v2, $0x7;
	v3 =	vor.u32 v6, v3  }
0x3e: {  	[tilespmem:s14], [sflag:$0x1] =	stream.indirect_vreg.gather [hbm4b:s3+s10], $0x1, v1, vm0, $0x4038;
	v1 =	vand.u32 $0x180, v2;
	v3 =	vadd.s32 v4, v3;
	[tilespmem:$0x200] =	vst v63  }
0x3f: {  	s16 =	simm.s32 $0x20;
	s15 =	sor.u32 $0x100, s15;
	s17 =	sadd.s32 $0x10, s17;
	vm1 =	veq.s32 v0, $0x80000000;
	v2 =	vshrl.u32 v0, $0x4;
	v1 =	vor.u32 v1, v3  }
.LBB2_3:
0x40: {  	s16 =	sadd.s32 $0x10, s16;
	v2 =	vand.u32 $0x3, v2;
	v3 =	vshrl.u32 v0, $0x6;
	v4 =	vshll.u32 v0, $0xF;
	v0 =	vld.msk [tilespmem:s17+$0x0 ss:$0x1], $0xffff  }
0x41: {  	p1 =	slt.u32 s16, $0x70;
	v2 =	vsel vm1, $0xFFFFFFFF, v2;
	v3 =	vand.u32 $0x1FFF, v3;
	v4 =	vand.u32 $0x78000, v4  }
.Ltmp3:
0x42: {  	v3 =	vsel vm1, $0xFFFFFFFF, v3;
	v4 =	vsel vm1, $0xFFFF8000, v4;
	v5 =	vand.u32 $0xFFFF8000, v2;
	(pc) =	sbr.rel @p1 .LBB2_3-.Ltmp3, $4  }
0x43: {  	s14 =	sadd.s32 $0x10, s14;
	v6 =	vand.u32 $0x7F, v3;
	v4 =	vadd.s32 v4, v5;
	v3 =	vshll.u32 v3, $0x2;
	(ifvalue) =	ssetifvalue $0x7FFFFFFF  }
0x44: {  	v2 =	vshll.u32 v2, $0x7;
	v3 =	vand.u32 $0xFFFFFE00, v3;
	v4 =	vor.u32 v6, v4;
	[tilespmem:s14], [sflag:$0x1] =	stream.indirect_vreg.gather [hbm4b:s3+s10], $0x1, v1, vm0, $0x4038;
	[tilespmem:$0x200] =	vst v63  }
0x45: {  	v1 =	vand.u32 $0x180, v2;
	v3 =	vadd.s32 v3, v4  }
0x46: {  	s17 =	sadd.s32 $0x10, s17;
	vm1 =	veq.s32 v0, $0x80000000;
	v2 =	vshrl.u32 v0, $0x4;
	v1 =	vor.u32 v1, v3  }
.Ltmp4:
0x47: {  	_ = 	snop;
	(pc) =	sbr.rel .LBB2_4-.Ltmp4, $1  }
0x48: {  	_ =	sdelay $0x3  }
.LBB2_6:
0x49: {  	_ =	sfence.sel $0x180000  }
0x4a: {  	s2 =	simm.s32 $0x2;
	[bflag:$0x0] =	sbarrier.arrive $0xFFFF  }
0x4b: {  	s30 =	simm.s32 $0x3;
	[sflag:s2] =	ssyncpa.u1 $0x1  }
0x4c: {  	s31 =	simm.s32 $0x1;
	[sflag:s30] =	ssyncpa.u1 $0x1  }
0x4d: {  	[sflag:s31] =	ssyncpa.u1 $0x1  }
0x4e: {  	p0 =	sne.s32 s1, $0x0;
	_ =	strace $0x90000047  }
0x4f: {  	s0 =	sadd.s32 @!p0 $0x100000, s0;
	[bflag:$0x2] =	sbarrier.arrive $0xFFFF  }
0x50: {  	[sflag:s0] =	ssyncadd.tile.s32 @!p0 $0x1;
	_ =	shalt  }
.Lfunc_end2:
_tile_overlayer_lowered:
.L_overlay_start_2:
0x51: {  	(tag) =	ssettag $0x2  }
0x52: {  	s0 =	rddreg [dreg:$0x0];
	s2 =	stileid.u32  }
0x53: {  	s1 =	rddreg [dreg:$0x1];
	p0 =	sne.s32 s2, $0x0  }
0x54: {  	s3 =	rddreg [dreg:$0x2];
	[bflag:$0x3] =	sbarrier.arrive $0xFFFF;
	s2 =	simm.s32 @!p0 $0x1C01  }
0x55: {  	[timem:s3], [sflag:s2] =	dma.local @!p0 [hbm:s0], s1  }
0x56: {  	s0 =	simm.s32 @!p0 $0x1  }
0x57: {  	_ =	swait.ge @!p0 [sflag:s0], s1  }
0x58: {  	s1 =	ssub.s32 @!p0 $0x0, s1;
	[sflag:s0] =	ssyncset.done @!p0 $0x0  }
0x59: {  	[sflag:s0] =	ssyncadd.s32 @!p0 s1  }
0x5a: {  	[bflag:$0x3] =	sbarrier.arrive $0xFFFF  }
0x5b: {  	_ =	shalt  }

// kernel: sparse-core-data-format-call.cloned.1.call-start
scs
called_computation_lowered:
.L_overlay_start_0:
0x0: {  	s2 =	sld [smem:$0x3FD9]  }
0x1: {  	s3 =	sld [smem:$0x3FFE];
	_ =	sdelay $0x1  }
0x2: {  	s1 =	srdreg.scid  }
0x3: {  	s0 =	sand.u32 $0x1, s1  }
0x4: {  	s18 =	sshll.u32 s0, $0xA;
	s2 =	sadd.s32 s3, s2  }
0x5: {  	s2 =	sadd.s32 s2, s18  }
0x6: {  	[smem:$0x3F94] =	sst s2  }
0x7: {  	_ = 	snop  }
0x8: {  	(tm) =	ssettm $0x1  }
0x9: {  	s19 =	sld [smem:$0x3FFB];
	_ =	sdelay $0x3  }
0xa: {  	_ =	strace s19  }
0xb: {  	s2 =	sld [smem:$0x3FFC];
	_ =	sdelay $0x3  }
0xc: {  	_ =	strace s2  }
0xd: {  	s2 =	sld [smem:$0x3FFD];
	_ =	sdelay $0x3  }
0xe: {  	_ =	strace s2  }
0xf: {  	_ =	strace $0x8FFFFFFF  }
0x10: {  	s20 =	sld [smem:$0x3FDB];
	_ =	sdelay $0x1  }
0x11: {  	s21 =	simm.s32 $_scs_section_size  }
0x12: {  	s4 =	simm.s32 $_size__tile_overlayer_lowered;
	s5 =	simm.s32 $_tile_overlayer_lowered  }
0x13: {  	s6 =	simm.s32 $0x1BFF;
	s22 =	sshll.u32 s5, $0x1;
	s3 =	sadd.s32 s21, s20  }
0x14: {  	s23 =	simm.s32 $0x0;
	s4 =	sshll.u32 s4, $0x1;
	s5 =	sadd.s32 s22, s3  }
0x15: {  	[timem:s23], [sflag:s6] =	dma.local [hbm:s5], s4  }
0x16: {  	_ =	swait.ge [sflag:s6], s4  }
0x17: {  	s4 =	ssub.s32 $0x0, s4;
	[sflag:s6] =	ssyncset.done $0x0  }
0x18: {  	[sflag:s6] =	ssyncadd.s32 s4;
	_ =	sdelay $0x1  }
0x19: {  	s24 =	simm.s32 $0x1B8B  }
0x1a: {  	_ =	swait.ge [sflag:s24], $0x1  }
0x1b: {  	[sflag:s24] =	ssyncset.done $0x0  }
0x1c: {  	[sflag:s24] =	ssyncadd.s32 $0xFFFFFFFF  }
0x1d: {  	s4 =	sld [smem:$0x0]  }
0x1e: {  	s5 =	sand.u32 $0xFFFFFFFE, s1  }
0x1f: {  	p0 =	sne.s32 s1, s5  }
0x20: {  	s5 =	sshll.u32 @p0 s5, $0xE  }
0x21: {  	s5 =	sadd.s32 @p0 $0x11B8D, s5;
	s6 =	sshll.u32 @p0 s4, $0x11  }
0x22: {  	s5 =	sor.u32 @p0 s6, s5  }
0x23: {  	[sflag:s5] =	ssyncadd.remote.s32 @p0 $0x1;
	_ =	sdelay $0x1  }
0x24: {  	s5 =	simm.s32 @p0 $0x1B8D  }
0x25: {  	_ =	swait.eq @p0 [sflag:s5], $0x1  }
0x26: {  	[sflag:s5] =	ssyncadd.s32 @p0 $0xFFFFFFFF  }
0x27: {  	s6 =	sshll.u32 @!p0 s1, $0xE  }
0x28: {  	s6 =	sor.u32 @!p0 $0x4000, s6;
	s5 =	simm.s32 @!p0 $0x1B8D  }
0x29: {  	s4 =	sshll.u32 @!p0 s4, $0x11;
	s6 =	sadd.s32 @!p0 $0x11B8D, s6;
	_ =	swait.eq @!p0 [sflag:s5], $0x1  }
0x2a: {  	s4 =	sor.u32 @!p0 s4, s6;
	[sflag:s5] =	ssyncadd.s32 @!p0 $0xFFFFFFFF  }
0x2b: {  	s26 =	simm.s32 $0x1B8E;
	s25 =	sld [smem:$0x3FFE];
	[sflag:s4] =	ssyncadd.remote.s32 @!p0 $0x1  }
0x2c: {  	s27 =	simm.s32 $execute0_lowered;
	[smem:$0x3FD2] =	sst s26  }
0x2d: {  	s5 =	sshll.u32 s27, $0x1;
	_ =	strace $0x8000004C;
	[dreg:$0x1] =	wrdreg $0xFFFFFFFF  }
0x2e: {  	s28 =	simm.s32 $_size_execute0_lowered;
	s3 =	sadd.s32 s3, s5;
	[dreg:$0x0] =	wrdreg $0x0  }
0x2f: {  	s5 =	sshll.u32 s28, $0x1;
	[dreg:$0x2] =	wrdreg s3  }
0x30: {  	[dreg:$0x3] =	wrdreg s5  }
0x31: {  	[dreg:$0x4] =	wrdreg $0xC0  }
0x32: {  	_ =	task [dreg:s23], $0x5FFFF  }
0x33: {  	[dreg:$0x1] =	wrdreg $0xFFFFFFFF  }
0x34: {  	[dreg:$0x0] =	wrdreg $0x60  }
0x35: {  	[dreg:$0x2] =	wrdreg s25  }
0x36: {  	[dreg:$0x3] =	wrdreg $0x9  }
0x37: {  	_ =	task.clear_ibuf [dreg:s23], $0x4FFFF;
	_ =	strace $0x9000004C  }
0x38: {  	s29 =	simm.s32 $0x9;
	_ =	strace $0x8000004E  }
0x39: {  	_ =	swait.ge [sflag:s29], $0x1  }
0x3a: {  	[sflag:s29] =	ssyncadd.s32 $0xFFFFFFFF  }
0x3b: {  	_ =	strace $0x9000004E  }
0x3c: {  	_ =	sfence  }
0x3d: {  	s30 =	sld [smem:$0x0];
	_ =	sdelay $0x2  }
0x3e: {  	s31 =	sshll.u32 s1, $0xD;
	s1 =	sshrl.u32 s1, $0x2  }
0x3f: {  	s4 =	sand.u32 $0x4000, s31;
	s1 =	sadd.s32 s1, s30  }
0x40: {  	s0 =	sor.u32 s4, s0;
	s1 =	sshll.u32 s1, $0x11  }
0x41: {  	s0 =	sor.u32 s1, s0  }
0x42: {  	s0 =	sadd.s32 $0x8F2B, s0  }
0x43: {  	[sflag:s0] =	ssyncadd.remote.s32 $0x1  }
0x44: {  	_ =	sfence.sel $0xFFFF  }
0x45: {  	[dreg:$0x0] =	wrdreg $0xFFFFFFFF;
	(pc) =	sbr.abs _section_cstart, $3  }
0x46: {  	[dreg:$0x1] =	wrdreg $0xFFFFFFFF  }
0x47: {  	_ =	task.clear_ibuf [dreg:s23], $0x2FFFF;
	_ =	strace $0x9FFFFFFF  }
0x48: {  	(tm) =	ssettm $0x7FFFFFFF  }
0x49: {  	_ =	shalt  }
tec
execute0_lowered:
.L_overlay_start_1:
0x0: {  	(tag) =	ssettag $0x1  }
0x1: {  	s1 =	rddreg [dreg:$0x0]  }
0x2: {  	s2 =	srdreg.scid;
	s0 =	rddreg [dreg:$0x1];
	_ =	strace $0x8000004D  }
0x3: {  	s5 =	simm.s32 $0x1;
	s8 =	simm.s32 $0x2;
	s14 =	simm.s32 $0x0  }
0x4: {  	p0 =	por $0x0, $0x0;
	s12 =	simm.s32 $0x0;
	s2 =	sshll.u32 s2, $0x7  }
0x5: {  	s13 =	simm.s32 $0x0;
	s9 =	simm.s32 $0x0;
	s2 =	sand.u32 $0x80, s2  }
.Ltmp0:
0x6: {  	s10 =	stileid.u32;
	s6 =	ssub.s32 $0x2000, s2;
	(pc) =	sbr.rel .LBB1_1-.Ltmp0, $4  }
0x7: {  	s11 =	simm.s32 $0x0;
	s3 =	sadd.s32 $0x224600, s1;
	s7 =	sshrl.u32 s6, $0x7  }
0x8: {  	s4 =	sadd.s32 $0x424600, s1;
	s6 =	sshrl.u32 s6, $0x8;
	s7 =	sand.u32 $0x1, s7  }
0x9: {  	s1 =	stileid.u32;
	[sflag:s5] =	ssyncpa.u1 $0x0;
	s6 =	sadd.s32 s6, s7  }
0xa: {  	[sflag:s8] =	ssyncpa.u1 $0x0;
	s8 =	smov.u32 s2;
	s7 =	sadd.s32 $0x1, s6  }
.LBB1_4:
0xb: {  	v5 =	vld [tilespmem:s18+$0xFFFFFFD0];
	[tilespmem:s17+$0x2040 ss:$0x81] =	vst.msk $0xffff, v1  }
0xc: {  	v58 =	vld [tilespmem:s18+$0xFFFFFFE0];
	[tilespmem:s17+$0x2850 ss:$0x81] =	vst.msk $0xffff, v2  }
0xd: {  	s19 =	sshra.s32 s19, $0x2;
	v59 =	vld [tilespmem:s18+$0xFFFFFFF0];
	[tilespmem:s17+$0x3060 ss:$0x81] =	vst.msk $0xffff, v3  }
0xe: {  	v60 =	vld [tilespmem:s18+$0x0];
	[tilespmem:s17+$0x0 ss:$0x81] =	vst.msk $0xffff, v0;
	s16 =	sadd.s32 s19, s16  }
0xf: {  	v61 =	vld [tilespmem:s18+$0x10];
	[tilespmem:s16+$0x3870 ss:$0x81] =	vst.msk $0xffff, v4  }
0x10: {  	v62 =	vld [tilespmem:s18+$0x20];
	s14 =	sshll.u32 s14, $0x7;
	s28 =	sshll.u32 s12, $0x3;
	[tilespmem:s16+$0x810 ss:$0x81] =	vst.msk $0xffff, v5  }
0x11: {  	v63 =	vld [tilespmem:s18+$0xFFFFFFC0];
	s29 =	sand.u32 $0xFFC00, s14;
	s17 =	sand.u32 $0xFFC00, s28;
	[tilespmem:s16+$0x1020 ss:$0x81] =	vst.msk $0xffff, v58  }
0x12: {  	s14 =	sand.u32 $0x380, s14;
	s17 =	sadd.s32 s17, s29;
	[tilespmem:s16+$0x1830 ss:$0x81] =	vst.msk $0xffff, v59  }
0x13: {  	s13 =	sshll.u32 s13, $0x11;
	s30 =	sshrl.u32 s12, $0x3;
	s14 =	sor.u32 s14, s17;
	[tilespmem:s16+$0x2040 ss:$0x81] =	vst.msk $0xffff, v60  }
0x14: {  	s13 =	sadd.s32 s4, s13;
	s17 =	sand.u32 $0xF, s30;
	s14 =	sshrl.u32 s14, $0x3;
	[tilespmem:s16+$0x2850 ss:$0x81] =	vst.msk $0xffff, v61  }
0x15: {  	s13 =	sadd.s32 s17, s13;
	[tilespmem:s16+$0x3060 ss:$0x81] =	vst.msk $0xffff, v62;
	s14 =	sand.u32 $0x1FFF0, s14  }
0x16: {  	s31 =	sand.u32 $0x7, s12;
	[tilespmem:s16+$0x0 ss:$0x81] =	vst.msk $0xffff, v63;
	s13 =	sadd.s32 s14, s13  }
0x17: {  	[hbm4b:s13+s31] =	stream.linear.scatter [tilespmem:s15], [sflag:$0x2], $0x4000, $0x20;
	[tilespmem:$0x10100] =	vst v63  }
.LBB1_5:
0x18: {  	s15 =	sadd.s32 $0x100, s8  }
0x19: {  	s12 =	sadd.s32 $0x80, s9;
	s16 =	smov.u32 s9;
	p2 =	sgt.s32 s15, $0x1FFF  }
0x1a: {  	s16 =	smov.u32 @p2 s12  }
0x1b: {  	s18 =	smov.u32 s10;
	s12 =	sadd.s32 $0x10, s10;
	p3 =	sgt.s32 s16, $0x7F  }
0x1c: {  	s18 =	smov.u32 @p3 s12  }
0x1d: {  	s15 =	smov.u32 @p2 s2;
	p2 =	sgt.s32 s18, $0xF  }
0x1e: {  	p1 =	slt.u32 s11, $0x2;
	s18 =	smov.u32 @p2 s1;
	p2 =	sne.s32 s11, s7  }
.Ltmp1:
0x1f: {  	s17 =	simm.s32 @!p1 $0x2;
	(pc) =	sbr.rel @!p2 .LBB1_6-.Ltmp1, $4  }
0x20: {  	s14 =	smov.u32 s8;
	s13 =	smov.u32 s10;
	_ =	swait.ge @!p1 [sflag:s17], $0x4000  }
0x21: {  	p0 =	por !p0, !p0;
	[sflag:s17] =	ssyncset.done @!p1 $0x0;
	s8 =	smov.u32 s15  }
0x22: {  	s16 =	simm.s32 @p3 $0x0;
	s12 =	smov.u32 s9;
	[sflag:s17] =	ssyncadd.s32 @!p1 $0xFFFFC000  }
0x23: {  	s9 =	smov.u32 s16;
	s11 =	sadd.s32 $0x1, s11;
	s10 =	smov.u32 s18  }
.LBB1_1:
0x24: {  	p1 =	sge.u32 s11, s6;
	s31 =	sadd.s32 $0xFFFFFFFF, s11  }
0x25: {  	s15 =	sxor.u32 @!p1 $0xFFFFFFFF, s11;
	s16 =	sand.u32 @!p1 $0x78, s8;
	s17 =	sshll.u32 @!p1 s9, $0xD  }
0x26: {  	s18 =	sshll.u32 @!p1 s9, $0x7;
	s19 =	sshll.u32 @!p1 s8, $0x3;
	s15 =	sshll.u32 @!p1 s15, $0xE  }
0x27: {  	s17 =	sand.u32 @!p1 $0xF0000, s17;
	s18 =	sand.u32 @!p1 $0x380, s18;
	s15 =	sand.u32 @!p1 $0x4000, s15  }
0x28: {  	s17 =	sadd.s32 @!p1 s17, s19;
	s19 =	sand.u32 @!p1 $0x1C00, s19;
	s16 =	sor.u32 @!p1 s18, s16  }
0x29: {  	s18 =	sshll.u32 @!p1 s10, $0x11;
	s16 =	sor.u32 @!p1 s19, s16;
	s17 =	sshrl.u32 @!p1 s17, $0x3  }
0x2a: {  	s18 =	sadd.s32 @!p1 s3, s18;
	s19 =	sand.u32 @!p1 $0x7, s8;
	s17 =	sand.u32 @!p1 $0x1FC00, s17  }
0x2b: {  	s16 =	sshrl.u32 @!p1 s16, $0x3;
	s17 =	sadd.s32 @!p1 s17, s18;
	s18 =	sshll.u32 @!p1 s19, $0x12  }
0x2c: {  	s16 =	sadd.s32 @!p1 s16, s17;
	s17 =	sor.u32 @!p1 $0x400, s18;
	s18 =	simm.s32 @!p1 $0x10000  }
0x2d: {  	[tilespmem:s15], [sflag:$0x1] =	stream.strided.gather @!p1 [hbm4b:s16+s17], $0x4000, s18, s17, $0x38;
	[tilespmem:$0x10100] =	vst v63  }
0x2e: {  	p1 =	sge.u32 s31, s6  }
.Ltmp2:
0x2f: {  	_ = 	snop;
	(pc) =	sbr.rel @p1 .LBB1_5-.Ltmp2, $1  }
0x30: {  	_ =	sdelay $0x3  }
0x31: {  	s15 =	simm.s32 $0x1  }
0x32: {  	_ =	swait.ge [sflag:s5], $0x4000;
	s15 =	simm.s32 @!p0 $0x0  }
0x33: {  	[sflag:s5] =	ssyncset.done $0x0;
	s16 =	sshll.u32 s15, $0xE  }
0x34: {  	[sflag:s5] =	ssyncadd.s32 $0xFFFFC000;
	s18 =	sor.u32 $0x40, s16  }
0x35: {  	s15 =	smul.u32 $0x10200, s15;
	v0 =	vld [tilespmem:s18+$0x30]  }
0x36: {  	v3 =	vld [tilespmem:s18+$0xFFFFFFD0]  }
0x37: {  	s15 =	sshrl.u32 s15, $0x2;
	v4 =	vld [tilespmem:s18+$0xFFFFFFE0]  }
0x38: {  	v5 =	vld [tilespmem:s18+$0xFFFFFFF0];
	s16 =	sor.u32 $0x8000, s15  }
0x39: {  	s31 =	sand.u32 $0x1, s11;
	v1 =	vld [tilespmem:s18+$0x0];
	s17 =	sadd.s32 $0x0, s16  }
0x3a: {  	v2 =	vld [tilespmem:s18+$0x10];
	s15 =	smul.u32 $0x10200, s31;
	[tilespmem:s17+$0x3870 ss:$0x81] =	vst.msk $0xffff, v0  }
0x3b: {  	[tilespmem:s17+$0x810 ss:$0x81] =	vst.msk $0xffff, v3;
	v3 =	vld [tilespmem:s18+$0x20]  }
0x3c: {  	s15 =	sshrl.u32 s15, $0x2;
	v0 =	vld [tilespmem:s18+$0xFFFFFFC0];
	[tilespmem:s17+$0x1020 ss:$0x81] =	vst.msk $0xffff, v4;
	s18 =	sadd.s32 $0x80, s18  }
0x3d: {  	s19 =	simm.s32 $0x4;
	s20 =	simm.s32 $0x8;
	s15 =	sor.u32 $0x8000, s15;
	[tilespmem:s17+$0x1830 ss:$0x81] =	vst.msk $0xffff, v5;
	v4 =	vld [tilespmem:s18+$0x30]  }
.LBB1_3:
0x3e: {  	p1 =	sne.s32 s20, $0x1FC;
	v5 =	vld [tilespmem:s18+$0xFFFFFFD0];
	[tilespmem:s17+$0x2040 ss:$0x81] =	vst.msk $0xffff, v1  }
0x3f: {  	v6 =	vld [tilespmem:s18+$0xFFFFFFE0];
	[tilespmem:s17+$0x2850 ss:$0x81] =	vst.msk $0xffff, v2  }
0x40: {  	s21 =	sshra.s32 s19, $0x2;
	s19 =	smov.u32 s20;
	v7 =	vld [tilespmem:s18+$0xFFFFFFF0];
	[tilespmem:s17+$0x3060 ss:$0x81] =	vst.msk $0xffff, v3  }
.Ltmp3:
0x41: {  	v1 =	vld [tilespmem:s18+$0x0];
	[tilespmem:s17+$0x0 ss:$0x81] =	vst.msk $0xffff, v0;
	s17 =	sadd.s32 s21, s16;
	(pc) =	sbr.rel @p1 .LBB1_3-.Ltmp3, $4  }
0x42: {  	v2 =	vld [tilespmem:s18+$0x10];
	[tilespmem:s17+$0x3870 ss:$0x81] =	vst.msk $0xffff, v4  }
0x43: {  	[tilespmem:s17+$0x810 ss:$0x81] =	vst.msk $0xffff, v5;
	v3 =	vld [tilespmem:s18+$0x20]  }
0x44: {  	v0 =	vld [tilespmem:s18+$0xFFFFFFC0];
	[tilespmem:s17+$0x1020 ss:$0x81] =	vst.msk $0xffff, v6;
	s18 =	sadd.s32 $0x80, s18  }
0x45: {  	s20 =	sadd.s32 $0x4, s20;
	v4 =	vld [tilespmem:s18+$0x30];
	[tilespmem:s17+$0x1830 ss:$0x81] =	vst.msk $0xffff, v7  }
.Ltmp4:
0x46: {  	_ = 	snop;
	(pc) =	sbr.rel .LBB1_4-.Ltmp4, $1  }
0x47: {  	_ =	sdelay $0x3  }
.LBB1_6:
0x48: {  	_ =	sfence.sel $0x180000  }
0x49: {  	s2 =	simm.s32 $0x1;
	[bflag:$0x0] =	sbarrier.arrive $0xFFFF  }
0x4a: {  	s31 =	simm.s32 $0x2;
	[sflag:s2] =	ssyncpa.u1 $0x1  }
0x4b: {  	[sflag:s31] =	ssyncpa.u1 $0x1  }
0x4c: {  	p0 =	sne.s32 s1, $0x0;
	_ =	strace $0x9000004D  }
0x4d: {  	s0 =	sadd.s32 @!p0 $0x100000, s0;
	[bflag:$0x2] =	sbarrier.arrive $0xFFFF  }
0x4e: {  	[sflag:s0] =	ssyncadd.tile.s32 @!p0 $0x1;
	_ =	shalt  }
.Lfunc_end1:
_tile_overlayer_lowered:
.L_overlay_start_2:
0x4f: {  	(tag) =	ssettag $0x2  }
0x50: {  	s0 =	rddreg [dreg:$0x0];
	s2 =	stileid.u32  }
0x51: {  	s1 =	rddreg [dreg:$0x1];
	p0 =	sne.s32 s2, $0x0  }
0x52: {  	s3 =	rddreg [dreg:$0x2];
	[bflag:$0x3] =	sbarrier.arrive $0xFFFF;
	s2 =	simm.s32 @!p0 $0x1C01  }
0x53: {  	[timem:s3], [sflag:s2] =	dma.local @!p0 [hbm:s0], s1  }
0x54: {  	s0 =	simm.s32 @!p0 $0x1  }
0x55: {  	_ =	swait.ge @!p0 [sflag:s0], s1  }
0x56: {  	s1 =	ssub.s32 @!p0 $0x0, s1;
	[sflag:s0] =	ssyncset.done @!p0 $0x0  }
0x57: {  	[sflag:s0] =	ssyncadd.s32 @!p0 s1  }
0x58: {  	[bflag:$0x3] =	sbarrier.arrive $0xFFFF  }
0x59: {  	_ =	shalt  }

</sc_bundles>
